<compile_context>
chip_gen: v7x
topology: tpu7x:2x2x1
jax: 0.10.2.dev20260603
libtpu: 0.0.44.dev20260713+nightly
codegen_flags: <defaults>
</compile_context>

<pallas_src>
import jax
import jax.numpy as jnp
from jax import lax
from jax.experimental import pallas as pl
from jax.experimental.pallas import tpu as pltpu
from jax.experimental.pallas import tpu_sc as plsc

_N = 10000
_E = 320000
_D = 128
_G = 64
_DO = 16

_NC = 2
_NS = 16
_NW = _NC * _NS
_K = 80
_CH = 125
_EPW = _CH * _K
_NP = 10240
_RPT = _NP // _NS


def _segsum_body(t_hbm, s_hbm, d_hbm, out_hbm, didx, sidx, rows0, rows1,
                 acc, dsem, g0sem, g1sem):
    c = lax.axis_index("c")
    s = lax.axis_index("s")
    wid = c * _NS + s

    cp_d = pltpu.async_copy(d_hbm.at[wid], didx, dsem)
    cp_s = pltpu.async_copy(s_hbm.at[wid], sidx, dsem)

    def zrow(r, carry):
        for j in range(_D // 16):
            rows0[r, pl.ds(j * 16, 16)] = jnp.zeros((16,), jnp.float32)
        return carry
    lax.fori_loop(0, _K, zrow, 0)
    for j in range(_RPT // _K):
        pltpu.sync_copy(rows0, acc.at[pl.ds(s * _RPT + j * _K, _K)])
    cp_d.wait()
    cp_s.wait()
    plsc.subcore_barrier()

    pltpu.async_copy(t_hbm.at[sidx.at[pl.ds(0, _K)]], rows0, g0sem)

    def body(j, carry):
        i0 = 2 * j
        i1 = 2 * j + 1

        pltpu.async_copy(t_hbm.at[sidx.at[pl.ds(i1 * _K, _K)]], rows1, g1sem)
        pltpu.make_async_copy(t_hbm.at[sidx.at[pl.ds(i0 * _K, _K)]], rows0,
                              g0sem).wait()
        pltpu.sync_copy(rows0, acc.at[didx.at[i0]], add=True)

        @pl.when(i0 + 2 < _CH)
        def _g0():
            pltpu.async_copy(t_hbm.at[sidx.at[pl.ds((i0 + 2) * _K, _K)]],
                             rows0, g0sem)

        pltpu.make_async_copy(t_hbm.at[sidx.at[pl.ds(i1 * _K, _K)]], rows1,
                              g1sem).wait()
        pltpu.sync_copy(rows1, acc.at[didx.at[i1]], add=True)

        return carry
    lax.fori_loop(0, _CH // 2, body, 0)

    last = _CH - 1
    pltpu.make_async_copy(t_hbm.at[sidx.at[pl.ds(last * _K, _K)]], rows0,
                          g0sem).wait()
    pltpu.sync_copy(rows0, acc.at[didx.at[last]], add=True)

    plsc.subcore_barrier()
    pltpu.sync_copy(acc.at[pl.ds(s * _RPT, _RPT)],
                    out_hbm.at[pl.ds(c * _NP + s * _RPT, _RPT)])


_segsum = pl.kernel(
    _segsum_body,
    out_type=jax.ShapeDtypeStruct((_NC * _NP, _D), jnp.float32),
    mesh=plsc.VectorSubcoreMesh(core_axis_name="c", subcore_axis_name="s"),
    scratch_types=[
        pltpu.VMEM((_CH, _K), jnp.int32),
        pltpu.VMEM((_EPW,), jnp.int32),
        pltpu.VMEM((_K, _D), jnp.float32),
        pltpu.VMEM((_K, _D), jnp.float32),
        pltpu.VMEM_SHARED((_NP, _D), jnp.float32),
        pltpu.SemaphoreType.DMA,
        pltpu.SemaphoreType.DMA,
        pltpu.SemaphoreType.DMA,
    ],
)

_BLK = 1000


def _combine_body(t_ref, p0_ref, p1_ref, w_ref, b_ref, o_ref):
    z = t_ref[...] + p0_ref[...] + p1_ref[...]
    o_ref[...] = jnp.maximum(
        jnp.dot(z, w_ref[...], preferred_element_type=jnp.float32)
        + b_ref[...], 0.0)


def _combine(t, p0, p1, w, b):
    return pl.pallas_call(
        _combine_body,
        grid=(_N // _BLK,),
        in_specs=[pl.BlockSpec((_BLK, _D), lambda i: (i, 0)),
                  pl.BlockSpec((_BLK, _D), lambda i: (i, 0)),
                  pl.BlockSpec((_BLK, _D), lambda i: (i, 0)),
                  pl.BlockSpec((_D, _D), lambda i: (0, 0)),
                  pl.BlockSpec((1, _D), lambda i: (0, 0))],
        out_specs=pl.BlockSpec((_BLK, _D), lambda i: (i, 0)),
        out_shape=jax.ShapeDtypeStruct((_N, _D), jnp.float32),
    )(t, p0, p1, w, b)


def _pool_body(t_ref, p0_ref, p1_ref, w_ref, b_ref, batch_ref, wfc_ref,
               bfc_ref, o_ref, sums, cnt):
    i = pl.program_id(0)

    @pl.when(i == 0)
    def _init():
        sums[...] = jnp.zeros_like(sums)
        cnt[...] = jnp.zeros_like(cnt)

    z = t_ref[...] + p0_ref[...] + p1_ref[...]
    h = jnp.maximum(
        jnp.dot(z, w_ref[...], preferred_element_type=jnp.float32)
        + b_ref[...], 0.0)
    gids = lax.broadcasted_iota(jnp.int32, (_BLK, _G), 1)
    oh = (batch_ref[...] == gids).astype(jnp.float32)
    sums[...] += lax.dot_general(oh, h, (((0,), (0,)), ((), ())),
                                 preferred_element_type=jnp.float32)
    cnt[...] += lax.dot_general(oh, jnp.ones((_BLK, _D), jnp.float32),
                                (((0,), (0,)), ((), ())),
                                preferred_element_type=jnp.float32)

    @pl.when(i == _N // _BLK - 1)
    def _fin():
        pooled = sums[...] / jnp.maximum(cnt[...], 1.0)
        o_ref[...] = jnp.dot(pooled, wfc_ref[...],
                             preferred_element_type=jnp.float32) + bfc_ref[...]


def _pool(t, p0, p1, w, b, batch2, wfc, bfc):
    return pl.pallas_call(
        _pool_body,
        grid=(_N // _BLK,),
        in_specs=[pl.BlockSpec((_BLK, _D), lambda i: (i, 0)),
                  pl.BlockSpec((_BLK, _D), lambda i: (i, 0)),
                  pl.BlockSpec((_BLK, _D), lambda i: (i, 0)),
                  pl.BlockSpec((_D, _D), lambda i: (0, 0)),
                  pl.BlockSpec((1, _D), lambda i: (0, 0)),
                  pl.BlockSpec((_BLK, 1), lambda i: (i, 0)),
                  pl.BlockSpec((_D, _DO), lambda i: (0, 0)),
                  pl.BlockSpec((1, _DO), lambda i: (0, 0))],
        out_specs=pl.BlockSpec((_G, _DO), lambda i: (0, 0)),
        out_shape=jax.ShapeDtypeStruct((_G, _DO), jnp.float32),
        scratch_shapes=[pltpu.VMEM((_G, _D), jnp.float32),
                        pltpu.VMEM((_G, _D), jnp.float32)],
    )(t, p0, p1, w, b, batch2, wfc, bfc)


def kernel(x, edge_index, batch, W1, b1, W2, b2, W3, b3, Wfc, bfc):
    src2 = edge_index[0].reshape(_NW, _EPW)
    dst2 = edge_index[1].reshape(_NW, _CH, _K)
    batch2 = batch.reshape(_N, 1)
    b1r = b1.reshape(1, _D)
    b2r = b2.reshape(1, _D)
    b3r = b3.reshape(1, _D)
    bfcr = bfc.reshape(1, _DO)

    s1 = _segsum(x, src2, dst2)
    h1 = _combine(x, s1[:_N], s1[_NP:_NP + _N], W1, b1r)
    s2 = _segsum(h1, src2, dst2)
    h2 = _combine(h1, s2[:_N], s2[_NP:_NP + _N], W2, b2r)
    s3 = _segsum(h2, src2, dst2)
    return _pool(h2, s3[:_N], s3[_NP:_NP + _N], W3, b3r, batch2, Wfc, bfcr)

# --- scband reference (transcript-rebuilt; emitter-appended) ---
"""Pipeline reference for scband-gin-22960895164529 (READ-ONLY COPY).

The authoritative reference and input builder live on the scoring server;
editing this copy changes nothing except your own understanding.
"""

import jax, jax.numpy as jnp
import numpy as np

N = 10000
E = 320000
D_IN = 128
D_H = 128
D_OUT = 16
G = 64
EPS = 0.0  # GINConv default eps


def setup_inputs(seed: int = 0) -> dict:
    key = jax.random.key(seed)
    ks = jax.random.split(key, 12)
    x = jax.random.normal(ks[0], (N, D_IN), dtype=jnp.float32)
    edge_index = jax.random.randint(ks[1], (2, E), 0, N, dtype=jnp.int32)
    batch = jnp.sort(jax.random.randint(ks[2], (N,), 0, G, dtype=jnp.int32))
    def lin(k, fan_in, fan_out):
        kw, kb = jax.random.split(k)
        bound = 1.0 / np.sqrt(fan_in)
        W = jax.random.uniform(kw, (fan_in, fan_out), jnp.float32, -bound, bound)
        b = jax.random.uniform(kb, (fan_out,), jnp.float32, -bound, bound)
        return W, b
    W1, b1 = lin(ks[3], D_IN, D_H)
    W2, b2 = lin(ks[4], D_H, D_H)
    W3, b3 = lin(ks[5], D_H, D_H)
    Wfc, bfc = lin(ks[6], D_H, D_OUT)
    return {"x": x, "edge_index": edge_index, "batch": batch,
            "W1": W1, "b1": b1, "W2": W2, "b2": b2,
            "W3": W3, "b3": b3, "Wfc": Wfc, "bfc": bfc}


def _gin_conv(h, src, dst, W, b):
    # sum-aggregate neighbor messages at dst, then MLP((1+eps)*x + agg)
    agg = jax.ops.segment_sum(h[src], dst, num_segments=N)
    return ((1.0 + EPS) * h + agg) @ W + b


def reference(x, edge_index, batch, W1, b1, W2, b2, W3, b3, Wfc, bfc):
    src = edge_index[0]
    dst = edge_index[1]
    h = jax.nn.relu(_gin_conv(x, src, dst, W1, b1))
    h = jax.nn.relu(_gin_conv(h, src, dst, W2, b2))
    h = jax.nn.relu(_gin_conv(h, src, dst, W3, b3))
    # global_mean_pool over graph ids
    sums = jax.ops.segment_sum(h, batch, num_segments=G)
    cnt = jax.ops.segment_sum(jnp.ones((N, 1), jnp.float32), batch, num_segments=G)
    pooled = sums / jnp.maximum(cnt, 1.0)
    # dropout is identity in eval mode
    logits = pooled @ Wfc + bfc
    return logits

if __name__ == "__main__":
    import jax
    _d = setup_inputs()
    print(jax.jit(kernel)(*tuple(_d.values())))

</pallas_src>

<mosaic_0001>
#map = affine_map<(d0, d1) -> (0, 0)>
#map1 = affine_map<(d0, d1) -> (0, 0, 0)>
module attributes {stable_mosaic.version = 14 : i64} {
  func.func @_segsum_body(%arg0: i32, %arg1: i32, %arg2: memref<10000x128xf32, #tpu.memory_space<hbm>>, %arg3: memref<32x10000xi32, #tpu.memory_space<hbm>>, %arg4: memref<32x125x80xi32, #tpu.memory_space<hbm>>, %arg5: memref<20480x128xf32, #tpu.memory_space<hbm>>, %arg6: memref<125x80xi32, #tpu.memory_space<vmem>>, %arg7: memref<10000xi32, #tpu.memory_space<vmem>>, %arg8: memref<80x128xf32, #tpu.memory_space<vmem>>, %arg9: memref<80x128xf32, #tpu.memory_space<vmem>>, %arg10: memref<10240x128xf32, #tpu.memory_space<vmem_shared>>, %arg11: memref<!tpu.dma_semaphore, #tpu.memory_space<semaphore_mem>>, %arg12: memref<!tpu.dma_semaphore, #tpu.memory_space<semaphore_mem>>, %arg13: memref<!tpu.dma_semaphore, #tpu.memory_space<semaphore_mem>>) attributes {dimension_semantics = [#tpu.dimension_semantics<core_parallel>, #tpu.dimension_semantics<subcore_parallel>], iteration_bounds = array<i64: 2, 16>, scalar_prefetch = 0 : i64, scratch_operands = 8 : i64, tpu.core_type = #tpu.core_type<sc_vector_subcore>, window_params = [{transform_indices = #map}, {transform_indices = #map}, {transform_indices = #map1}, {transform_indices = #map}]} {
    %mul3A = arith.constant 16 : i32
    %mul3A_0 = arith.muli %arg0, %mul3A : i32
    %add3A = arith.addi %mul3A_0, %arg1 : i32
    %dma_start3A = arith.constant 0 : i32
    %dma_start3A_1 = arith.constant 0 : i32
    %dma_start3A_2 = tpu.memref_slice %arg4[%add3A, %dma_start3A, %dma_start3A_1] : memref<32x125x80xi32, #tpu.memory_space<hbm>> -> memref<1x125x80xi32, #tpu.memory_space<hbm>>
    %dma_start3A_3 = tpu.memref_squeeze %dma_start3A_2 : memref<1x125x80xi32, #tpu.memory_space<hbm>> -> memref<125x80xi32, #tpu.memory_space<hbm>>
    %dma_start3A_4 = arith.constant 0 : i32
    %dma_start3A_5 = arith.constant 0 : i32
    %dma_start3A_6 = tpu.memref_slice %arg4[%add3A, %dma_start3A_4, %dma_start3A_5] : memref<32x125x80xi32, #tpu.memory_space<hbm>> -> memref<1x125x80xi32, #tpu.memory_space<hbm>>
    %dma_start3A_7 = tpu.memref_squeeze %dma_start3A_6 : memref<1x125x80xi32, #tpu.memory_space<hbm>> -> memref<125x80xi32, #tpu.memory_space<hbm>>
    tpu.enqueue_dma source(%dma_start3A_7 : memref<125x80xi32, #tpu.memory_space<hbm>>) target(%arg6 : memref<125x80xi32, #tpu.memory_space<vmem>>) target_semaphore(%arg11 : memref<!tpu.dma_semaphore, #tpu.memory_space<semaphore_mem>>)
    %dma_start3A_8 = arith.constant 0 : i32
    %dma_start3A_9 = tpu.memref_slice %arg3[%add3A, %dma_start3A_8] : memref<32x10000xi32, #tpu.memory_space<hbm>> -> memref<1x10000xi32, #tpu.memory_space<hbm>>
    %dma_start3A_10 = tpu.memref_squeeze %dma_start3A_9 : memref<1x10000xi32, #tpu.memory_space<hbm>> -> memref<10000xi32, #tpu.memory_space<hbm>>
    %dma_start3A_11 = arith.constant 0 : i32
    %dma_start3A_12 = tpu.memref_slice %arg3[%add3A, %dma_start3A_11] : memref<32x10000xi32, #tpu.memory_space<hbm>> -> memref<1x10000xi32, #tpu.memory_space<hbm>>
    %dma_start3A_13 = tpu.memref_squeeze %dma_start3A_12 : memref<1x10000xi32, #tpu.memory_space<hbm>> -> memref<10000xi32, #tpu.memory_space<hbm>>
    tpu.enqueue_dma source(%dma_start3A_13 : memref<10000xi32, #tpu.memory_space<hbm>>) target(%arg7 : memref<10000xi32, #tpu.memory_space<vmem>>) target_semaphore(%arg11 : memref<!tpu.dma_semaphore, #tpu.memory_space<semaphore_mem>>)
    %scan3A = arith.constant 0 : i32
    %scan3A_14 = arith.constant 0 : i32
    %scan3A_15 = arith.constant 80 : i32
    %scan3A_16 = arith.addi %scan3A_14, %scan3A_15 : i32
    %scan3A_17 = arith.constant 1 : i32
    scf.for %scan3A_88 = %scan3A_14 to %scan3A_16 step %scan3A_17  : i32 {
      %broadcast_in_dim3A = arith.constant 0.000000e+00 : f32
      %broadcast_in_dim3A_89 = vector.broadcast %broadcast_in_dim3A : f32 to vector<16xf32>
      %swap3A = arith.index_cast %scan3A_88 : i32 to index
      %swap3A_90 = arith.constant 0 : index
      %swap3A_91 = tpu.vector_load %arg8[%swap3A, %swap3A_90] {strides = array<i32>} : memref<80x128xf32, #tpu.memory_space<vmem>>, vector<1x16xf32>,
      %swap3A_92 = vector.shape_cast %swap3A_91 : vector<1x16xf32> to vector<16xf32>
      %swap3A_93 = vector.shape_cast %broadcast_in_dim3A_89 : vector<16xf32> to vector<1x16xf32>
      tpu.vector_store %arg8[%swap3A, %swap3A_90], %swap3A_93 {strides = array<i32>} : memref<80x128xf32, #tpu.memory_space<vmem>>, vector<1x16xf32>,
      %broadcast_in_dim3A_94 = arith.constant 0.000000e+00 : f32
      %broadcast_in_dim3A_95 = vector.broadcast %broadcast_in_dim3A_94 : f32 to vector<16xf32>
      %swap3A_96 = arith.index_cast %scan3A_88 : i32 to index
      %swap3A_97 = arith.constant 16 : index
      %swap3A_98 = tpu.vector_load %arg8[%swap3A_96, %swap3A_97] {strides = array<i32>} : memref<80x128xf32, #tpu.memory_space<vmem>>, vector<1x16xf32>,
      %swap3A_99 = vector.shape_cast %swap3A_98 : vector<1x16xf32> to vector<16xf32>
      %swap3A_100 = vector.shape_cast %broadcast_in_dim3A_95 : vector<16xf32> to vector<1x16xf32>
      tpu.vector_store %arg8[%swap3A_96, %swap3A_97], %swap3A_100 {strides = array<i32>} : memref<80x128xf32, #tpu.memory_space<vmem>>, vector<1x16xf32>,
      %broadcast_in_dim3A_101 = arith.constant 0.000000e+00 : f32
      %broadcast_in_dim3A_102 = vector.broadcast %broadcast_in_dim3A_101 : f32 to vector<16xf32>
      %swap3A_103 = arith.index_cast %scan3A_88 : i32 to index
      %swap3A_104 = arith.constant 32 : index
      %swap3A_105 = tpu.vector_load %arg8[%swap3A_103, %swap3A_104] {strides = array<i32>} : memref<80x128xf32, #tpu.memory_space<vmem>>, vector<1x16xf32>,
      %swap3A_106 = vector.shape_cast %swap3A_105 : vector<1x16xf32> to vector<16xf32>
      %swap3A_107 = vector.shape_cast %broadcast_in_dim3A_102 : vector<16xf32> to vector<1x16xf32>
      tpu.vector_store %arg8[%swap3A_103, %swap3A_104], %swap3A_107 {strides = array<i32>} : memref<80x128xf32, #tpu.memory_space<vmem>>, vector<1x16xf32>,
      %broadcast_in_dim3A_108 = arith.constant 0.000000e+00 : f32
      %broadcast_in_dim3A_109 = vector.broadcast %broadcast_in_dim3A_108 : f32 to vector<16xf32>
      %swap3A_110 = arith.index_cast %scan3A_88 : i32 to index
      %swap3A_111 = arith.constant 48 : index
      %swap3A_112 = tpu.vector_load %arg8[%swap3A_110, %swap3A_111] {strides = array<i32>} : memref<80x128xf32, #tpu.memory_space<vmem>>, vector<1x16xf32>,
      %swap3A_113 = vector.shape_cast %swap3A_112 : vector<1x16xf32> to vector<16xf32>
      %swap3A_114 = vector.shape_cast %broadcast_in_dim3A_109 : vector<16xf32> to vector<1x16xf32>
      tpu.vector_store %arg8[%swap3A_110, %swap3A_111], %swap3A_114 {strides = array<i32>} : memref<80x128xf32, #tpu.memory_space<vmem>>, vector<1x16xf32>,
      %broadcast_in_dim3A_115 = arith.constant 0.000000e+00 : f32
      %broadcast_in_dim3A_116 = vector.broadcast %broadcast_in_dim3A_115 : f32 to vector<16xf32>
      %swap3A_117 = arith.index_cast %scan3A_88 : i32 to index
      %swap3A_118 = arith.constant 64 : index
      %swap3A_119 = tpu.vector_load %arg8[%swap3A_117, %swap3A_118] {strides = array<i32>} : memref<80x128xf32, #tpu.memory_space<vmem>>, vector<1x16xf32>,
      %swap3A_120 = vector.shape_cast %swap3A_119 : vector<1x16xf32> to vector<16xf32>
      %swap3A_121 = vector.shape_cast %broadcast_in_dim3A_116 : vector<16xf32> to vector<1x16xf32>
      tpu.vector_store %arg8[%swap3A_117, %swap3A_118], %swap3A_121 {strides = array<i32>} : memref<80x128xf32, #tpu.memory_space<vmem>>, vector<1x16xf32>,
      %broadcast_in_dim3A_122 = arith.constant 0.000000e+00 : f32
      %broadcast_in_dim3A_123 = vector.broadcast %broadcast_in_dim3A_122 : f32 to vector<16xf32>
      %swap3A_124 = arith.index_cast %scan3A_88 : i32 to index
      %swap3A_125 = arith.constant 80 : index
      %swap3A_126 = tpu.vector_load %arg8[%swap3A_124, %swap3A_125] {strides = array<i32>} : memref<80x128xf32, #tpu.memory_space<vmem>>, vector<1x16xf32>,
      %swap3A_127 = vector.shape_cast %swap3A_126 : vector<1x16xf32> to vector<16xf32>
      %swap3A_128 = vector.shape_cast %broadcast_in_dim3A_123 : vector<16xf32> to vector<1x16xf32>
      tpu.vector_store %arg8[%swap3A_124, %swap3A_125], %swap3A_128 {strides = array<i32>} : memref<80x128xf32, #tpu.memory_space<vmem>>, vector<1x16xf32>,
      %broadcast_in_dim3A_129 = arith.constant 0.000000e+00 : f32
      %broadcast_in_dim3A_130 = vector.broadcast %broadcast_in_dim3A_129 : f32 to vector<16xf32>
      %swap3A_131 = arith.index_cast %scan3A_88 : i32 to index
      %swap3A_132 = arith.constant 96 : index
      %swap3A_133 = tpu.vector_load %arg8[%swap3A_131, %swap3A_132] {strides = array<i32>} : memref<80x128xf32, #tpu.memory_space<vmem>>, vector<1x16xf32>,
      %swap3A_134 = vector.shape_cast %swap3A_133 : vector<1x16xf32> to vector<16xf32>
      %swap3A_135 = vector.shape_cast %broadcast_in_dim3A_130 : vector<16xf32> to vector<1x16xf32>
      tpu.vector_store %arg8[%swap3A_131, %swap3A_132], %swap3A_135 {strides = array<i32>} : memref<80x128xf32, #tpu.memory_space<vmem>>, vector<1x16xf32>,
      %broadcast_in_dim3A_136 = arith.constant 0.000000e+00 : f32
      %broadcast_in_dim3A_137 = vector.broadcast %broadcast_in_dim3A_136 : f32 to vector<16xf32>
      %swap3A_138 = arith.index_cast %scan3A_88 : i32 to index
      %swap3A_139 = arith.constant 112 : index
      %swap3A_140 = tpu.vector_load %arg8[%swap3A_138, %swap3A_139] {strides = array<i32>} : memref<80x128xf32, #tpu.memory_space<vmem>>, vector<1x16xf32>,
      %swap3A_141 = vector.shape_cast %swap3A_140 : vector<1x16xf32> to vector<16xf32>
      %swap3A_142 = vector.shape_cast %broadcast_in_dim3A_137 : vector<16xf32> to vector<1x16xf32>
      tpu.vector_store %arg8[%swap3A_138, %swap3A_139], %swap3A_142 {strides = array<i32>} : memref<80x128xf32, #tpu.memory_space<vmem>>, vector<1x16xf32>,
    }
    %scan3A_18 = arith.constant 80 : i32
    %mul3A_19 = arith.constant 640 : i32
    %mul3A_20 = arith.muli %arg1, %mul3A_19 : i32
    %add3A_21 = arith.constant 0 : i32
    %add3A_22 = arith.addi %mul3A_20, %add3A_21 : i32
    "tpu.region"() ({
      %run_scoped3A_88 = tpu.sem_alloc : memref<!tpu.dma_semaphore, #tpu.memory_space<semaphore_mem>>
      %dma_start3A_89 = arith.constant 0 : i32
      %dma_start3A_90 = tpu.memref_slice %arg10[%add3A_22, %dma_start3A_89] : memref<10240x128xf32, #tpu.memory_space<vmem_shared>> -> memref<80x128xf32, #tpu.memory_space<vmem_shared>>
      %dma_start3A_91 = arith.constant 0 : i32
      %dma_start3A_92 = tpu.memref_slice %arg10[%add3A_22, %dma_start3A_91] : memref<10240x128xf32, #tpu.memory_space<vmem_shared>> -> memref<80x128xf32, #tpu.memory_space<vmem_shared>>
      tpu.enqueue_dma source(%arg8 : memref<80x128xf32, #tpu.memory_space<vmem>>) target(%dma_start3A_92 : memref<80x128xf32, #tpu.memory_space<vmem_shared>>) target_semaphore(%run_scoped3A_88 : memref<!tpu.dma_semaphore, #tpu.memory_space<semaphore_mem>>)
      %dma_wait3A_93 = arith.constant 0 : i32
      %dma_wait3A_94 = tpu.memref_slice %arg10[%add3A_22, %dma_wait3A_93] : memref<10240x128xf32, #tpu.memory_space<vmem_shared>> -> memref<80x128xf32, #tpu.memory_space<vmem_shared>>
      %dma_wait3A_95 = arith.constant 0 : i32
      %dma_wait3A_96 = tpu.memref_slice %arg10[%add3A_22, %dma_wait3A_95] : memref<10240x128xf32, #tpu.memory_space<vmem_shared>> -> memref<80x128xf32, #tpu.memory_space<vmem_shared>>
      tpu.wait_dma2 semaphore(%run_scoped3A_88 : memref<!tpu.dma_semaphore, #tpu.memory_space<semaphore_mem>>) src(%arg8 : memref<80x128xf32, #tpu.memory_space<vmem>>) dst(%dma_wait3A_96 : memref<80x128xf32, #tpu.memory_space<vmem_shared>>)
      tpu.yield
    }) : () -> ()
    %mul3A_23 = arith.constant 640 : i32
    %mul3A_24 = arith.muli %arg1, %mul3A_23 : i32
    %add3A_25 = arith.constant 80 : i32
    %add3A_26 = arith.addi %mul3A_24, %add3A_25 : i32
    "tpu.region"() ({
      %run_scoped3A_88 = tpu.sem_alloc : memref<!tpu.dma_semaphore, #tpu.memory_space<semaphore_mem>>
      %dma_start3A_89 = arith.constant 0 : i32
      %dma_start3A_90 = tpu.memref_slice %arg10[%add3A_26, %dma_start3A_89] : memref<10240x128xf32, #tpu.memory_space<vmem_shared>> -> memref<80x128xf32, #tpu.memory_space<vmem_shared>>
      %dma_start3A_91 = arith.constant 0 : i32
      %dma_start3A_92 = tpu.memref_slice %arg10[%add3A_26, %dma_start3A_91] : memref<10240x128xf32, #tpu.memory_space<vmem_shared>> -> memref<80x128xf32, #tpu.memory_space<vmem_shared>>
      tpu.enqueue_dma source(%arg8 : memref<80x128xf32, #tpu.memory_space<vmem>>) target(%dma_start3A_92 : memref<80x128xf32, #tpu.memory_space<vmem_shared>>) target_semaphore(%run_scoped3A_88 : memref<!tpu.dma_semaphore, #tpu.memory_space<semaphore_mem>>)
      %dma_wait3A_93 = arith.constant 0 : i32
      %dma_wait3A_94 = tpu.memref_slice %arg10[%add3A_26, %dma_wait3A_93] : memref<10240x128xf32, #tpu.memory_space<vmem_shared>> -> memref<80x128xf32, #tpu.memory_space<vmem_shared>>
      %dma_wait3A_95 = arith.constant 0 : i32
      %dma_wait3A_96 = tpu.memref_slice %arg10[%add3A_26, %dma_wait3A_95] : memref<10240x128xf32, #tpu.memory_space<vmem_shared>> -> memref<80x128xf32, #tpu.memory_space<vmem_shared>>
      tpu.wait_dma2 semaphore(%run_scoped3A_88 : memref<!tpu.dma_semaphore, #tpu.memory_space<semaphore_mem>>) src(%arg8 : memref<80x128xf32, #tpu.memory_space<vmem>>) dst(%dma_wait3A_96 : memref<80x128xf32, #tpu.memory_space<vmem_shared>>)
      tpu.yield
    }) : () -> ()
    %mul3A_27 = arith.constant 640 : i32
    %mul3A_28 = arith.muli %arg1, %mul3A_27 : i32
    %add3A_29 = arith.constant 160 : i32
    %add3A_30 = arith.addi %mul3A_28, %add3A_29 : i32
    "tpu.region"() ({
      %run_scoped3A_88 = tpu.sem_alloc : memref<!tpu.dma_semaphore, #tpu.memory_space<semaphore_mem>>
      %dma_start3A_89 = arith.constant 0 : i32
      %dma_start3A_90 = tpu.memref_slice %arg10[%add3A_30, %dma_start3A_89] : memref<10240x128xf32, #tpu.memory_space<vmem_shared>> -> memref<80x128xf32, #tpu.memory_space<vmem_shared>>
      %dma_start3A_91 = arith.constant 0 : i32
      %dma_start3A_92 = tpu.memref_slice %arg10[%add3A_30, %dma_start3A_91] : memref<10240x128xf32, #tpu.memory_space<vmem_shared>> -> memref<80x128xf32, #tpu.memory_space<vmem_shared>>
      tpu.enqueue_dma source(%arg8 : memref<80x128xf32, #tpu.memory_space<vmem>>) target(%dma_start3A_92 : memref<80x128xf32, #tpu.memory_space<vmem_shared>>) target_semaphore(%run_scoped3A_88 : memref<!tpu.dma_semaphore, #tpu.memory_space<semaphore_mem>>)
      %dma_wait3A_93 = arith.constant 0 : i32
      %dma_wait3A_94 = tpu.memref_slice %arg10[%add3A_30, %dma_wait3A_93] : memref<10240x128xf32, #tpu.memory_space<vmem_shared>> -> memref<80x128xf32, #tpu.memory_space<vmem_shared>>
      %dma_wait3A_95 = arith.constant 0 : i32
      %dma_wait3A_96 = tpu.memref_slice %arg10[%add3A_30, %dma_wait3A_95] : memref<10240x128xf32, #tpu.memory_space<vmem_shared>> -> memref<80x128xf32, #tpu.memory_space<vmem_shared>>
      tpu.wait_dma2 semaphore(%run_scoped3A_88 : memref<!tpu.dma_semaphore, #tpu.memory_space<semaphore_mem>>) src(%arg8 : memref<80x128xf32, #tpu.memory_space<vmem>>) dst(%dma_wait3A_96 : memref<80x128xf32, #tpu.memory_space<vmem_shared>>)
      tpu.yield
    }) : () -> ()
    %mul3A_31 = arith.constant 640 : i32
    %mul3A_32 = arith.muli %arg1, %mul3A_31 : i32
    %add3A_33 = arith.constant 240 : i32
    %add3A_34 = arith.addi %mul3A_32, %add3A_33 : i32
    "tpu.region"() ({
      %run_scoped3A_88 = tpu.sem_alloc : memref<!tpu.dma_semaphore, #tpu.memory_space<semaphore_mem>>
      %dma_start3A_89 = arith.constant 0 : i32
      %dma_start3A_90 = tpu.memref_slice %arg10[%add3A_34, %dma_start3A_89] : memref<10240x128xf32, #tpu.memory_space<vmem_shared>> -> memref<80x128xf32, #tpu.memory_space<vmem_shared>>
      %dma_start3A_91 = arith.constant 0 : i32
      %dma_start3A_92 = tpu.memref_slice %arg10[%add3A_34, %dma_start3A_91] : memref<10240x128xf32, #tpu.memory_space<vmem_shared>> -> memref<80x128xf32, #tpu.memory_space<vmem_shared>>
      tpu.enqueue_dma source(%arg8 : memref<80x128xf32, #tpu.memory_space<vmem>>) target(%dma_start3A_92 : memref<80x128xf32, #tpu.memory_space<vmem_shared>>) target_semaphore(%run_scoped3A_88 : memref<!tpu.dma_semaphore, #tpu.memory_space<semaphore_mem>>)
      %dma_wait3A_93 = arith.constant 0 : i32
      %dma_wait3A_94 = tpu.memref_slice %arg10[%add3A_34, %dma_wait3A_93] : memref<10240x128xf32, #tpu.memory_space<vmem_shared>> -> memref<80x128xf32, #tpu.memory_space<vmem_shared>>
      %dma_wait3A_95 = arith.constant 0 : i32
      %dma_wait3A_96 = tpu.memref_slice %arg10[%add3A_34, %dma_wait3A_95] : memref<10240x128xf32, #tpu.memory_space<vmem_shared>> -> memref<80x128xf32, #tpu.memory_space<vmem_shared>>
      tpu.wait_dma2 semaphore(%run_scoped3A_88 : memref<!tpu.dma_semaphore, #tpu.memory_space<semaphore_mem>>) src(%arg8 : memref<80x128xf32, #tpu.memory_space<vmem>>) dst(%dma_wait3A_96 : memref<80x128xf32, #tpu.memory_space<vmem_shared>>)
      tpu.yield
    }) : () -> ()
    %mul3A_35 = arith.constant 640 : i32
    %mul3A_36 = arith.muli %arg1, %mul3A_35 : i32
    %add3A_37 = arith.constant 320 : i32
    %add3A_38 = arith.addi %mul3A_36, %add3A_37 : i32
    "tpu.region"() ({
      %run_scoped3A_88 = tpu.sem_alloc : memref<!tpu.dma_semaphore, #tpu.memory_space<semaphore_mem>>
      %dma_start3A_89 = arith.constant 0 : i32
      %dma_start3A_90 = tpu.memref_slice %arg10[%add3A_38, %dma_start3A_89] : memref<10240x128xf32, #tpu.memory_space<vmem_shared>> -> memref<80x128xf32, #tpu.memory_space<vmem_shared>>
      %dma_start3A_91 = arith.constant 0 : i32
      %dma_start3A_92 = tpu.memref_slice %arg10[%add3A_38, %dma_start3A_91] : memref<10240x128xf32, #tpu.memory_space<vmem_shared>> -> memref<80x128xf32, #tpu.memory_space<vmem_shared>>
      tpu.enqueue_dma source(%arg8 : memref<80x128xf32, #tpu.memory_space<vmem>>) target(%dma_start3A_92 : memref<80x128xf32, #tpu.memory_space<vmem_shared>>) target_semaphore(%run_scoped3A_88 : memref<!tpu.dma_semaphore, #tpu.memory_space<semaphore_mem>>)
      %dma_wait3A_93 = arith.constant 0 : i32
      %dma_wait3A_94 = tpu.memref_slice %arg10[%add3A_38, %dma_wait3A_93] : memref<10240x128xf32, #tpu.memory_space<vmem_shared>> -> memref<80x128xf32, #tpu.memory_space<vmem_shared>>
      %dma_wait3A_95 = arith.constant 0 : i32
      %dma_wait3A_96 = tpu.memref_slice %arg10[%add3A_38, %dma_wait3A_95] : memref<10240x128xf32, #tpu.memory_space<vmem_shared>> -> memref<80x128xf32, #tpu.memory_space<vmem_shared>>
      tpu.wait_dma2 semaphore(%run_scoped3A_88 : memref<!tpu.dma_semaphore, #tpu.memory_space<semaphore_mem>>) src(%arg8 : memref<80x128xf32, #tpu.memory_space<vmem>>) dst(%dma_wait3A_96 : memref<80x128xf32, #tpu.memory_space<vmem_shared>>)
      tpu.yield
    }) : () -> ()
    %mul3A_39 = arith.constant 640 : i32
    %mul3A_40 = arith.muli %arg1, %mul3A_39 : i32
    %add3A_41 = arith.constant 400 : i32
    %add3A_42 = arith.addi %mul3A_40, %add3A_41 : i32
    "tpu.region"() ({
      %run_scoped3A_88 = tpu.sem_alloc : memref<!tpu.dma_semaphore, #tpu.memory_space<semaphore_mem>>
      %dma_start3A_89 = arith.constant 0 : i32
      %dma_start3A_90 = tpu.memref_slice %arg10[%add3A_42, %dma_start3A_89] : memref<10240x128xf32, #tpu.memory_space<vmem_shared>> -> memref<80x128xf32, #tpu.memory_space<vmem_shared>>
      %dma_start3A_91 = arith.constant 0 : i32
      %dma_start3A_92 = tpu.memref_slice %arg10[%add3A_42, %dma_start3A_91] : memref<10240x128xf32, #tpu.memory_space<vmem_shared>> -> memref<80x128xf32, #tpu.memory_space<vmem_shared>>
      tpu.enqueue_dma source(%arg8 : memref<80x128xf32, #tpu.memory_space<vmem>>) target(%dma_start3A_92 : memref<80x128xf32, #tpu.memory_space<vmem_shared>>) target_semaphore(%run_scoped3A_88 : memref<!tpu.dma_semaphore, #tpu.memory_space<semaphore_mem>>)
      %dma_wait3A_93 = arith.constant 0 : i32
      %dma_wait3A_94 = tpu.memref_slice %arg10[%add3A_42, %dma_wait3A_93] : memref<10240x128xf32, #tpu.memory_space<vmem_shared>> -> memref<80x128xf32, #tpu.memory_space<vmem_shared>>
      %dma_wait3A_95 = arith.constant 0 : i32
      %dma_wait3A_96 = tpu.memref_slice %arg10[%add3A_42, %dma_wait3A_95] : memref<10240x128xf32, #tpu.memory_space<vmem_shared>> -> memref<80x128xf32, #tpu.memory_space<vmem_shared>>
      tpu.wait_dma2 semaphore(%run_scoped3A_88 : memref<!tpu.dma_semaphore, #tpu.memory_space<semaphore_mem>>) src(%arg8 : memref<80x128xf32, #tpu.memory_space<vmem>>) dst(%dma_wait3A_96 : memref<80x128xf32, #tpu.memory_space<vmem_shared>>)
      tpu.yield
    }) : () -> ()
    %mul3A_43 = arith.constant 640 : i32
    %mul3A_44 = arith.muli %arg1, %mul3A_43 : i32
    %add3A_45 = arith.constant 480 : i32
    %add3A_46 = arith.addi %mul3A_44, %add3A_45 : i32
    "tpu.region"() ({
      %run_scoped3A_88 = tpu.sem_alloc : memref<!tpu.dma_semaphore, #tpu.memory_space<semaphore_mem>>
      %dma_start3A_89 = arith.constant 0 : i32
      %dma_start3A_90 = tpu.memref_slice %arg10[%add3A_46, %dma_start3A_89] : memref<10240x128xf32, #tpu.memory_space<vmem_shared>> -> memref<80x128xf32, #tpu.memory_space<vmem_shared>>
      %dma_start3A_91 = arith.constant 0 : i32
      %dma_start3A_92 = tpu.memref_slice %arg10[%add3A_46, %dma_start3A_91] : memref<10240x128xf32, #tpu.memory_space<vmem_shared>> -> memref<80x128xf32, #tpu.memory_space<vmem_shared>>
      tpu.enqueue_dma source(%arg8 : memref<80x128xf32, #tpu.memory_space<vmem>>) target(%dma_start3A_92 : memref<80x128xf32, #tpu.memory_space<vmem_shared>>) target_semaphore(%run_scoped3A_88 : memref<!tpu.dma_semaphore, #tpu.memory_space<semaphore_mem>>)
      %dma_wait3A_93 = arith.constant 0 : i32
      %dma_wait3A_94 = tpu.memref_slice %arg10[%add3A_46, %dma_wait3A_93] : memref<10240x128xf32, #tpu.memory_space<vmem_shared>> -> memref<80x128xf32, #tpu.memory_space<vmem_shared>>
      %dma_wait3A_95 = arith.constant 0 : i32
      %dma_wait3A_96 = tpu.memref_slice %arg10[%add3A_46, %dma_wait3A_95] : memref<10240x128xf32, #tpu.memory_space<vmem_shared>> -> memref<80x128xf32, #tpu.memory_space<vmem_shared>>
      tpu.wait_dma2 semaphore(%run_scoped3A_88 : memref<!tpu.dma_semaphore, #tpu.memory_space<semaphore_mem>>) src(%arg8 : memref<80x128xf32, #tpu.memory_space<vmem>>) dst(%dma_wait3A_96 : memref<80x128xf32, #tpu.memory_space<vmem_shared>>)
      tpu.yield
    }) : () -> ()
    %mul3A_47 = arith.constant 640 : i32
    %mul3A_48 = arith.muli %arg1, %mul3A_47 : i32
    %add3A_49 = arith.constant 560 : i32
    %add3A_50 = arith.addi %mul3A_48, %add3A_49 : i32
    "tpu.region"() ({
      %run_scoped3A_88 = tpu.sem_alloc : memref<!tpu.dma_semaphore, #tpu.memory_space<semaphore_mem>>
      %dma_start3A_89 = arith.constant 0 : i32
      %dma_start3A_90 = tpu.memref_slice %arg10[%add3A_50, %dma_start3A_89] : memref<10240x128xf32, #tpu.memory_space<vmem_shared>> -> memref<80x128xf32, #tpu.memory_space<vmem_shared>>
      %dma_start3A_91 = arith.constant 0 : i32
      %dma_start3A_92 = tpu.memref_slice %arg10[%add3A_50, %dma_start3A_91] : memref<10240x128xf32, #tpu.memory_space<vmem_shared>> -> memref<80x128xf32, #tpu.memory_space<vmem_shared>>
      tpu.enqueue_dma source(%arg8 : memref<80x128xf32, #tpu.memory_space<vmem>>) target(%dma_start3A_92 : memref<80x128xf32, #tpu.memory_space<vmem_shared>>) target_semaphore(%run_scoped3A_88 : memref<!tpu.dma_semaphore, #tpu.memory_space<semaphore_mem>>)
      %dma_wait3A_93 = arith.constant 0 : i32
      %dma_wait3A_94 = tpu.memref_slice %arg10[%add3A_50, %dma_wait3A_93] : memref<10240x128xf32, #tpu.memory_space<vmem_shared>> -> memref<80x128xf32, #tpu.memory_space<vmem_shared>>
      %dma_wait3A_95 = arith.constant 0 : i32
      %dma_wait3A_96 = tpu.memref_slice %arg10[%add3A_50, %dma_wait3A_95] : memref<10240x128xf32, #tpu.memory_space<vmem_shared>> -> memref<80x128xf32, #tpu.memory_space<vmem_shared>>
      tpu.wait_dma2 semaphore(%run_scoped3A_88 : memref<!tpu.dma_semaphore, #tpu.memory_space<semaphore_mem>>) src(%arg8 : memref<80x128xf32, #tpu.memory_space<vmem>>) dst(%dma_wait3A_96 : memref<80x128xf32, #tpu.memory_space<vmem_shared>>)
      tpu.yield
    }) : () -> ()
    %dma_wait3A = arith.constant 0 : i32
    %dma_wait3A_51 = arith.constant 0 : i32
    %dma_wait3A_52 = tpu.memref_slice %arg4[%add3A, %dma_wait3A, %dma_wait3A_51] : memref<32x125x80xi32, #tpu.memory_space<hbm>> -> memref<1x125x80xi32, #tpu.memory_space<hbm>>
    %dma_wait3A_53 = tpu.memref_squeeze %dma_wait3A_52 : memref<1x125x80xi32, #tpu.memory_space<hbm>> -> memref<125x80xi32, #tpu.memory_space<hbm>>
    %dma_wait3A_54 = arith.constant 0 : i32
    %dma_wait3A_55 = arith.constant 0 : i32
    %dma_wait3A_56 = tpu.memref_slice %arg4[%add3A, %dma_wait3A_54, %dma_wait3A_55] : memref<32x125x80xi32, #tpu.memory_space<hbm>> -> memref<1x125x80xi32, #tpu.memory_space<hbm>>
    %dma_wait3A_57 = tpu.memref_squeeze %dma_wait3A_56 : memref<1x125x80xi32, #tpu.memory_space<hbm>> -> memref<125x80xi32, #tpu.memory_space<hbm>>
    tpu.wait_dma2 semaphore(%arg11 : memref<!tpu.dma_semaphore, #tpu.memory_space<semaphore_mem>>) src(%dma_wait3A_57 : memref<125x80xi32, #tpu.memory_space<hbm>>) dst(%arg6 : memref<125x80xi32, #tpu.memory_space<vmem>>)
    %dma_wait3A_58 = arith.constant 0 : i32
    %dma_wait3A_59 = tpu.memref_slice %arg3[%add3A, %dma_wait3A_58] : memref<32x10000xi32, #tpu.memory_space<hbm>> -> memref<1x10000xi32, #tpu.memory_space<hbm>>
    %dma_wait3A_60 = tpu.memref_squeeze %dma_wait3A_59 : memref<1x10000xi32, #tpu.memory_space<hbm>> -> memref<10000xi32, #tpu.memory_space<hbm>>
    %dma_wait3A_61 = arith.constant 0 : i32
    %dma_wait3A_62 = tpu.memref_slice %arg3[%add3A, %dma_wait3A_61] : memref<32x10000xi32, #tpu.memory_space<hbm>> -> memref<1x10000xi32, #tpu.memory_space<hbm>>
    %dma_wait3A_63 = tpu.memref_squeeze %dma_wait3A_62 : memref<1x10000xi32, #tpu.memory_space<hbm>> -> memref<10000xi32, #tpu.memory_space<hbm>>
    tpu.wait_dma2 semaphore(%arg11 : memref<!tpu.dma_semaphore, #tpu.memory_space<semaphore_mem>>) src(%dma_wait3A_63 : memref<10000xi32, #tpu.memory_space<hbm>>) dst(%arg7 : memref<10000xi32, #tpu.memory_space<vmem>>)
    %barrier3A = arith.constant 0 : index
    tpu.barrier barrier_id(%barrier3A)
    %dma_start3A_64 = arith.constant 0 : i32
    %dma_start3A_65 = tpu.memref_slice %arg7[%dma_start3A_64] : memref<10000xi32, #tpu.memory_space<vmem>> -> memref<80xi32, #tpu.memory_space<vmem>>
    %dma_start3A_66 = arith.constant 0 : i32
    %dma_start3A_67 = arith.constant 0 : i32
    %dma_start3A_68 = tpu.memref_slice %arg2[%dma_start3A_66, %dma_start3A_67] : memref<10000x128xf32, #tpu.memory_space<hbm>> -> memref<10000x128xf32, #tpu.memory_space<hbm>>
    tpu.enqueue_indirect_dma source(%dma_start3A_68 : memref<10000x128xf32, #tpu.memory_space<hbm>>) target(%arg8 : memref<80x128xf32, #tpu.memory_space<vmem>>) offsets(%dma_start3A_65 : memref<80xi32, #tpu.memory_space<vmem>>) semaphore(%arg12 : memref<!tpu.dma_semaphore, #tpu.memory_space<semaphore_mem>>)
    %scan3A_69 = arith.constant 0 : i32
    %scan3A_70 = arith.constant 0 : i32
    %scan3A_71 = arith.constant 62 : i32
    %scan3A_72 = arith.addi %scan3A_70, %scan3A_71 : i32
    %scan3A_73 = arith.constant 1 : i32
    scf.for %scan3A_88 = %scan3A_70 to %scan3A_72 step %scan3A_73  : i32 {
      %mul3A_89 = arith.constant 2 : i32
      %mul3A_90 = arith.muli %mul3A_89, %scan3A_88 : i32
      %mul3A_91 = arith.constant 2 : i32
      %mul3A_92 = arith.muli %mul3A_91, %scan3A_88 : i32
      %add3A_93 = arith.constant 1 : i32
      %add3A_94 = arith.addi %mul3A_92, %add3A_93 : i32
      %mul3A_95 = arith.constant 80 : i32
      %mul3A_96 = arith.muli %add3A_94, %mul3A_95 : i32
      %dma_start3A_97 = tpu.memref_slice %arg7[%mul3A_96] : memref<10000xi32, #tpu.memory_space<vmem>> -> memref<80xi32, #tpu.memory_space<vmem>>
      %dma_start3A_98 = arith.constant 0 : i32
      %dma_start3A_99 = arith.constant 0 : i32
      %dma_start3A_100 = tpu.memref_slice %arg2[%dma_start3A_98, %dma_start3A_99] : memref<10000x128xf32, #tpu.memory_space<hbm>> -> memref<10000x128xf32, #tpu.memory_space<hbm>>
      tpu.enqueue_indirect_dma source(%dma_start3A_100 : memref<10000x128xf32, #tpu.memory_space<hbm>>) target(%arg9 : memref<80x128xf32, #tpu.memory_space<vmem>>) offsets(%dma_start3A_97 : memref<80xi32, #tpu.memory_space<vmem>>) semaphore(%arg13 : memref<!tpu.dma_semaphore, #tpu.memory_space<semaphore_mem>>)
      %mul3A_101 = arith.constant 80 : i32
      %mul3A_102 = arith.muli %mul3A_90, %mul3A_101 : i32
      %dma_wait3A_103 = tpu.memref_slice %arg7[%mul3A_102] : memref<10000xi32, #tpu.memory_space<vmem>> -> memref<80xi32, #tpu.memory_space<vmem>>
      %dma_wait3A_104 = arith.constant 0 : i32
      %dma_wait3A_105 = arith.constant 0 : i32
      %dma_wait3A_106 = tpu.memref_slice %arg2[%dma_wait3A_104, %dma_wait3A_105] : memref<10000x128xf32, #tpu.memory_space<hbm>> -> memref<10000x128xf32, #tpu.memory_space<hbm>>
      tpu.wait_indirect_dma semaphore(%arg12 : memref<!tpu.dma_semaphore, #tpu.memory_space<semaphore_mem>>) src(%dma_wait3A_106 : memref<10000x128xf32, #tpu.memory_space<hbm>>) dst(%arg8 : memref<80x128xf32, #tpu.memory_space<vmem>>)
      "tpu.region"() ({
        %run_scoped3A_117 = tpu.sem_alloc : memref<!tpu.dma_semaphore, #tpu.memory_space<semaphore_mem>>
        %dma_start3A_118 = arith.constant 0 : i32
        %dma_start3A_119 = tpu.memref_slice %arg6[%mul3A_90, %dma_start3A_118] : memref<125x80xi32, #tpu.memory_space<vmem>> -> memref<1x80xi32, #tpu.memory_space<vmem>>
        %dma_start3A_120 = tpu.memref_squeeze %dma_start3A_119 : memref<1x80xi32, #tpu.memory_space<vmem>> -> memref<80xi32, #tpu.memory_space<vmem>>
        %dma_start3A_121 = arith.constant 0 : i32
        %dma_start3A_122 = arith.constant 0 : i32
        %dma_start3A_123 = tpu.memref_slice %arg10[%dma_start3A_121, %dma_start3A_122] : memref<10240x128xf32, #tpu.memory_space<vmem_shared>> -> memref<10240x128xf32, #tpu.memory_space<vmem_shared>>
        tpu.enqueue_indirect_dma source(%arg8 : memref<80x128xf32, #tpu.memory_space<vmem>>) target(%dma_start3A_123 : memref<10240x128xf32, #tpu.memory_space<vmem_shared>>) offsets(%dma_start3A_120 : memref<80xi32, #tpu.memory_space<vmem>>) semaphore(%run_scoped3A_117 : memref<!tpu.dma_semaphore, #tpu.memory_space<semaphore_mem>>) {add = true}
        %dma_wait3A_124 = arith.constant 0 : i32
        %dma_wait3A_125 = tpu.memref_slice %arg6[%mul3A_90, %dma_wait3A_124] : memref<125x80xi32, #tpu.memory_space<vmem>> -> memref<1x80xi32, #tpu.memory_space<vmem>>
        %dma_wait3A_126 = tpu.memref_squeeze %dma_wait3A_125 : memref<1x80xi32, #tpu.memory_space<vmem>> -> memref<80xi32, #tpu.memory_space<vmem>>
        %dma_wait3A_127 = arith.constant 0 : i32
        %dma_wait3A_128 = arith.constant 0 : i32
        %dma_wait3A_129 = tpu.memref_slice %arg10[%dma_wait3A_127, %dma_wait3A_128] : memref<10240x128xf32, #tpu.memory_space<vmem_shared>> -> memref<10240x128xf32, #tpu.memory_space<vmem_shared>>
        tpu.wait_indirect_dma semaphore(%run_scoped3A_117 : memref<!tpu.dma_semaphore, #tpu.memory_space<semaphore_mem>>) src(%arg8 : memref<80x128xf32, #tpu.memory_space<vmem>>) dst(%dma_wait3A_129 : memref<10240x128xf32, #tpu.memory_space<vmem_shared>>)
        tpu.yield
      }) : () -> ()
      %add3A_107 = arith.constant 2 : i32
      %add3A_108 = arith.addi %mul3A_90, %add3A_107 : i32
      %lt3A = arith.constant 125 : i32
      %lt3A_109 = arith.cmpi slt, %add3A_108, %lt3A : i32
      %convert_element_type3A = arith.extui %lt3A_109 : i1 to i32
      %cond3A = arith.constant 0 : i32
      %cond3A_110 = arith.cmpi ne, %convert_element_type3A, %cond3A : i32
      scf.if %cond3A_110 {
        %add3A_117 = arith.constant 2 : i32
        %add3A_118 = arith.addi %mul3A_90, %add3A_117 : i32
        %mul3A_119 = arith.constant 80 : i32
        %mul3A_120 = arith.muli %add3A_118, %mul3A_119 : i32
        %dma_start3A_121 = tpu.memref_slice %arg7[%mul3A_120] : memref<10000xi32, #tpu.memory_space<vmem>> -> memref<80xi32, #tpu.memory_space<vmem>>
        %dma_start3A_122 = arith.constant 0 : i32
        %dma_start3A_123 = arith.constant 0 : i32
        %dma_start3A_124 = tpu.memref_slice %arg2[%dma_start3A_122, %dma_start3A_123] : memref<10000x128xf32, #tpu.memory_space<hbm>> -> memref<10000x128xf32, #tpu.memory_space<hbm>>
        tpu.enqueue_indirect_dma source(%dma_start3A_124 : memref<10000x128xf32, #tpu.memory_space<hbm>>) target(%arg8 : memref<80x128xf32, #tpu.memory_space<vmem>>) offsets(%dma_start3A_121 : memref<80xi32, #tpu.memory_space<vmem>>) semaphore(%arg12 : memref<!tpu.dma_semaphore, #tpu.memory_space<semaphore_mem>>)
      } else {
      }
      %mul3A_111 = arith.constant 80 : i32
      %mul3A_112 = arith.muli %add3A_94, %mul3A_111 : i32
      %dma_wait3A_113 = tpu.memref_slice %arg7[%mul3A_112] : memref<10000xi32, #tpu.memory_space<vmem>> -> memref<80xi32, #tpu.memory_space<vmem>>
      %dma_wait3A_114 = arith.constant 0 : i32
      %dma_wait3A_115 = arith.constant 0 : i32
      %dma_wait3A_116 = tpu.memref_slice %arg2[%dma_wait3A_114, %dma_wait3A_115] : memref<10000x128xf32, #tpu.memory_space<hbm>> -> memref<10000x128xf32, #tpu.memory_space<hbm>>
      tpu.wait_indirect_dma semaphore(%arg13 : memref<!tpu.dma_semaphore, #tpu.memory_space<semaphore_mem>>) src(%dma_wait3A_116 : memref<10000x128xf32, #tpu.memory_space<hbm>>) dst(%arg9 : memref<80x128xf32, #tpu.memory_space<vmem>>)
      "tpu.region"() ({
        %run_scoped3A_117 = tpu.sem_alloc : memref<!tpu.dma_semaphore, #tpu.memory_space<semaphore_mem>>
        %dma_start3A_118 = arith.constant 0 : i32
        %dma_start3A_119 = tpu.memref_slice %arg6[%add3A_94, %dma_start3A_118] : memref<125x80xi32, #tpu.memory_space<vmem>> -> memref<1x80xi32, #tpu.memory_space<vmem>>
        %dma_start3A_120 = tpu.memref_squeeze %dma_start3A_119 : memref<1x80xi32, #tpu.memory_space<vmem>> -> memref<80xi32, #tpu.memory_space<vmem>>
        %dma_start3A_121 = arith.constant 0 : i32
        %dma_start3A_122 = arith.constant 0 : i32
        %dma_start3A_123 = tpu.memref_slice %arg10[%dma_start3A_121, %dma_start3A_122] : memref<10240x128xf32, #tpu.memory_space<vmem_shared>> -> memref<10240x128xf32, #tpu.memory_space<vmem_shared>>
        tpu.enqueue_indirect_dma source(%arg9 : memref<80x128xf32, #tpu.memory_space<vmem>>) target(%dma_start3A_123 : memref<10240x128xf32, #tpu.memory_space<vmem_shared>>) offsets(%dma_start3A_120 : memref<80xi32, #tpu.memory_space<vmem>>) semaphore(%run_scoped3A_117 : memref<!tpu.dma_semaphore, #tpu.memory_space<semaphore_mem>>) {add = true}
        %dma_wait3A_124 = arith.constant 0 : i32
        %dma_wait3A_125 = tpu.memref_slice %arg6[%add3A_94, %dma_wait3A_124] : memref<125x80xi32, #tpu.memory_space<vmem>> -> memref<1x80xi32, #tpu.memory_space<vmem>>
        %dma_wait3A_126 = tpu.memref_squeeze %dma_wait3A_125 : memref<1x80xi32, #tpu.memory_space<vmem>> -> memref<80xi32, #tpu.memory_space<vmem>>
        %dma_wait3A_127 = arith.constant 0 : i32
        %dma_wait3A_128 = arith.constant 0 : i32
        %dma_wait3A_129 = tpu.memref_slice %arg10[%dma_wait3A_127, %dma_wait3A_128] : memref<10240x128xf32, #tpu.memory_space<vmem_shared>> -> memref<10240x128xf32, #tpu.memory_space<vmem_shared>>
        tpu.wait_indirect_dma semaphore(%run_scoped3A_117 : memref<!tpu.dma_semaphore, #tpu.memory_space<semaphore_mem>>) src(%arg9 : memref<80x128xf32, #tpu.memory_space<vmem>>) dst(%dma_wait3A_129 : memref<10240x128xf32, #tpu.memory_space<vmem_shared>>)
        tpu.yield
      }) : () -> ()
    }
    %scan3A_74 = arith.constant 62 : i32
    %dma_wait3A_75 = arith.constant 9920 : i32
    %dma_wait3A_76 = tpu.memref_slice %arg7[%dma_wait3A_75] : memref<10000xi32, #tpu.memory_space<vmem>> -> memref<80xi32, #tpu.memory_space<vmem>>
    %dma_wait3A_77 = arith.constant 0 : i32
    %dma_wait3A_78 = arith.constant 0 : i32
    %dma_wait3A_79 = tpu.memref_slice %arg2[%dma_wait3A_77, %dma_wait3A_78] : memref<10000x128xf32, #tpu.memory_space<hbm>> -> memref<10000x128xf32, #tpu.memory_space<hbm>>
    tpu.wait_indirect_dma semaphore(%arg12 : memref<!tpu.dma_semaphore, #tpu.memory_space<semaphore_mem>>) src(%dma_wait3A_79 : memref<10000x128xf32, #tpu.memory_space<hbm>>) dst(%arg8 : memref<80x128xf32, #tpu.memory_space<vmem>>)
    %run_scoped3A = arith.constant 124 : i32
    "tpu.region"() ({
      %run_scoped3A_88 = tpu.sem_alloc : memref<!tpu.dma_semaphore, #tpu.memory_space<semaphore_mem>>
      %dma_start3A_89 = arith.constant 0 : i32
      %dma_start3A_90 = tpu.memref_slice %arg6[%run_scoped3A, %dma_start3A_89] : memref<125x80xi32, #tpu.memory_space<vmem>> -> memref<1x80xi32, #tpu.memory_space<vmem>>
      %dma_start3A_91 = tpu.memref_squeeze %dma_start3A_90 : memref<1x80xi32, #tpu.memory_space<vmem>> -> memref<80xi32, #tpu.memory_space<vmem>>
      %dma_start3A_92 = arith.constant 0 : i32
      %dma_start3A_93 = arith.constant 0 : i32
      %dma_start3A_94 = tpu.memref_slice %arg10[%dma_start3A_92, %dma_start3A_93] : memref<10240x128xf32, #tpu.memory_space<vmem_shared>> -> memref<10240x128xf32, #tpu.memory_space<vmem_shared>>
      tpu.enqueue_indirect_dma source(%arg8 : memref<80x128xf32, #tpu.memory_space<vmem>>) target(%dma_start3A_94 : memref<10240x128xf32, #tpu.memory_space<vmem_shared>>) offsets(%dma_start3A_91 : memref<80xi32, #tpu.memory_space<vmem>>) semaphore(%run_scoped3A_88 : memref<!tpu.dma_semaphore, #tpu.memory_space<semaphore_mem>>) {add = true}
      %dma_wait3A_95 = arith.constant 0 : i32
      %dma_wait3A_96 = tpu.memref_slice %arg6[%run_scoped3A, %dma_wait3A_95] : memref<125x80xi32, #tpu.memory_space<vmem>> -> memref<1x80xi32, #tpu.memory_space<vmem>>
      %dma_wait3A_97 = tpu.memref_squeeze %dma_wait3A_96 : memref<1x80xi32, #tpu.memory_space<vmem>> -> memref<80xi32, #tpu.memory_space<vmem>>
      %dma_wait3A_98 = arith.constant 0 : i32
      %dma_wait3A_99 = arith.constant 0 : i32
      %dma_wait3A_100 = tpu.memref_slice %arg10[%dma_wait3A_98, %dma_wait3A_99] : memref<10240x128xf32, #tpu.memory_space<vmem_shared>> -> memref<10240x128xf32, #tpu.memory_space<vmem_shared>>
      tpu.wait_indirect_dma semaphore(%run_scoped3A_88 : memref<!tpu.dma_semaphore, #tpu.memory_space<semaphore_mem>>) src(%arg8 : memref<80x128xf32, #tpu.memory_space<vmem>>) dst(%dma_wait3A_100 : memref<10240x128xf32, #tpu.memory_space<vmem_shared>>)
      tpu.yield
    }) : () -> ()
    %barrier3A_80 = arith.constant 0 : index
    tpu.barrier barrier_id(%barrier3A_80)
    %mul3A_81 = arith.constant 640 : i32
    %mul3A_82 = arith.muli %arg1, %mul3A_81 : i32
    %mul3A_83 = arith.constant 10240 : i32
    %mul3A_84 = arith.muli %arg0, %mul3A_83 : i32
    %mul3A_85 = arith.constant 640 : i32
    %mul3A_86 = arith.muli %arg1, %mul3A_85 : i32
    %add3A_87 = arith.addi %mul3A_84, %mul3A_86 : i32
    "tpu.region"() ({
      %run_scoped3A_88 = tpu.sem_alloc : memref<!tpu.dma_semaphore, #tpu.memory_space<semaphore_mem>>
      %dma_start3A_89 = arith.constant 0 : i32
      %dma_start3A_90 = tpu.memref_slice %arg5[%add3A_87, %dma_start3A_89] : memref<20480x128xf32, #tpu.memory_space<hbm>> -> memref<640x128xf32, #tpu.memory_space<hbm>>
      %dma_start3A_91 = arith.constant 0 : i32
      %dma_start3A_92 = tpu.memref_slice %arg10[%mul3A_82, %dma_start3A_91] : memref<10240x128xf32, #tpu.memory_space<vmem_shared>> -> memref<640x128xf32, #tpu.memory_space<vmem_shared>>
      tpu.enqueue_dma source(%dma_start3A_92 : memref<640x128xf32, #tpu.memory_space<vmem_shared>>) target(%dma_start3A_90 : memref<640x128xf32, #tpu.memory_space<hbm>>) target_semaphore(%run_scoped3A_88 : memref<!tpu.dma_semaphore, #tpu.memory_space<semaphore_mem>>)
      %dma_wait3A_93 = arith.constant 0 : i32
      %dma_wait3A_94 = tpu.memref_slice %arg5[%add3A_87, %dma_wait3A_93] : memref<20480x128xf32, #tpu.memory_space<hbm>> -> memref<640x128xf32, #tpu.memory_space<hbm>>
      %dma_wait3A_95 = arith.constant 0 : i32
      %dma_wait3A_96 = tpu.memref_slice %arg10[%mul3A_82, %dma_wait3A_95] : memref<10240x128xf32, #tpu.memory_space<vmem_shared>> -> memref<640x128xf32, #tpu.memory_space<vmem_shared>>
      tpu.wait_dma2 semaphore(%run_scoped3A_88 : memref<!tpu.dma_semaphore, #tpu.memory_space<semaphore_mem>>) src(%dma_wait3A_96 : memref<640x128xf32, #tpu.memory_space<vmem_shared>>) dst(%dma_wait3A_94 : memref<640x128xf32, #tpu.memory_space<hbm>>)
      tpu.yield
    }) : () -> ()
    return
  }
}

#map = affine_map<(d0, d1) -> (0, 0)>
#map1 = affine_map<(d0, d1) -> (0, 0, 0)>
module attributes {stable_mosaic.version = 14 : i64} {
  func.func @_segsum_body(%arg0: i32, %arg1: i32, %arg2: memref<10000x128xf32, #tpu.memory_space<hbm>>, %arg3: memref<32x10000xi32, #tpu.memory_space<hbm>>, %arg4: memref<32x125x80xi32, #tpu.memory_space<hbm>>, %arg5: memref<20480x128xf32, #tpu.memory_space<hbm>>, %arg6: memref<125x80xi32, #tpu.memory_space<vmem>>, %arg7: memref<10000xi32, #tpu.memory_space<vmem>>, %arg8: memref<80x128xf32, #tpu.memory_space<vmem>>, %arg9: memref<80x128xf32, #tpu.memory_space<vmem>>, %arg10: memref<10240x128xf32, #tpu.memory_space<vmem_shared>>, %arg11: memref<!tpu.dma_semaphore, #tpu.memory_space<semaphore_mem>>, %arg12: memref<!tpu.dma_semaphore, #tpu.memory_space<semaphore_mem>>, %arg13: memref<!tpu.dma_semaphore, #tpu.memory_space<semaphore_mem>>) attributes {dimension_semantics = [#tpu.dimension_semantics<core_parallel>, #tpu.dimension_semantics<subcore_parallel>], iteration_bounds = array<i64: 2, 16>, scalar_prefetch = 0 : i64, scratch_operands = 8 : i64, tpu.core_type = #tpu.core_type<sc_vector_subcore>, window_params = [{transform_indices = #map}, {transform_indices = #map}, {transform_indices = #map1}, {transform_indices = #map}]} {
    %mul3A = arith.constant 16 : i32
    %mul3A_0 = arith.muli %arg0, %mul3A : i32
    %add3A = arith.addi %mul3A_0, %arg1 : i32
    %dma_start3A = arith.constant 0 : i32
    %dma_start3A_1 = arith.constant 0 : i32
    %dma_start3A_2 = tpu.memref_slice %arg4[%add3A, %dma_start3A, %dma_start3A_1] : memref<32x125x80xi32, #tpu.memory_space<hbm>> -> memref<1x125x80xi32, #tpu.memory_space<hbm>>
    %dma_start3A_3 = tpu.memref_squeeze %dma_start3A_2 : memref<1x125x80xi32, #tpu.memory_space<hbm>> -> memref<125x80xi32, #tpu.memory_space<hbm>>
    %dma_start3A_4 = arith.constant 0 : i32
    %dma_start3A_5 = arith.constant 0 : i32
    %dma_start3A_6 = tpu.memref_slice %arg4[%add3A, %dma_start3A_4, %dma_start3A_5] : memref<32x125x80xi32, #tpu.memory_space<hbm>> -> memref<1x125x80xi32, #tpu.memory_space<hbm>>
    %dma_start3A_7 = tpu.memref_squeeze %dma_start3A_6 : memref<1x125x80xi32, #tpu.memory_space<hbm>> -> memref<125x80xi32, #tpu.memory_space<hbm>>
    tpu.enqueue_dma source(%dma_start3A_7 : memref<125x80xi32, #tpu.memory_space<hbm>>) target(%arg6 : memref<125x80xi32, #tpu.memory_space<vmem>>) target_semaphore(%arg11 : memref<!tpu.dma_semaphore, #tpu.memory_space<semaphore_mem>>)
    %dma_start3A_8 = arith.constant 0 : i32
    %dma_start3A_9 = tpu.memref_slice %arg3[%add3A, %dma_start3A_8] : memref<32x10000xi32, #tpu.memory_space<hbm>> -> memref<1x10000xi32, #tpu.memory_space<hbm>>
    %dma_start3A_10 = tpu.memref_squeeze %dma_start3A_9 : memref<1x10000xi32, #tpu.memory_space<hbm>> -> memref<10000xi32, #tpu.memory_space<hbm>>
    %dma_start3A_11 = arith.constant 0 : i32
    %dma_start3A_12 = tpu.memref_slice %arg3[%add3A, %dma_start3A_11] : memref<32x10000xi32, #tpu.memory_space<hbm>> -> memref<1x10000xi32, #tpu.memory_space<hbm>>
    %dma_start3A_13 = tpu.memref_squeeze %dma_start3A_12 : memref<1x10000xi32, #tpu.memory_space<hbm>> -> memref<10000xi32, #tpu.memory_space<hbm>>
    tpu.enqueue_dma source(%dma_start3A_13 : memref<10000xi32, #tpu.memory_space<hbm>>) target(%arg7 : memref<10000xi32, #tpu.memory_space<vmem>>) target_semaphore(%arg11 : memref<!tpu.dma_semaphore, #tpu.memory_space<semaphore_mem>>)
    %scan3A = arith.constant 0 : i32
    %scan3A_14 = arith.constant 0 : i32
    %scan3A_15 = arith.constant 80 : i32
    %scan3A_16 = arith.addi %scan3A_14, %scan3A_15 : i32
    %scan3A_17 = arith.constant 1 : i32
    scf.for %scan3A_88 = %scan3A_14 to %scan3A_16 step %scan3A_17  : i32 {
      %broadcast_in_dim3A = arith.constant 0.000000e+00 : f32
      %broadcast_in_dim3A_89 = vector.broadcast %broadcast_in_dim3A : f32 to vector<16xf32>
      %swap3A = arith.index_cast %scan3A_88 : i32 to index
      %swap3A_90 = arith.constant 0 : index
      %swap3A_91 = tpu.vector_load %arg8[%swap3A, %swap3A_90] {strides = array<i32>} : memref<80x128xf32, #tpu.memory_space<vmem>>, vector<1x16xf32>,
      %swap3A_92 = vector.shape_cast %swap3A_91 : vector<1x16xf32> to vector<16xf32>
      %swap3A_93 = vector.shape_cast %broadcast_in_dim3A_89 : vector<16xf32> to vector<1x16xf32>
      tpu.vector_store %arg8[%swap3A, %swap3A_90], %swap3A_93 {strides = array<i32>} : memref<80x128xf32, #tpu.memory_space<vmem>>, vector<1x16xf32>,
      %broadcast_in_dim3A_94 = arith.constant 0.000000e+00 : f32
      %broadcast_in_dim3A_95 = vector.broadcast %broadcast_in_dim3A_94 : f32 to vector<16xf32>
      %swap3A_96 = arith.index_cast %scan3A_88 : i32 to index
      %swap3A_97 = arith.constant 16 : index
      %swap3A_98 = tpu.vector_load %arg8[%swap3A_96, %swap3A_97] {strides = array<i32>} : memref<80x128xf32, #tpu.memory_space<vmem>>, vector<1x16xf32>,
      %swap3A_99 = vector.shape_cast %swap3A_98 : vector<1x16xf32> to vector<16xf32>
      %swap3A_100 = vector.shape_cast %broadcast_in_dim3A_95 : vector<16xf32> to vector<1x16xf32>
      tpu.vector_store %arg8[%swap3A_96, %swap3A_97], %swap3A_100 {strides = array<i32>} : memref<80x128xf32, #tpu.memory_space<vmem>>, vector<1x16xf32>,
      %broadcast_in_dim3A_101 = arith.constant 0.000000e+00 : f32
      %broadcast_in_dim3A_102 = vector.broadcast %broadcast_in_dim3A_101 : f32 to vector<16xf32>
      %swap3A_103 = arith.index_cast %scan3A_88 : i32 to index
      %swap3A_104 = arith.constant 32 : index
      %swap3A_105 = tpu.vector_load %arg8[%swap3A_103, %swap3A_104] {strides = array<i32>} : memref<80x128xf32, #tpu.memory_space<vmem>>, vector<1x16xf32>,
      %swap3A_106 = vector.shape_cast %swap3A_105 : vector<1x16xf32> to vector<16xf32>
      %swap3A_107 = vector.shape_cast %broadcast_in_dim3A_102 : vector<16xf32> to vector<1x16xf32>
      tpu.vector_store %arg8[%swap3A_103, %swap3A_104], %swap3A_107 {strides = array<i32>} : memref<80x128xf32, #tpu.memory_space<vmem>>, vector<1x16xf32>,
      %broadcast_in_dim3A_108 = arith.constant 0.000000e+00 : f32
      %broadcast_in_dim3A_109 = vector.broadcast %broadcast_in_dim3A_108 : f32 to vector<16xf32>
      %swap3A_110 = arith.index_cast %scan3A_88 : i32 to index
      %swap3A_111 = arith.constant 48 : index
      %swap3A_112 = tpu.vector_load %arg8[%swap3A_110, %swap3A_111] {strides = array<i32>} : memref<80x128xf32, #tpu.memory_space<vmem>>, vector<1x16xf32>,
      %swap3A_113 = vector.shape_cast %swap3A_112 : vector<1x16xf32> to vector<16xf32>
      %swap3A_114 = vector.shape_cast %broadcast_in_dim3A_109 : vector<16xf32> to vector<1x16xf32>
      tpu.vector_store %arg8[%swap3A_110, %swap3A_111], %swap3A_114 {strides = array<i32>} : memref<80x128xf32, #tpu.memory_space<vmem>>, vector<1x16xf32>,
      %broadcast_in_dim3A_115 = arith.constant 0.000000e+00 : f32
      %broadcast_in_dim3A_116 = vector.broadcast %broadcast_in_dim3A_115 : f32 to vector<16xf32>
      %swap3A_117 = arith.index_cast %scan3A_88 : i32 to index
      %swap3A_118 = arith.constant 64 : index
      %swap3A_119 = tpu.vector_load %arg8[%swap3A_117, %swap3A_118] {strides = array<i32>} : memref<80x128xf32, #tpu.memory_space<vmem>>, vector<1x16xf32>,
      %swap3A_120 = vector.shape_cast %swap3A_119 : vector<1x16xf32> to vector<16xf32>
      %swap3A_121 = vector.shape_cast %broadcast_in_dim3A_116 : vector<16xf32> to vector<1x16xf32>
      tpu.vector_store %arg8[%swap3A_117, %swap3A_118], %swap3A_121 {strides = array<i32>} : memref<80x128xf32, #tpu.memory_space<vmem>>, vector<1x16xf32>,
      %broadcast_in_dim3A_122 = arith.constant 0.000000e+00 : f32
      %broadcast_in_dim3A_123 = vector.broadcast %broadcast_in_dim3A_122 : f32 to vector<16xf32>
      %swap3A_124 = arith.index_cast %scan3A_88 : i32 to index
      %swap3A_125 = arith.constant 80 : index
      %swap3A_126 = tpu.vector_load %arg8[%swap3A_124, %swap3A_125] {strides = array<i32>} : memref<80x128xf32, #tpu.memory_space<vmem>>, vector<1x16xf32>,
      %swap3A_127 = vector.shape_cast %swap3A_126 : vector<1x16xf32> to vector<16xf32>
      %swap3A_128 = vector.shape_cast %broadcast_in_dim3A_123 : vector<16xf32> to vector<1x16xf32>
      tpu.vector_store %arg8[%swap3A_124, %swap3A_125], %swap3A_128 {strides = array<i32>} : memref<80x128xf32, #tpu.memory_space<vmem>>, vector<1x16xf32>,
      %broadcast_in_dim3A_129 = arith.constant 0.000000e+00 : f32
      %broadcast_in_dim3A_130 = vector.broadcast %broadcast_in_dim3A_129 : f32 to vector<16xf32>
      %swap3A_131 = arith.index_cast %scan3A_88 : i32 to index
      %swap3A_132 = arith.constant 96 : index
      %swap3A_133 = tpu.vector_load %arg8[%swap3A_131, %swap3A_132] {strides = array<i32>} : memref<80x128xf32, #tpu.memory_space<vmem>>, vector<1x16xf32>,
      %swap3A_134 = vector.shape_cast %swap3A_133 : vector<1x16xf32> to vector<16xf32>
      %swap3A_135 = vector.shape_cast %broadcast_in_dim3A_130 : vector<16xf32> to vector<1x16xf32>
      tpu.vector_store %arg8[%swap3A_131, %swap3A_132], %swap3A_135 {strides = array<i32>} : memref<80x128xf32, #tpu.memory_space<vmem>>, vector<1x16xf32>,
      %broadcast_in_dim3A_136 = arith.constant 0.000000e+00 : f32
      %broadcast_in_dim3A_137 = vector.broadcast %broadcast_in_dim3A_136 : f32 to vector<16xf32>
      %swap3A_138 = arith.index_cast %scan3A_88 : i32 to index
      %swap3A_139 = arith.constant 112 : index
      %swap3A_140 = tpu.vector_load %arg8[%swap3A_138, %swap3A_139] {strides = array<i32>} : memref<80x128xf32, #tpu.memory_space<vmem>>, vector<1x16xf32>,
      %swap3A_141 = vector.shape_cast %swap3A_140 : vector<1x16xf32> to vector<16xf32>
      %swap3A_142 = vector.shape_cast %broadcast_in_dim3A_137 : vector<16xf32> to vector<1x16xf32>
      tpu.vector_store %arg8[%swap3A_138, %swap3A_139], %swap3A_142 {strides = array<i32>} : memref<80x128xf32, #tpu.memory_space<vmem>>, vector<1x16xf32>,
    }
    %scan3A_18 = arith.constant 80 : i32
    %mul3A_19 = arith.constant 640 : i32
    %mul3A_20 = arith.muli %arg1, %mul3A_19 : i32
    %add3A_21 = arith.constant 0 : i32
    %add3A_22 = arith.addi %mul3A_20, %add3A_21 : i32
    "tpu.region"() ({
      %run_scoped3A_88 = tpu.sem_alloc : memref<!tpu.dma_semaphore, #tpu.memory_space<semaphore_mem>>
      %dma_start3A_89 = arith.constant 0 : i32
      %dma_start3A_90 = tpu.memref_slice %arg10[%add3A_22, %dma_start3A_89] : memref<10240x128xf32, #tpu.memory_space<vmem_shared>> -> memref<80x128xf32, #tpu.memory_space<vmem_shared>>
      %dma_start3A_91 = arith.constant 0 : i32
      %dma_start3A_92 = tpu.memref_slice %arg10[%add3A_22, %dma_start3A_91] : memref<10240x128xf32, #tpu.memory_space<vmem_shared>> -> memref<80x128xf32, #tpu.memory_space<vmem_shared>>
      tpu.enqueue_dma source(%arg8 : memref<80x128xf32, #tpu.memory_space<vmem>>) target(%dma_start3A_92 : memref<80x128xf32, #tpu.memory_space<vmem_shared>>) target_semaphore(%run_scoped3A_88 : memref<!tpu.dma_semaphore, #tpu.memory_space<semaphore_mem>>)
      %dma_wait3A_93 = arith.constant 0 : i32
      %dma_wait3A_94 = tpu.memref_slice %arg10[%add3A_22, %dma_wait3A_93] : memref<10240x128xf32, #tpu.memory_space<vmem_shared>> -> memref<80x128xf32, #tpu.memory_space<vmem_shared>>
      %dma_wait3A_95 = arith.constant 0 : i32
      %dma_wait3A_96 = tpu.memref_slice %arg10[%add3A_22, %dma_wait3A_95] : memref<10240x128xf32, #tpu.memory_space<vmem_shared>> -> memref<80x128xf32, #tpu.memory_space<vmem_shared>>
      tpu.wait_dma2 semaphore(%run_scoped3A_88 : memref<!tpu.dma_semaphore, #tpu.memory_space<semaphore_mem>>) src(%arg8 : memref<80x128xf32, #tpu.memory_space<vmem>>) dst(%dma_wait3A_96 : memref<80x128xf32, #tpu.memory_space<vmem_shared>>)
      tpu.yield
    }) : () -> ()
    %mul3A_23 = arith.constant 640 : i32
    %mul3A_24 = arith.muli %arg1, %mul3A_23 : i32
    %add3A_25 = arith.constant 80 : i32
    %add3A_26 = arith.addi %mul3A_24, %add3A_25 : i32
    "tpu.region"() ({
      %run_scoped3A_88 = tpu.sem_alloc : memref<!tpu.dma_semaphore, #tpu.memory_space<semaphore_mem>>
      %dma_start3A_89 = arith.constant 0 : i32
      %dma_start3A_90 = tpu.memref_slice %arg10[%add3A_26, %dma_start3A_89] : memref<10240x128xf32, #tpu.memory_space<vmem_shared>> -> memref<80x128xf32, #tpu.memory_space<vmem_shared>>
      %dma_start3A_91 = arith.constant 0 : i32
      %dma_start3A_92 = tpu.memref_slice %arg10[%add3A_26, %dma_start3A_91] : memref<10240x128xf32, #tpu.memory_space<vmem_shared>> -> memref<80x128xf32, #tpu.memory_space<vmem_shared>>
      tpu.enqueue_dma source(%arg8 : memref<80x128xf32, #tpu.memory_space<vmem>>) target(%dma_start3A_92 : memref<80x128xf32, #tpu.memory_space<vmem_shared>>) target_semaphore(%run_scoped3A_88 : memref<!tpu.dma_semaphore, #tpu.memory_space<semaphore_mem>>)
      %dma_wait3A_93 = arith.constant 0 : i32
      %dma_wait3A_94 = tpu.memref_slice %arg10[%add3A_26, %dma_wait3A_93] : memref<10240x128xf32, #tpu.memory_space<vmem_shared>> -> memref<80x128xf32, #tpu.memory_space<vmem_shared>>
      %dma_wait3A_95 = arith.constant 0 : i32
      %dma_wait3A_96 = tpu.memref_slice %arg10[%add3A_26, %dma_wait3A_95] : memref<10240x128xf32, #tpu.memory_space<vmem_shared>> -> memref<80x128xf32, #tpu.memory_space<vmem_shared>>
      tpu.wait_dma2 semaphore(%run_scoped3A_88 : memref<!tpu.dma_semaphore, #tpu.memory_space<semaphore_mem>>) src(%arg8 : memref<80x128xf32, #tpu.memory_space<vmem>>) dst(%dma_wait3A_96 : memref<80x128xf32, #tpu.memory_space<vmem_shared>>)
      tpu.yield
    }) : () -> ()
    %mul3A_27 = arith.constant 640 : i32
    %mul3A_28 = arith.muli %arg1, %mul3A_27 : i32
    %add3A_29 = arith.constant 160 : i32
    %add3A_30 = arith.addi %mul3A_28, %add3A_29 : i32
    "tpu.region"() ({
      %run_scoped3A_88 = tpu.sem_alloc : memref<!tpu.dma_semaphore, #tpu.memory_space<semaphore_mem>>
      %dma_start3A_89 = arith.constant 0 : i32
      %dma_start3A_90 = tpu.memref_slice %arg10[%add3A_30, %dma_start3A_89] : memref<10240x128xf32, #tpu.memory_space<vmem_shared>> -> memref<80x128xf32, #tpu.memory_space<vmem_shared>>
      %dma_start3A_91 = arith.constant 0 : i32
      %dma_start3A_92 = tpu.memref_slice %arg10[%add3A_30, %dma_start3A_91] : memref<10240x128xf32, #tpu.memory_space<vmem_shared>> -> memref<80x128xf32, #tpu.memory_space<vmem_shared>>
      tpu.enqueue_dma source(%arg8 : memref<80x128xf32, #tpu.memory_space<vmem>>) target(%dma_start3A_92 : memref<80x128xf32, #tpu.memory_space<vmem_shared>>) target_semaphore(%run_scoped3A_88 : memref<!tpu.dma_semaphore, #tpu.memory_space<semaphore_mem>>)
      %dma_wait3A_93 = arith.constant 0 : i32
      %dma_wait3A_94 = tpu.memref_slice %arg10[%add3A_30, %dma_wait3A_93] : memref<10240x128xf32, #tpu.memory_space<vmem_shared>> -> memref<80x128xf32, #tpu.memory_space<vmem_shared>>
      %dma_wait3A_95 = arith.constant 0 : i32
      %dma_wait3A_96 = tpu.memref_slice %arg10[%add3A_30, %dma_wait3A_95] : memref<10240x128xf32, #tpu.memory_space<vmem_shared>> -> memref<80x128xf32, #tpu.memory_space<vmem_shared>>
      tpu.wait_dma2 semaphore(%run_scoped3A_88 : memref<!tpu.dma_semaphore, #tpu.memory_space<semaphore_mem>>) src(%arg8 : memref<80x128xf32, #tpu.memory_space<vmem>>) dst(%dma_wait3A_96 : memref<80x128xf32, #tpu.memory_space<vmem_shared>>)
      tpu.yield
    }) : () -> ()
    %mul3A_31 = arith.constant 640 : i32
    %mul3A_32 = arith.muli %arg1, %mul3A_31 : i32
    %add3A_33 = arith.constant 240 : i32
    %add3A_34 = arith.addi %mul3A_32, %add3A_33 : i32
    "tpu.region"() ({
      %run_scoped3A_88 = tpu.sem_alloc : memref<!tpu.dma_semaphore, #tpu.memory_space<semaphore_mem>>
      %dma_start3A_89 = arith.constant 0 : i32
      %dma_start3A_90 = tpu.memref_slice %arg10[%add3A_34, %dma_start3A_89] : memref<10240x128xf32, #tpu.memory_space<vmem_shared>> -> memref<80x128xf32, #tpu.memory_space<vmem_shared>>
      %dma_start3A_91 = arith.constant 0 : i32
      %dma_start3A_92 = tpu.memref_slice %arg10[%add3A_34, %dma_start3A_91] : memref<10240x128xf32, #tpu.memory_space<vmem_shared>> -> memref<80x128xf32, #tpu.memory_space<vmem_shared>>
      tpu.enqueue_dma source(%arg8 : memref<80x128xf32, #tpu.memory_space<vmem>>) target(%dma_start3A_92 : memref<80x128xf32, #tpu.memory_space<vmem_shared>>) target_semaphore(%run_scoped3A_88 : memref<!tpu.dma_semaphore, #tpu.memory_space<semaphore_mem>>)
      %dma_wait3A_93 = arith.constant 0 : i32
      %dma_wait3A_94 = tpu.memref_slice %arg10[%add3A_34, %dma_wait3A_93] : memref<10240x128xf32, #tpu.memory_space<vmem_shared>> -> memref<80x128xf32, #tpu.memory_space<vmem_shared>>
      %dma_wait3A_95 = arith.constant 0 : i32
      %dma_wait3A_96 = tpu.memref_slice %arg10[%add3A_34, %dma_wait3A_95] : memref<10240x128xf32, #tpu.memory_space<vmem_shared>> -> memref<80x128xf32, #tpu.memory_space<vmem_shared>>
      tpu.wait_dma2 semaphore(%run_scoped3A_88 : memref<!tpu.dma_semaphore, #tpu.memory_space<semaphore_mem>>) src(%arg8 : memref<80x128xf32, #tpu.memory_space<vmem>>) dst(%dma_wait3A_96 : memref<80x128xf32, #tpu.memory_space<vmem_shared>>)
      tpu.yield
    }) : () -> ()
    %mul3A_35 = arith.constant 640 : i32
    %mul3A_36 = arith.muli %arg1, %mul3A_35 : i32
    %add3A_37 = arith.constant 320 : i32
    %add3A_38 = arith.addi %mul3A_36, %add3A_37 : i32
    "tpu.region"() ({
      %run_scoped3A_88 = tpu.sem_alloc : memref<!tpu.dma_semaphore, #tpu.memory_space<semaphore_mem>>
      %dma_start3A_89 = arith.constant 0 : i32
      %dma_start3A_90 = tpu.memref_slice %arg10[%add3A_38, %dma_start3A_89] : memref<10240x128xf32, #tpu.memory_space<vmem_shared>> -> memref<80x128xf32, #tpu.memory_space<vmem_shared>>
      %dma_start3A_91 = arith.constant 0 : i32
      %dma_start3A_92 = tpu.memref_slice %arg10[%add3A_38, %dma_start3A_91] : memref<10240x128xf32, #tpu.memory_space<vmem_shared>> -> memref<80x128xf32, #tpu.memory_space<vmem_shared>>
      tpu.enqueue_dma source(%arg8 : memref<80x128xf32, #tpu.memory_space<vmem>>) target(%dma_start3A_92 : memref<80x128xf32, #tpu.memory_space<vmem_shared>>) target_semaphore(%run_scoped3A_88 : memref<!tpu.dma_semaphore, #tpu.memory_space<semaphore_mem>>)
      %dma_wait3A_93 = arith.constant 0 : i32
      %dma_wait3A_94 = tpu.memref_slice %arg10[%add3A_38, %dma_wait3A_93] : memref<10240x128xf32, #tpu.memory_space<vmem_shared>> -> memref<80x128xf32, #tpu.memory_space<vmem_shared>>
      %dma_wait3A_95 = arith.constant 0 : i32
      %dma_wait3A_96 = tpu.memref_slice %arg10[%add3A_38, %dma_wait3A_95] : memref<10240x128xf32, #tpu.memory_space<vmem_shared>> -> memref<80x128xf32, #tpu.memory_space<vmem_shared>>
      tpu.wait_dma2 semaphore(%run_scoped3A_88 : memref<!tpu.dma_semaphore, #tpu.memory_space<semaphore_mem>>) src(%arg8 : memref<80x128xf32, #tpu.memory_space<vmem>>) dst(%dma_wait3A_96 : memref<80x128xf32, #tpu.memory_space<vmem_shared>>)
      tpu.yield
    }) : () -> ()
    %mul3A_39 = arith.constant 640 : i32
    %mul3A_40 = arith.muli %arg1, %mul3A_39 : i32
    %add3A_41 = arith.constant 400 : i32
    %add3A_42 = arith.addi %mul3A_40, %add3A_41 : i32
    "tpu.region"() ({
      %run_scoped3A_88 = tpu.sem_alloc : memref<!tpu.dma_semaphore, #tpu.memory_space<semaphore_mem>>
      %dma_start3A_89 = arith.constant 0 : i32
      %dma_start3A_90 = tpu.memref_slice %arg10[%add3A_42, %dma_start3A_89] : memref<10240x128xf32, #tpu.memory_space<vmem_shared>> -> memref<80x128xf32, #tpu.memory_space<vmem_shared>>
      %dma_start3A_91 = arith.constant 0 : i32
      %dma_start3A_92 = tpu.memref_slice %arg10[%add3A_42, %dma_start3A_91] : memref<10240x128xf32, #tpu.memory_space<vmem_shared>> -> memref<80x128xf32, #tpu.memory_space<vmem_shared>>
      tpu.enqueue_dma source(%arg8 : memref<80x128xf32, #tpu.memory_space<vmem>>) target(%dma_start3A_92 : memref<80x128xf32, #tpu.memory_space<vmem_shared>>) target_semaphore(%run_scoped3A_88 : memref<!tpu.dma_semaphore, #tpu.memory_space<semaphore_mem>>)
      %dma_wait3A_93 = arith.constant 0 : i32
      %dma_wait3A_94 = tpu.memref_slice %arg10[%add3A_42, %dma_wait3A_93] : memref<10240x128xf32, #tpu.memory_space<vmem_shared>> -> memref<80x128xf32, #tpu.memory_space<vmem_shared>>
      %dma_wait3A_95 = arith.constant 0 : i32
      %dma_wait3A_96 = tpu.memref_slice %arg10[%add3A_42, %dma_wait3A_95] : memref<10240x128xf32, #tpu.memory_space<vmem_shared>> -> memref<80x128xf32, #tpu.memory_space<vmem_shared>>
      tpu.wait_dma2 semaphore(%run_scoped3A_88 : memref<!tpu.dma_semaphore, #tpu.memory_space<semaphore_mem>>) src(%arg8 : memref<80x128xf32, #tpu.memory_space<vmem>>) dst(%dma_wait3A_96 : memref<80x128xf32, #tpu.memory_space<vmem_shared>>)
      tpu.yield
    }) : () -> ()
    %mul3A_43 = arith.constant 640 : i32
    %mul3A_44 = arith.muli %arg1, %mul3A_43 : i32
    %add3A_45 = arith.constant 480 : i32
    %add3A_46 = arith.addi %mul3A_44, %add3A_45 : i32
    "tpu.region"() ({
      %run_scoped3A_88 = tpu.sem_alloc : memref<!tpu.dma_semaphore, #tpu.memory_space<semaphore_mem>>
      %dma_start3A_89 = arith.constant 0 : i32
      %dma_start3A_90 = tpu.memref_slice %arg10[%add3A_46, %dma_start3A_89] : memref<10240x128xf32, #tpu.memory_space<vmem_shared>> -> memref<80x128xf32, #tpu.memory_space<vmem_shared>>
      %dma_start3A_91 = arith.constant 0 : i32
      %dma_start3A_92 = tpu.memref_slice %arg10[%add3A_46, %dma_start3A_91] : memref<10240x128xf32, #tpu.memory_space<vmem_shared>> -> memref<80x128xf32, #tpu.memory_space<vmem_shared>>
      tpu.enqueue_dma source(%arg8 : memref<80x128xf32, #tpu.memory_space<vmem>>) target(%dma_start3A_92 : memref<80x128xf32, #tpu.memory_space<vmem_shared>>) target_semaphore(%run_scoped3A_88 : memref<!tpu.dma_semaphore, #tpu.memory_space<semaphore_mem>>)
      %dma_wait3A_93 = arith.constant 0 : i32
      %dma_wait3A_94 = tpu.memref_slice %arg10[%add3A_46, %dma_wait3A_93] : memref<10240x128xf32, #tpu.memory_space<vmem_shared>> -> memref<80x128xf32, #tpu.memory_space<vmem_shared>>
      %dma_wait3A_95 = arith.constant 0 : i32
      %dma_wait3A_96 = tpu.memref_slice %arg10[%add3A_46, %dma_wait3A_95] : memref<10240x128xf32, #tpu.memory_space<vmem_shared>> -> memref<80x128xf32, #tpu.memory_space<vmem_shared>>
      tpu.wait_dma2 semaphore(%run_scoped3A_88 : memref<!tpu.dma_semaphore, #tpu.memory_space<semaphore_mem>>) src(%arg8 : memref<80x128xf32, #tpu.memory_space<vmem>>) dst(%dma_wait3A_96 : memref<80x128xf32, #tpu.memory_space<vmem_shared>>)
      tpu.yield
    }) : () -> ()
    %mul3A_47 = arith.constant 640 : i32
    %mul3A_48 = arith.muli %arg1, %mul3A_47 : i32
    %add3A_49 = arith.constant 560 : i32
    %add3A_50 = arith.addi %mul3A_48, %add3A_49 : i32
    "tpu.region"() ({
      %run_scoped3A_88 = tpu.sem_alloc : memref<!tpu.dma_semaphore, #tpu.memory_space<semaphore_mem>>
      %dma_start3A_89 = arith.constant 0 : i32
      %dma_start3A_90 = tpu.memref_slice %arg10[%add3A_50, %dma_start3A_89] : memref<10240x128xf32, #tpu.memory_space<vmem_shared>> -> memref<80x128xf32, #tpu.memory_space<vmem_shared>>
      %dma_start3A_91 = arith.constant 0 : i32
      %dma_start3A_92 = tpu.memref_slice %arg10[%add3A_50, %dma_start3A_91] : memref<10240x128xf32, #tpu.memory_space<vmem_shared>> -> memref<80x128xf32, #tpu.memory_space<vmem_shared>>
      tpu.enqueue_dma source(%arg8 : memref<80x128xf32, #tpu.memory_space<vmem>>) target(%dma_start3A_92 : memref<80x128xf32, #tpu.memory_space<vmem_shared>>) target_semaphore(%run_scoped3A_88 : memref<!tpu.dma_semaphore, #tpu.memory_space<semaphore_mem>>)
      %dma_wait3A_93 = arith.constant 0 : i32
      %dma_wait3A_94 = tpu.memref_slice %arg10[%add3A_50, %dma_wait3A_93] : memref<10240x128xf32, #tpu.memory_space<vmem_shared>> -> memref<80x128xf32, #tpu.memory_space<vmem_shared>>
      %dma_wait3A_95 = arith.constant 0 : i32
      %dma_wait3A_96 = tpu.memref_slice %arg10[%add3A_50, %dma_wait3A_95] : memref<10240x128xf32, #tpu.memory_space<vmem_shared>> -> memref<80x128xf32, #tpu.memory_space<vmem_shared>>
      tpu.wait_dma2 semaphore(%run_scoped3A_88 : memref<!tpu.dma_semaphore, #tpu.memory_space<semaphore_mem>>) src(%arg8 : memref<80x128xf32, #tpu.memory_space<vmem>>) dst(%dma_wait3A_96 : memref<80x128xf32, #tpu.memory_space<vmem_shared>>)
      tpu.yield
    }) : () -> ()
    %dma_wait3A = arith.constant 0 : i32
    %dma_wait3A_51 = arith.constant 0 : i32
    %dma_wait3A_52 = tpu.memref_slice %arg4[%add3A, %dma_wait3A, %dma_wait3A_51] : memref<32x125x80xi32, #tpu.memory_space<hbm>> -> memref<1x125x80xi32, #tpu.memory_space<hbm>>
    %dma_wait3A_53 = tpu.memref_squeeze %dma_wait3A_52 : memref<1x125x80xi32, #tpu.memory_space<hbm>> -> memref<125x80xi32, #tpu.memory_space<hbm>>
    %dma_wait3A_54 = arith.constant 0 : i32
    %dma_wait3A_55 = arith.constant 0 : i32
    %dma_wait3A_56 = tpu.memref_slice %arg4[%add3A, %dma_wait3A_54, %dma_wait3A_55] : memref<32x125x80xi32, #tpu.memory_space<hbm>> -> memref<1x125x80xi32, #tpu.memory_space<hbm>>
    %dma_wait3A_57 = tpu.memref_squeeze %dma_wait3A_56 : memref<1x125x80xi32, #tpu.memory_space<hbm>> -> memref<125x80xi32, #tpu.memory_space<hbm>>
    tpu.wait_dma2 semaphore(%arg11 : memref<!tpu.dma_semaphore, #tpu.memory_space<semaphore_mem>>) src(%dma_wait3A_57 : memref<125x80xi32, #tpu.memory_space<hbm>>) dst(%arg6 : memref<125x80xi32, #tpu.memory_space<vmem>>)
    %dma_wait3A_58 = arith.constant 0 : i32
    %dma_wait3A_59 = tpu.memref_slice %arg3[%add3A, %dma_wait3A_58] : memref<32x10000xi32, #tpu.memory_space<hbm>> -> memref<1x10000xi32, #tpu.memory_space<hbm>>
    %dma_wait3A_60 = tpu.memref_squeeze %dma_wait3A_59 : memref<1x10000xi32, #tpu.memory_space<hbm>> -> memref<10000xi32, #tpu.memory_space<hbm>>
    %dma_wait3A_61 = arith.constant 0 : i32
    %dma_wait3A_62 = tpu.memref_slice %arg3[%add3A, %dma_wait3A_61] : memref<32x10000xi32, #tpu.memory_space<hbm>> -> memref<1x10000xi32, #tpu.memory_space<hbm>>
    %dma_wait3A_63 = tpu.memref_squeeze %dma_wait3A_62 : memref<1x10000xi32, #tpu.memory_space<hbm>> -> memref<10000xi32, #tpu.memory_space<hbm>>
    tpu.wait_dma2 semaphore(%arg11 : memref<!tpu.dma_semaphore, #tpu.memory_space<semaphore_mem>>) src(%dma_wait3A_63 : memref<10000xi32, #tpu.memory_space<hbm>>) dst(%arg7 : memref<10000xi32, #tpu.memory_space<vmem>>)
    %barrier3A = arith.constant 0 : index
    tpu.barrier barrier_id(%barrier3A)
    %dma_start3A_64 = arith.constant 0 : i32
    %dma_start3A_65 = tpu.memref_slice %arg7[%dma_start3A_64] : memref<10000xi32, #tpu.memory_space<vmem>> -> memref<80xi32, #tpu.memory_space<vmem>>
    %dma_start3A_66 = arith.constant 0 : i32
    %dma_start3A_67 = arith.constant 0 : i32
    %dma_start3A_68 = tpu.memref_slice %arg2[%dma_start3A_66, %dma_start3A_67] : memref<10000x128xf32, #tpu.memory_space<hbm>> -> memref<10000x128xf32, #tpu.memory_space<hbm>>
    tpu.enqueue_indirect_dma source(%dma_start3A_68 : memref<10000x128xf32, #tpu.memory_space<hbm>>) target(%arg8 : memref<80x128xf32, #tpu.memory_space<vmem>>) offsets(%dma_start3A_65 : memref<80xi32, #tpu.memory_space<vmem>>) semaphore(%arg12 : memref<!tpu.dma_semaphore, #tpu.memory_space<semaphore_mem>>)
    %scan3A_69 = arith.constant 0 : i32
    %scan3A_70 = arith.constant 0 : i32
    %scan3A_71 = arith.constant 62 : i32
    %scan3A_72 = arith.addi %scan3A_70, %scan3A_71 : i32
    %scan3A_73 = arith.constant 1 : i32
    scf.for %scan3A_88 = %scan3A_70 to %scan3A_72 step %scan3A_73  : i32 {
      %mul3A_89 = arith.constant 2 : i32
      %mul3A_90 = arith.muli %mul3A_89, %scan3A_88 : i32
      %mul3A_91 = arith.constant 2 : i32
      %mul3A_92 = arith.muli %mul3A_91, %scan3A_88 : i32
      %add3A_93 = arith.constant 1 : i32
      %add3A_94 = arith.addi %mul3A_92, %add3A_93 : i32
      %mul3A_95 = arith.constant 80 : i32
      %mul3A_96 = arith.muli %add3A_94, %mul3A_95 : i32
      %dma_start3A_97 = tpu.memref_slice %arg7[%mul3A_96] : memref<10000xi32, #tpu.memory_space<vmem>> -> memref<80xi32, #tpu.memory_space<vmem>>
      %dma_start3A_98 = arith.constant 0 : i32
      %dma_start3A_99 = arith.constant 0 : i32
      %dma_start3A_100 = tpu.memref_slice %arg2[%dma_start3A_98, %dma_start3A_99] : memref<10000x128xf32, #tpu.memory_space<hbm>> -> memref<10000x128xf32, #tpu.memory_space<hbm>>
      tpu.enqueue_indirect_dma source(%dma_start3A_100 : memref<10000x128xf32, #tpu.memory_space<hbm>>) target(%arg9 : memref<80x128xf32, #tpu.memory_space<vmem>>) offsets(%dma_start3A_97 : memref<80xi32, #tpu.memory_space<vmem>>) semaphore(%arg13 : memref<!tpu.dma_semaphore, #tpu.memory_space<semaphore_mem>>)
      %mul3A_101 = arith.constant 80 : i32
      %mul3A_102 = arith.muli %mul3A_90, %mul3A_101 : i32
      %dma_wait3A_103 = tpu.memref_slice %arg7[%mul3A_102] : memref<10000xi32, #tpu.memory_space<vmem>> -> memref<80xi32, #tpu.memory_space<vmem>>
      %dma_wait3A_104 = arith.constant 0 : i32
      %dma_wait3A_105 = arith.constant 0 : i32
      %dma_wait3A_106 = tpu.memref_slice %arg2[%dma_wait3A_104, %dma_wait3A_105] : memref<10000x128xf32, #tpu.memory_space<hbm>> -> memref<10000x128xf32, #tpu.memory_space<hbm>>
      tpu.wait_indirect_dma semaphore(%arg12 : memref<!tpu.dma_semaphore, #tpu.memory_space<semaphore_mem>>) src(%dma_wait3A_106 : memref<10000x128xf32, #tpu.memory_space<hbm>>) dst(%arg8 : memref<80x128xf32, #tpu.memory_space<vmem>>)
      "tpu.region"() ({
        %run_scoped3A_117 = tpu.sem_alloc : memref<!tpu.dma_semaphore, #tpu.memory_space<semaphore_mem>>
        %dma_start3A_118 = arith.constant 0 : i32
        %dma_start3A_119 = tpu.memref_slice %arg6[%mul3A_90, %dma_start3A_118] : memref<125x80xi32, #tpu.memory_space<vmem>> -> memref<1x80xi32, #tpu.memory_space<vmem>>
        %dma_start3A_120 = tpu.memref_squeeze %dma_start3A_119 : memref<1x80xi32, #tpu.memory_space<vmem>> -> memref<80xi32, #tpu.memory_space<vmem>>
        %dma_start3A_121 = arith.constant 0 : i32
        %dma_start3A_122 = arith.constant 0 : i32
        %dma_start3A_123 = tpu.memref_slice %arg10[%dma_start3A_121, %dma_start3A_122] : memref<10240x128xf32, #tpu.memory_space<vmem_shared>> -> memref<10240x128xf32, #tpu.memory_space<vmem_shared>>
        tpu.enqueue_indirect_dma source(%arg8 : memref<80x128xf32, #tpu.memory_space<vmem>>) target(%dma_start3A_123 : memref<10240x128xf32, #tpu.memory_space<vmem_shared>>) offsets(%dma_start3A_120 : memref<80xi32, #tpu.memory_space<vmem>>) semaphore(%run_scoped3A_117 : memref<!tpu.dma_semaphore, #tpu.memory_space<semaphore_mem>>) {add = true}
        %dma_wait3A_124 = arith.constant 0 : i32
        %dma_wait3A_125 = tpu.memref_slice %arg6[%mul3A_90, %dma_wait3A_124] : memref<125x80xi32, #tpu.memory_space<vmem>> -> memref<1x80xi32, #tpu.memory_space<vmem>>
        %dma_wait3A_126 = tpu.memref_squeeze %dma_wait3A_125 : memref<1x80xi32, #tpu.memory_space<vmem>> -> memref<80xi32, #tpu.memory_space<vmem>>
        %dma_wait3A_127 = arith.constant 0 : i32
        %dma_wait3A_128 = arith.constant 0 : i32
        %dma_wait3A_129 = tpu.memref_slice %arg10[%dma_wait3A_127, %dma_wait3A_128] : memref<10240x128xf32, #tpu.memory_space<vmem_shared>> -> memref<10240x128xf32, #tpu.memory_space<vmem_shared>>
        tpu.wait_indirect_dma semaphore(%run_scoped3A_117 : memref<!tpu.dma_semaphore, #tpu.memory_space<semaphore_mem>>) src(%arg8 : memref<80x128xf32, #tpu.memory_space<vmem>>) dst(%dma_wait3A_129 : memref<10240x128xf32, #tpu.memory_space<vmem_shared>>)
        tpu.yield
      }) : () -> ()
      %add3A_107 = arith.constant 2 : i32
      %add3A_108 = arith.addi %mul3A_90, %add3A_107 : i32
      %lt3A = arith.constant 125 : i32
      %lt3A_109 = arith.cmpi slt, %add3A_108, %lt3A : i32
      %convert_element_type3A = arith.extui %lt3A_109 : i1 to i32
      %cond3A = arith.constant 0 : i32
      %cond3A_110 = arith.cmpi ne, %convert_element_type3A, %cond3A : i32
      scf.if %cond3A_110 {
        %add3A_117 = arith.constant 2 : i32
        %add3A_118 = arith.addi %mul3A_90, %add3A_117 : i32
        %mul3A_119 = arith.constant 80 : i32
        %mul3A_120 = arith.muli %add3A_118, %mul3A_119 : i32
        %dma_start3A_121 = tpu.memref_slice %arg7[%mul3A_120] : memref<10000xi32, #tpu.memory_space<vmem>> -> memref<80xi32, #tpu.memory_space<vmem>>
        %dma_start3A_122 = arith.constant 0 : i32
        %dma_start3A_123 = arith.constant 0 : i32
        %dma_start3A_124 = tpu.memref_slice %arg2[%dma_start3A_122, %dma_start3A_123] : memref<10000x128xf32, #tpu.memory_space<hbm>> -> memref<10000x128xf32, #tpu.memory_space<hbm>>
        tpu.enqueue_indirect_dma source(%dma_start3A_124 : memref<10000x128xf32, #tpu.memory_space<hbm>>) target(%arg8 : memref<80x128xf32, #tpu.memory_space<vmem>>) offsets(%dma_start3A_121 : memref<80xi32, #tpu.memory_space<vmem>>) semaphore(%arg12 : memref<!tpu.dma_semaphore, #tpu.memory_space<semaphore_mem>>)
      } else {
      }
      %mul3A_111 = arith.constant 80 : i32
      %mul3A_112 = arith.muli %add3A_94, %mul3A_111 : i32
      %dma_wait3A_113 = tpu.memref_slice %arg7[%mul3A_112] : memref<10000xi32, #tpu.memory_space<vmem>> -> memref<80xi32, #tpu.memory_space<vmem>>
      %dma_wait3A_114 = arith.constant 0 : i32
      %dma_wait3A_115 = arith.constant 0 : i32
      %dma_wait3A_116 = tpu.memref_slice %arg2[%dma_wait3A_114, %dma_wait3A_115] : memref<10000x128xf32, #tpu.memory_space<hbm>> -> memref<10000x128xf32, #tpu.memory_space<hbm>>
      tpu.wait_indirect_dma semaphore(%arg13 : memref<!tpu.dma_semaphore, #tpu.memory_space<semaphore_mem>>) src(%dma_wait3A_116 : memref<10000x128xf32, #tpu.memory_space<hbm>>) dst(%arg9 : memref<80x128xf32, #tpu.memory_space<vmem>>)
      "tpu.region"() ({
        %run_scoped3A_117 = tpu.sem_alloc : memref<!tpu.dma_semaphore, #tpu.memory_space<semaphore_mem>>
        %dma_start3A_118 = arith.constant 0 : i32
        %dma_start3A_119 = tpu.memref_slice %arg6[%add3A_94, %dma_start3A_118] : memref<125x80xi32, #tpu.memory_space<vmem>> -> memref<1x80xi32, #tpu.memory_space<vmem>>
        %dma_start3A_120 = tpu.memref_squeeze %dma_start3A_119 : memref<1x80xi32, #tpu.memory_space<vmem>> -> memref<80xi32, #tpu.memory_space<vmem>>
        %dma_start3A_121 = arith.constant 0 : i32
        %dma_start3A_122 = arith.constant 0 : i32
        %dma_start3A_123 = tpu.memref_slice %arg10[%dma_start3A_121, %dma_start3A_122] : memref<10240x128xf32, #tpu.memory_space<vmem_shared>> -> memref<10240x128xf32, #tpu.memory_space<vmem_shared>>
        tpu.enqueue_indirect_dma source(%arg9 : memref<80x128xf32, #tpu.memory_space<vmem>>) target(%dma_start3A_123 : memref<10240x128xf32, #tpu.memory_space<vmem_shared>>) offsets(%dma_start3A_120 : memref<80xi32, #tpu.memory_space<vmem>>) semaphore(%run_scoped3A_117 : memref<!tpu.dma_semaphore, #tpu.memory_space<semaphore_mem>>) {add = true}
        %dma_wait3A_124 = arith.constant 0 : i32
        %dma_wait3A_125 = tpu.memref_slice %arg6[%add3A_94, %dma_wait3A_124] : memref<125x80xi32, #tpu.memory_space<vmem>> -> memref<1x80xi32, #tpu.memory_space<vmem>>
        %dma_wait3A_126 = tpu.memref_squeeze %dma_wait3A_125 : memref<1x80xi32, #tpu.memory_space<vmem>> -> memref<80xi32, #tpu.memory_space<vmem>>
        %dma_wait3A_127 = arith.constant 0 : i32
        %dma_wait3A_128 = arith.constant 0 : i32
        %dma_wait3A_129 = tpu.memref_slice %arg10[%dma_wait3A_127, %dma_wait3A_128] : memref<10240x128xf32, #tpu.memory_space<vmem_shared>> -> memref<10240x128xf32, #tpu.memory_space<vmem_shared>>
        tpu.wait_indirect_dma semaphore(%run_scoped3A_117 : memref<!tpu.dma_semaphore, #tpu.memory_space<semaphore_mem>>) src(%arg9 : memref<80x128xf32, #tpu.memory_space<vmem>>) dst(%dma_wait3A_129 : memref<10240x128xf32, #tpu.memory_space<vmem_shared>>)
        tpu.yield
      }) : () -> ()
    }
    %scan3A_74 = arith.constant 62 : i32
    %dma_wait3A_75 = arith.constant 9920 : i32
    %dma_wait3A_76 = tpu.memref_slice %arg7[%dma_wait3A_75] : memref<10000xi32, #tpu.memory_space<vmem>> -> memref<80xi32, #tpu.memory_space<vmem>>
    %dma_wait3A_77 = arith.constant 0 : i32
    %dma_wait3A_78 = arith.constant 0 : i32
    %dma_wait3A_79 = tpu.memref_slice %arg2[%dma_wait3A_77, %dma_wait3A_78] : memref<10000x128xf32, #tpu.memory_space<hbm>> -> memref<10000x128xf32, #tpu.memory_space<hbm>>
    tpu.wait_indirect_dma semaphore(%arg12 : memref<!tpu.dma_semaphore, #tpu.memory_space<semaphore_mem>>) src(%dma_wait3A_79 : memref<10000x128xf32, #tpu.memory_space<hbm>>) dst(%arg8 : memref<80x128xf32, #tpu.memory_space<vmem>>)
    %run_scoped3A = arith.constant 124 : i32
    "tpu.region"() ({
      %run_scoped3A_88 = tpu.sem_alloc : memref<!tpu.dma_semaphore, #tpu.memory_space<semaphore_mem>>
      %dma_start3A_89 = arith.constant 0 : i32
      %dma_start3A_90 = tpu.memref_slice %arg6[%run_scoped3A, %dma_start3A_89] : memref<125x80xi32, #tpu.memory_space<vmem>> -> memref<1x80xi32, #tpu.memory_space<vmem>>
      %dma_start3A_91 = tpu.memref_squeeze %dma_start3A_90 : memref<1x80xi32, #tpu.memory_space<vmem>> -> memref<80xi32, #tpu.memory_space<vmem>>
      %dma_start3A_92 = arith.constant 0 : i32
      %dma_start3A_93 = arith.constant 0 : i32
      %dma_start3A_94 = tpu.memref_slice %arg10[%dma_start3A_92, %dma_start3A_93] : memref<10240x128xf32, #tpu.memory_space<vmem_shared>> -> memref<10240x128xf32, #tpu.memory_space<vmem_shared>>
      tpu.enqueue_indirect_dma source(%arg8 : memref<80x128xf32, #tpu.memory_space<vmem>>) target(%dma_start3A_94 : memref<10240x128xf32, #tpu.memory_space<vmem_shared>>) offsets(%dma_start3A_91 : memref<80xi32, #tpu.memory_space<vmem>>) semaphore(%run_scoped3A_88 : memref<!tpu.dma_semaphore, #tpu.memory_space<semaphore_mem>>) {add = true}
      %dma_wait3A_95 = arith.constant 0 : i32
      %dma_wait3A_96 = tpu.memref_slice %arg6[%run_scoped3A, %dma_wait3A_95] : memref<125x80xi32, #tpu.memory_space<vmem>> -> memref<1x80xi32, #tpu.memory_space<vmem>>
      %dma_wait3A_97 = tpu.memref_squeeze %dma_wait3A_96 : memref<1x80xi32, #tpu.memory_space<vmem>> -> memref<80xi32, #tpu.memory_space<vmem>>
      %dma_wait3A_98 = arith.constant 0 : i32
      %dma_wait3A_99 = arith.constant 0 : i32
      %dma_wait3A_100 = tpu.memref_slice %arg10[%dma_wait3A_98, %dma_wait3A_99] : memref<10240x128xf32, #tpu.memory_space<vmem_shared>> -> memref<10240x128xf32, #tpu.memory_space<vmem_shared>>
      tpu.wait_indirect_dma semaphore(%run_scoped3A_88 : memref<!tpu.dma_semaphore, #tpu.memory_space<semaphore_mem>>) src(%arg8 : memref<80x128xf32, #tpu.memory_space<vmem>>) dst(%dma_wait3A_100 : memref<10240x128xf32, #tpu.memory_space<vmem_shared>>)
      tpu.yield
    }) : () -> ()
    %barrier3A_80 = arith.constant 0 : index
    tpu.barrier barrier_id(%barrier3A_80)
    %mul3A_81 = arith.constant 640 : i32
    %mul3A_82 = arith.muli %arg1, %mul3A_81 : i32
    %mul3A_83 = arith.constant 10240 : i32
    %mul3A_84 = arith.muli %arg0, %mul3A_83 : i32
    %mul3A_85 = arith.constant 640 : i32
    %mul3A_86 = arith.muli %arg1, %mul3A_85 : i32
    %add3A_87 = arith.addi %mul3A_84, %mul3A_86 : i32
    "tpu.region"() ({
      %run_scoped3A_88 = tpu.sem_alloc : memref<!tpu.dma_semaphore, #tpu.memory_space<semaphore_mem>>
      %dma_start3A_89 = arith.constant 0 : i32
      %dma_start3A_90 = tpu.memref_slice %arg5[%add3A_87, %dma_start3A_89] : memref<20480x128xf32, #tpu.memory_space<hbm>> -> memref<640x128xf32, #tpu.memory_space<hbm>>
      %dma_start3A_91 = arith.constant 0 : i32
      %dma_start3A_92 = tpu.memref_slice %arg10[%mul3A_82, %dma_start3A_91] : memref<10240x128xf32, #tpu.memory_space<vmem_shared>> -> memref<640x128xf32, #tpu.memory_space<vmem_shared>>
      tpu.enqueue_dma source(%dma_start3A_92 : memref<640x128xf32, #tpu.memory_space<vmem_shared>>) target(%dma_start3A_90 : memref<640x128xf32, #tpu.memory_space<hbm>>) target_semaphore(%run_scoped3A_88 : memref<!tpu.dma_semaphore, #tpu.memory_space<semaphore_mem>>)
      %dma_wait3A_93 = arith.constant 0 : i32
      %dma_wait3A_94 = tpu.memref_slice %arg5[%add3A_87, %dma_wait3A_93] : memref<20480x128xf32, #tpu.memory_space<hbm>> -> memref<640x128xf32, #tpu.memory_space<hbm>>
      %dma_wait3A_95 = arith.constant 0 : i32
      %dma_wait3A_96 = tpu.memref_slice %arg10[%mul3A_82, %dma_wait3A_95] : memref<10240x128xf32, #tpu.memory_space<vmem_shared>> -> memref<640x128xf32, #tpu.memory_space<vmem_shared>>
      tpu.wait_dma2 semaphore(%run_scoped3A_88 : memref<!tpu.dma_semaphore, #tpu.memory_space<semaphore_mem>>) src(%dma_wait3A_96 : memref<640x128xf32, #tpu.memory_space<vmem_shared>>) dst(%dma_wait3A_94 : memref<640x128xf32, #tpu.memory_space<hbm>>)
      tpu.yield
    }) : () -> ()
    return
  }
}

#map = affine_map<(d0, d1) -> (0, 0)>
#map1 = affine_map<(d0, d1) -> (0, 0, 0)>
module attributes {stable_mosaic.version = 14 : i64} {
  func.func @_segsum_body(%arg0: i32, %arg1: i32, %arg2: memref<10000x128xf32, #tpu.memory_space<hbm>>, %arg3: memref<32x10000xi32, #tpu.memory_space<hbm>>, %arg4: memref<32x125x80xi32, #tpu.memory_space<hbm>>, %arg5: memref<20480x128xf32, #tpu.memory_space<hbm>>, %arg6: memref<125x80xi32, #tpu.memory_space<vmem>>, %arg7: memref<10000xi32, #tpu.memory_space<vmem>>, %arg8: memref<80x128xf32, #tpu.memory_space<vmem>>, %arg9: memref<80x128xf32, #tpu.memory_space<vmem>>, %arg10: memref<10240x128xf32, #tpu.memory_space<vmem_shared>>, %arg11: memref<!tpu.dma_semaphore, #tpu.memory_space<semaphore_mem>>, %arg12: memref<!tpu.dma_semaphore, #tpu.memory_space<semaphore_mem>>, %arg13: memref<!tpu.dma_semaphore, #tpu.memory_space<semaphore_mem>>) attributes {dimension_semantics = [#tpu.dimension_semantics<core_parallel>, #tpu.dimension_semantics<subcore_parallel>], iteration_bounds = array<i64: 2, 16>, scalar_prefetch = 0 : i64, scratch_operands = 8 : i64, tpu.core_type = #tpu.core_type<sc_vector_subcore>, window_params = [{transform_indices = #map}, {transform_indices = #map}, {transform_indices = #map1}, {transform_indices = #map}]} {
    %mul3A = arith.constant 16 : i32
    %mul3A_0 = arith.muli %arg0, %mul3A : i32
    %add3A = arith.addi %mul3A_0, %arg1 : i32
    %dma_start3A = arith.constant 0 : i32
    %dma_start3A_1 = arith.constant 0 : i32
    %dma_start3A_2 = tpu.memref_slice %arg4[%add3A, %dma_start3A, %dma_start3A_1] : memref<32x125x80xi32, #tpu.memory_space<hbm>> -> memref<1x125x80xi32, #tpu.memory_space<hbm>>
    %dma_start3A_3 = tpu.memref_squeeze %dma_start3A_2 : memref<1x125x80xi32, #tpu.memory_space<hbm>> -> memref<125x80xi32, #tpu.memory_space<hbm>>
    %dma_start3A_4 = arith.constant 0 : i32
    %dma_start3A_5 = arith.constant 0 : i32
    %dma_start3A_6 = tpu.memref_slice %arg4[%add3A, %dma_start3A_4, %dma_start3A_5] : memref<32x125x80xi32, #tpu.memory_space<hbm>> -> memref<1x125x80xi32, #tpu.memory_space<hbm>>
    %dma_start3A_7 = tpu.memref_squeeze %dma_start3A_6 : memref<1x125x80xi32, #tpu.memory_space<hbm>> -> memref<125x80xi32, #tpu.memory_space<hbm>>
    tpu.enqueue_dma source(%dma_start3A_7 : memref<125x80xi32, #tpu.memory_space<hbm>>) target(%arg6 : memref<125x80xi32, #tpu.memory_space<vmem>>) target_semaphore(%arg11 : memref<!tpu.dma_semaphore, #tpu.memory_space<semaphore_mem>>)
    %dma_start3A_8 = arith.constant 0 : i32
    %dma_start3A_9 = tpu.memref_slice %arg3[%add3A, %dma_start3A_8] : memref<32x10000xi32, #tpu.memory_space<hbm>> -> memref<1x10000xi32, #tpu.memory_space<hbm>>
    %dma_start3A_10 = tpu.memref_squeeze %dma_start3A_9 : memref<1x10000xi32, #tpu.memory_space<hbm>> -> memref<10000xi32, #tpu.memory_space<hbm>>
    %dma_start3A_11 = arith.constant 0 : i32
    %dma_start3A_12 = tpu.memref_slice %arg3[%add3A, %dma_start3A_11] : memref<32x10000xi32, #tpu.memory_space<hbm>> -> memref<1x10000xi32, #tpu.memory_space<hbm>>
    %dma_start3A_13 = tpu.memref_squeeze %dma_start3A_12 : memref<1x10000xi32, #tpu.memory_space<hbm>> -> memref<10000xi32, #tpu.memory_space<hbm>>
    tpu.enqueue_dma source(%dma_start3A_13 : memref<10000xi32, #tpu.memory_space<hbm>>) target(%arg7 : memref<10000xi32, #tpu.memory_space<vmem>>) target_semaphore(%arg11 : memref<!tpu.dma_semaphore, #tpu.memory_space<semaphore_mem>>)
    %scan3A = arith.constant 0 : i32
    %scan3A_14 = arith.constant 0 : i32
    %scan3A_15 = arith.constant 80 : i32
    %scan3A_16 = arith.addi %scan3A_14, %scan3A_15 : i32
    %scan3A_17 = arith.constant 1 : i32
    scf.for %scan3A_88 = %scan3A_14 to %scan3A_16 step %scan3A_17  : i32 {
      %broadcast_in_dim3A = arith.constant 0.000000e+00 : f32
      %broadcast_in_dim3A_89 = vector.broadcast %broadcast_in_dim3A : f32 to vector<16xf32>
      %swap3A = arith.index_cast %scan3A_88 : i32 to index
      %swap3A_90 = arith.constant 0 : index
      %swap3A_91 = tpu.vector_load %arg8[%swap3A, %swap3A_90] {strides = array<i32>} : memref<80x128xf32, #tpu.memory_space<vmem>>, vector<1x16xf32>,
      %swap3A_92 = vector.shape_cast %swap3A_91 : vector<1x16xf32> to vector<16xf32>
      %swap3A_93 = vector.shape_cast %broadcast_in_dim3A_89 : vector<16xf32> to vector<1x16xf32>
      tpu.vector_store %arg8[%swap3A, %swap3A_90], %swap3A_93 {strides = array<i32>} : memref<80x128xf32, #tpu.memory_space<vmem>>, vector<1x16xf32>,
      %broadcast_in_dim3A_94 = arith.constant 0.000000e+00 : f32
      %broadcast_in_dim3A_95 = vector.broadcast %broadcast_in_dim3A_94 : f32 to vector<16xf32>
      %swap3A_96 = arith.index_cast %scan3A_88 : i32 to index
      %swap3A_97 = arith.constant 16 : index
      %swap3A_98 = tpu.vector_load %arg8[%swap3A_96, %swap3A_97] {strides = array<i32>} : memref<80x128xf32, #tpu.memory_space<vmem>>, vector<1x16xf32>,
      %swap3A_99 = vector.shape_cast %swap3A_98 : vector<1x16xf32> to vector<16xf32>
      %swap3A_100 = vector.shape_cast %broadcast_in_dim3A_95 : vector<16xf32> to vector<1x16xf32>
      tpu.vector_store %arg8[%swap3A_96, %swap3A_97], %swap3A_100 {strides = array<i32>} : memref<80x128xf32, #tpu.memory_space<vmem>>, vector<1x16xf32>,
      %broadcast_in_dim3A_101 = arith.constant 0.000000e+00 : f32
      %broadcast_in_dim3A_102 = vector.broadcast %broadcast_in_dim3A_101 : f32 to vector<16xf32>
      %swap3A_103 = arith.index_cast %scan3A_88 : i32 to index
      %swap3A_104 = arith.constant 32 : index
      %swap3A_105 = tpu.vector_load %arg8[%swap3A_103, %swap3A_104] {strides = array<i32>} : memref<80x128xf32, #tpu.memory_space<vmem>>, vector<1x16xf32>,
      %swap3A_106 = vector.shape_cast %swap3A_105 : vector<1x16xf32> to vector<16xf32>
      %swap3A_107 = vector.shape_cast %broadcast_in_dim3A_102 : vector<16xf32> to vector<1x16xf32>
      tpu.vector_store %arg8[%swap3A_103, %swap3A_104], %swap3A_107 {strides = array<i32>} : memref<80x128xf32, #tpu.memory_space<vmem>>, vector<1x16xf32>,
      %broadcast_in_dim3A_108 = arith.constant 0.000000e+00 : f32
      %broadcast_in_dim3A_109 = vector.broadcast %broadcast_in_dim3A_108 : f32 to vector<16xf32>
      %swap3A_110 = arith.index_cast %scan3A_88 : i32 to index
      %swap3A_111 = arith.constant 48 : index
      %swap3A_112 = tpu.vector_load %arg8[%swap3A_110, %swap3A_111] {strides = array<i32>} : memref<80x128xf32, #tpu.memory_space<vmem>>, vector<1x16xf32>,
      %swap3A_113 = vector.shape_cast %swap3A_112 : vector<1x16xf32> to vector<16xf32>
      %swap3A_114 = vector.shape_cast %broadcast_in_dim3A_109 : vector<16xf32> to vector<1x16xf32>
      tpu.vector_store %arg8[%swap3A_110, %swap3A_111], %swap3A_114 {strides = array<i32>} : memref<80x128xf32, #tpu.memory_space<vmem>>, vector<1x16xf32>,
      %broadcast_in_dim3A_115 = arith.constant 0.000000e+00 : f32
      %broadcast_in_dim3A_116 = vector.broadcast %broadcast_in_dim3A_115 : f32 to vector<16xf32>
      %swap3A_117 = arith.index_cast %scan3A_88 : i32 to index
      %swap3A_118 = arith.constant 64 : index
      %swap3A_119 = tpu.vector_load %arg8[%swap3A_117, %swap3A_118] {strides = array<i32>} : memref<80x128xf32, #tpu.memory_space<vmem>>, vector<1x16xf32>,
      %swap3A_120 = vector.shape_cast %swap3A_119 : vector<1x16xf32> to vector<16xf32>
      %swap3A_121 = vector.shape_cast %broadcast_in_dim3A_116 : vector<16xf32> to vector<1x16xf32>
      tpu.vector_store %arg8[%swap3A_117, %swap3A_118], %swap3A_121 {strides = array<i32>} : memref<80x128xf32, #tpu.memory_space<vmem>>, vector<1x16xf32>,
      %broadcast_in_dim3A_122 = arith.constant 0.000000e+00 : f32
      %broadcast_in_dim3A_123 = vector.broadcast %broadcast_in_dim3A_122 : f32 to vector<16xf32>
      %swap3A_124 = arith.index_cast %scan3A_88 : i32 to index
      %swap3A_125 = arith.constant 80 : index
      %swap3A_126 = tpu.vector_load %arg8[%swap3A_124, %swap3A_125] {strides = array<i32>} : memref<80x128xf32, #tpu.memory_space<vmem>>, vector<1x16xf32>,
      %swap3A_127 = vector.shape_cast %swap3A_126 : vector<1x16xf32> to vector<16xf32>
      %swap3A_128 = vector.shape_cast %broadcast_in_dim3A_123 : vector<16xf32> to vector<1x16xf32>
      tpu.vector_store %arg8[%swap3A_124, %swap3A_125], %swap3A_128 {strides = array<i32>} : memref<80x128xf32, #tpu.memory_space<vmem>>, vector<1x16xf32>,
      %broadcast_in_dim3A_129 = arith.constant 0.000000e+00 : f32
      %broadcast_in_dim3A_130 = vector.broadcast %broadcast_in_dim3A_129 : f32 to vector<16xf32>
      %swap3A_131 = arith.index_cast %scan3A_88 : i32 to index
      %swap3A_132 = arith.constant 96 : index
      %swap3A_133 = tpu.vector_load %arg8[%swap3A_131, %swap3A_132] {strides = array<i32>} : memref<80x128xf32, #tpu.memory_space<vmem>>, vector<1x16xf32>,
      %swap3A_134 = vector.shape_cast %swap3A_133 : vector<1x16xf32> to vector<16xf32>
      %swap3A_135 = vector.shape_cast %broadcast_in_dim3A_130 : vector<16xf32> to vector<1x16xf32>
      tpu.vector_store %arg8[%swap3A_131, %swap3A_132], %swap3A_135 {strides = array<i32>} : memref<80x128xf32, #tpu.memory_space<vmem>>, vector<1x16xf32>,
      %broadcast_in_dim3A_136 = arith.constant 0.000000e+00 : f32
      %broadcast_in_dim3A_137 = vector.broadcast %broadcast_in_dim3A_136 : f32 to vector<16xf32>
      %swap3A_138 = arith.index_cast %scan3A_88 : i32 to index
      %swap3A_139 = arith.constant 112 : index
      %swap3A_140 = tpu.vector_load %arg8[%swap3A_138, %swap3A_139] {strides = array<i32>} : memref<80x128xf32, #tpu.memory_space<vmem>>, vector<1x16xf32>,
      %swap3A_141 = vector.shape_cast %swap3A_140 : vector<1x16xf32> to vector<16xf32>
      %swap3A_142 = vector.shape_cast %broadcast_in_dim3A_137 : vector<16xf32> to vector<1x16xf32>
      tpu.vector_store %arg8[%swap3A_138, %swap3A_139], %swap3A_142 {strides = array<i32>} : memref<80x128xf32, #tpu.memory_space<vmem>>, vector<1x16xf32>,
    }
    %scan3A_18 = arith.constant 80 : i32
    %mul3A_19 = arith.constant 640 : i32
    %mul3A_20 = arith.muli %arg1, %mul3A_19 : i32
    %add3A_21 = arith.constant 0 : i32
    %add3A_22 = arith.addi %mul3A_20, %add3A_21 : i32
    "tpu.region"() ({
      %run_scoped3A_88 = tpu.sem_alloc : memref<!tpu.dma_semaphore, #tpu.memory_space<semaphore_mem>>
      %dma_start3A_89 = arith.constant 0 : i32
      %dma_start3A_90 = tpu.memref_slice %arg10[%add3A_22, %dma_start3A_89] : memref<10240x128xf32, #tpu.memory_space<vmem_shared>> -> memref<80x128xf32, #tpu.memory_space<vmem_shared>>
      %dma_start3A_91 = arith.constant 0 : i32
      %dma_start3A_92 = tpu.memref_slice %arg10[%add3A_22, %dma_start3A_91] : memref<10240x128xf32, #tpu.memory_space<vmem_shared>> -> memref<80x128xf32, #tpu.memory_space<vmem_shared>>
      tpu.enqueue_dma source(%arg8 : memref<80x128xf32, #tpu.memory_space<vmem>>) target(%dma_start3A_92 : memref<80x128xf32, #tpu.memory_space<vmem_shared>>) target_semaphore(%run_scoped3A_88 : memref<!tpu.dma_semaphore, #tpu.memory_space<semaphore_mem>>)
      %dma_wait3A_93 = arith.constant 0 : i32
      %dma_wait3A_94 = tpu.memref_slice %arg10[%add3A_22, %dma_wait3A_93] : memref<10240x128xf32, #tpu.memory_space<vmem_shared>> -> memref<80x128xf32, #tpu.memory_space<vmem_shared>>
      %dma_wait3A_95 = arith.constant 0 : i32
      %dma_wait3A_96 = tpu.memref_slice %arg10[%add3A_22, %dma_wait3A_95] : memref<10240x128xf32, #tpu.memory_space<vmem_shared>> -> memref<80x128xf32, #tpu.memory_space<vmem_shared>>
      tpu.wait_dma2 semaphore(%run_scoped3A_88 : memref<!tpu.dma_semaphore, #tpu.memory_space<semaphore_mem>>) src(%arg8 : memref<80x128xf32, #tpu.memory_space<vmem>>) dst(%dma_wait3A_96 : memref<80x128xf32, #tpu.memory_space<vmem_shared>>)
      tpu.yield
    }) : () -> ()
    %mul3A_23 = arith.constant 640 : i32
    %mul3A_24 = arith.muli %arg1, %mul3A_23 : i32
    %add3A_25 = arith.constant 80 : i32
    %add3A_26 = arith.addi %mul3A_24, %add3A_25 : i32
    "tpu.region"() ({
      %run_scoped3A_88 = tpu.sem_alloc : memref<!tpu.dma_semaphore, #tpu.memory_space<semaphore_mem>>
      %dma_start3A_89 = arith.constant 0 : i32
      %dma_start3A_90 = tpu.memref_slice %arg10[%add3A_26, %dma_start3A_89] : memref<10240x128xf32, #tpu.memory_space<vmem_shared>> -> memref<80x128xf32, #tpu.memory_space<vmem_shared>>
      %dma_start3A_91 = arith.constant 0 : i32
      %dma_start3A_92 = tpu.memref_slice %arg10[%add3A_26, %dma_start3A_91] : memref<10240x128xf32, #tpu.memory_space<vmem_shared>> -> memref<80x128xf32, #tpu.memory_space<vmem_shared>>
      tpu.enqueue_dma source(%arg8 : memref<80x128xf32, #tpu.memory_space<vmem>>) target(%dma_start3A_92 : memref<80x128xf32, #tpu.memory_space<vmem_shared>>) target_semaphore(%run_scoped3A_88 : memref<!tpu.dma_semaphore, #tpu.memory_space<semaphore_mem>>)
      %dma_wait3A_93 = arith.constant 0 : i32
      %dma_wait3A_94 = tpu.memref_slice %arg10[%add3A_26, %dma_wait3A_93] : memref<10240x128xf32, #tpu.memory_space<vmem_shared>> -> memref<80x128xf32, #tpu.memory_space<vmem_shared>>
      %dma_wait3A_95 = arith.constant 0 : i32
      %dma_wait3A_96 = tpu.memref_slice %arg10[%add3A_26, %dma_wait3A_95] : memref<10240x128xf32, #tpu.memory_space<vmem_shared>> -> memref<80x128xf32, #tpu.memory_space<vmem_shared>>
      tpu.wait_dma2 semaphore(%run_scoped3A_88 : memref<!tpu.dma_semaphore, #tpu.memory_space<semaphore_mem>>) src(%arg8 : memref<80x128xf32, #tpu.memory_space<vmem>>) dst(%dma_wait3A_96 : memref<80x128xf32, #tpu.memory_space<vmem_shared>>)
      tpu.yield
    }) : () -> ()
    %mul3A_27 = arith.constant 640 : i32
    %mul3A_28 = arith.muli %arg1, %mul3A_27 : i32
    %add3A_29 = arith.constant 160 : i32
    %add3A_30 = arith.addi %mul3A_28, %add3A_29 : i32
    "tpu.region"() ({
      %run_scoped3A_88 = tpu.sem_alloc : memref<!tpu.dma_semaphore, #tpu.memory_space<semaphore_mem>>
      %dma_start3A_89 = arith.constant 0 : i32
      %dma_start3A_90 = tpu.memref_slice %arg10[%add3A_30, %dma_start3A_89] : memref<10240x128xf32, #tpu.memory_space<vmem_shared>> -> memref<80x128xf32, #tpu.memory_space<vmem_shared>>
      %dma_start3A_91 = arith.constant 0 : i32
      %dma_start3A_92 = tpu.memref_slice %arg10[%add3A_30, %dma_start3A_91] : memref<10240x128xf32, #tpu.memory_space<vmem_shared>> -> memref<80x128xf32, #tpu.memory_space<vmem_shared>>
      tpu.enqueue_dma source(%arg8 : memref<80x128xf32, #tpu.memory_space<vmem>>) target(%dma_start3A_92 : memref<80x128xf32, #tpu.memory_space<vmem_shared>>) target_semaphore(%run_scoped3A_88 : memref<!tpu.dma_semaphore, #tpu.memory_space<semaphore_mem>>)
      %dma_wait3A_93 = arith.constant 0 : i32
      %dma_wait3A_94 = tpu.memref_slice %arg10[%add3A_30, %dma_wait3A_93] : memref<10240x128xf32, #tpu.memory_space<vmem_shared>> -> memref<80x128xf32, #tpu.memory_space<vmem_shared>>
      %dma_wait3A_95 = arith.constant 0 : i32
      %dma_wait3A_96 = tpu.memref_slice %arg10[%add3A_30, %dma_wait3A_95] : memref<10240x128xf32, #tpu.memory_space<vmem_shared>> -> memref<80x128xf32, #tpu.memory_space<vmem_shared>>
      tpu.wait_dma2 semaphore(%run_scoped3A_88 : memref<!tpu.dma_semaphore, #tpu.memory_space<semaphore_mem>>) src(%arg8 : memref<80x128xf32, #tpu.memory_space<vmem>>) dst(%dma_wait3A_96 : memref<80x128xf32, #tpu.memory_space<vmem_shared>>)
      tpu.yield
    }) : () -> ()
    %mul3A_31 = arith.constant 640 : i32
    %mul3A_32 = arith.muli %arg1, %mul3A_31 : i32
    %add3A_33 = arith.constant 240 : i32
    %add3A_34 = arith.addi %mul3A_32, %add3A_33 : i32
    "tpu.region"() ({
      %run_scoped3A_88 = tpu.sem_alloc : memref<!tpu.dma_semaphore, #tpu.memory_space<semaphore_mem>>
      %dma_start3A_89 = arith.constant 0 : i32
      %dma_start3A_90 = tpu.memref_slice %arg10[%add3A_34, %dma_start3A_89] : memref<10240x128xf32, #tpu.memory_space<vmem_shared>> -> memref<80x128xf32, #tpu.memory_space<vmem_shared>>
      %dma_start3A_91 = arith.constant 0 : i32
      %dma_start3A_92 = tpu.memref_slice %arg10[%add3A_34, %dma_start3A_91] : memref<10240x128xf32, #tpu.memory_space<vmem_shared>> -> memref<80x128xf32, #tpu.memory_space<vmem_shared>>
      tpu.enqueue_dma source(%arg8 : memref<80x128xf32, #tpu.memory_space<vmem>>) target(%dma_start3A_92 : memref<80x128xf32, #tpu.memory_space<vmem_shared>>) target_semaphore(%run_scoped3A_88 : memref<!tpu.dma_semaphore, #tpu.memory_space<semaphore_mem>>)
      %dma_wait3A_93 = arith.constant 0 : i32
      %dma_wait3A_94 = tpu.memref_slice %arg10[%add3A_34, %dma_wait3A_93] : memref<10240x128xf32, #tpu.memory_space<vmem_shared>> -> memref<80x128xf32, #tpu.memory_space<vmem_shared>>
      %dma_wait3A_95 = arith.constant 0 : i32
      %dma_wait3A_96 = tpu.memref_slice %arg10[%add3A_34, %dma_wait3A_95] : memref<10240x128xf32, #tpu.memory_space<vmem_shared>> -> memref<80x128xf32, #tpu.memory_space<vmem_shared>>
      tpu.wait_dma2 semaphore(%run_scoped3A_88 : memref<!tpu.dma_semaphore, #tpu.memory_space<semaphore_mem>>) src(%arg8 : memref<80x128xf32, #tpu.memory_space<vmem>>) dst(%dma_wait3A_96 : memref<80x128xf32, #tpu.memory_space<vmem_shared>>)
      tpu.yield
    }) : () -> ()
    %mul3A_35 = arith.constant 640 : i32
    %mul3A_36 = arith.muli %arg1, %mul3A_35 : i32
    %add3A_37 = arith.constant 320 : i32
    %add3A_38 = arith.addi %mul3A_36, %add3A_37 : i32
    "tpu.region"() ({
      %run_scoped3A_88 = tpu.sem_alloc : memref<!tpu.dma_semaphore, #tpu.memory_space<semaphore_mem>>
      %dma_start3A_89 = arith.constant 0 : i32
      %dma_start3A_90 = tpu.memref_slice %arg10[%add3A_38, %dma_start3A_89] : memref<10240x128xf32, #tpu.memory_space<vmem_shared>> -> memref<80x128xf32, #tpu.memory_space<vmem_shared>>
      %dma_start3A_91 = arith.constant 0 : i32
      %dma_start3A_92 = tpu.memref_slice %arg10[%add3A_38, %dma_start3A_91] : memref<10240x128xf32, #tpu.memory_space<vmem_shared>> -> memref<80x128xf32, #tpu.memory_space<vmem_shared>>
      tpu.enqueue_dma source(%arg8 : memref<80x128xf32, #tpu.memory_space<vmem>>) target(%dma_start3A_92 : memref<80x128xf32, #tpu.memory_space<vmem_shared>>) target_semaphore(%run_scoped3A_88 : memref<!tpu.dma_semaphore, #tpu.memory_space<semaphore_mem>>)
      %dma_wait3A_93 = arith.constant 0 : i32
      %dma_wait3A_94 = tpu.memref_slice %arg10[%add3A_38, %dma_wait3A_93] : memref<10240x128xf32, #tpu.memory_space<vmem_shared>> -> memref<80x128xf32, #tpu.memory_space<vmem_shared>>
      %dma_wait3A_95 = arith.constant 0 : i32
      %dma_wait3A_96 = tpu.memref_slice %arg10[%add3A_38, %dma_wait3A_95] : memref<10240x128xf32, #tpu.memory_space<vmem_shared>> -> memref<80x128xf32, #tpu.memory_space<vmem_shared>>
      tpu.wait_dma2 semaphore(%run_scoped3A_88 : memref<!tpu.dma_semaphore, #tpu.memory_space<semaphore_mem>>) src(%arg8 : memref<80x128xf32, #tpu.memory_space<vmem>>) dst(%dma_wait3A_96 : memref<80x128xf32, #tpu.memory_space<vmem_shared>>)
      tpu.yield
    }) : () -> ()
    %mul3A_39 = arith.constant 640 : i32
    %mul3A_40 = arith.muli %arg1, %mul3A_39 : i32
    %add3A_41 = arith.constant 400 : i32
    %add3A_42 = arith.addi %mul3A_40, %add3A_41 : i32
    "tpu.region"() ({
      %run_scoped3A_88 = tpu.sem_alloc : memref<!tpu.dma_semaphore, #tpu.memory_space<semaphore_mem>>
      %dma_start3A_89 = arith.constant 0 : i32
      %dma_start3A_90 = tpu.memref_slice %arg10[%add3A_42, %dma_start3A_89] : memref<10240x128xf32, #tpu.memory_space<vmem_shared>> -> memref<80x128xf32, #tpu.memory_space<vmem_shared>>
      %dma_start3A_91 = arith.constant 0 : i32
      %dma_start3A_92 = tpu.memref_slice %arg10[%add3A_42, %dma_start3A_91] : memref<10240x128xf32, #tpu.memory_space<vmem_shared>> -> memref<80x128xf32, #tpu.memory_space<vmem_shared>>
      tpu.enqueue_dma source(%arg8 : memref<80x128xf32, #tpu.memory_space<vmem>>) target(%dma_start3A_92 : memref<80x128xf32, #tpu.memory_space<vmem_shared>>) target_semaphore(%run_scoped3A_88 : memref<!tpu.dma_semaphore, #tpu.memory_space<semaphore_mem>>)
      %dma_wait3A_93 = arith.constant 0 : i32
      %dma_wait3A_94 = tpu.memref_slice %arg10[%add3A_42, %dma_wait3A_93] : memref<10240x128xf32, #tpu.memory_space<vmem_shared>> -> memref<80x128xf32, #tpu.memory_space<vmem_shared>>
      %dma_wait3A_95 = arith.constant 0 : i32
      %dma_wait3A_96 = tpu.memref_slice %arg10[%add3A_42, %dma_wait3A_95] : memref<10240x128xf32, #tpu.memory_space<vmem_shared>> -> memref<80x128xf32, #tpu.memory_space<vmem_shared>>
      tpu.wait_dma2 semaphore(%run_scoped3A_88 : memref<!tpu.dma_semaphore, #tpu.memory_space<semaphore_mem>>) src(%arg8 : memref<80x128xf32, #tpu.memory_space<vmem>>) dst(%dma_wait3A_96 : memref<80x128xf32, #tpu.memory_space<vmem_shared>>)
      tpu.yield
    }) : () -> ()
    %mul3A_43 = arith.constant 640 : i32
    %mul3A_44 = arith.muli %arg1, %mul3A_43 : i32
    %add3A_45 = arith.constant 480 : i32
    %add3A_46 = arith.addi %mul3A_44, %add3A_45 : i32
    "tpu.region"() ({
      %run_scoped3A_88 = tpu.sem_alloc : memref<!tpu.dma_semaphore, #tpu.memory_space<semaphore_mem>>
      %dma_start3A_89 = arith.constant 0 : i32
      %dma_start3A_90 = tpu.memref_slice %arg10[%add3A_46, %dma_start3A_89] : memref<10240x128xf32, #tpu.memory_space<vmem_shared>> -> memref<80x128xf32, #tpu.memory_space<vmem_shared>>
      %dma_start3A_91 = arith.constant 0 : i32
      %dma_start3A_92 = tpu.memref_slice %arg10[%add3A_46, %dma_start3A_91] : memref<10240x128xf32, #tpu.memory_space<vmem_shared>> -> memref<80x128xf32, #tpu.memory_space<vmem_shared>>
      tpu.enqueue_dma source(%arg8 : memref<80x128xf32, #tpu.memory_space<vmem>>) target(%dma_start3A_92 : memref<80x128xf32, #tpu.memory_space<vmem_shared>>) target_semaphore(%run_scoped3A_88 : memref<!tpu.dma_semaphore, #tpu.memory_space<semaphore_mem>>)
      %dma_wait3A_93 = arith.constant 0 : i32
      %dma_wait3A_94 = tpu.memref_slice %arg10[%add3A_46, %dma_wait3A_93] : memref<10240x128xf32, #tpu.memory_space<vmem_shared>> -> memref<80x128xf32, #tpu.memory_space<vmem_shared>>
      %dma_wait3A_95 = arith.constant 0 : i32
      %dma_wait3A_96 = tpu.memref_slice %arg10[%add3A_46, %dma_wait3A_95] : memref<10240x128xf32, #tpu.memory_space<vmem_shared>> -> memref<80x128xf32, #tpu.memory_space<vmem_shared>>
      tpu.wait_dma2 semaphore(%run_scoped3A_88 : memref<!tpu.dma_semaphore, #tpu.memory_space<semaphore_mem>>) src(%arg8 : memref<80x128xf32, #tpu.memory_space<vmem>>) dst(%dma_wait3A_96 : memref<80x128xf32, #tpu.memory_space<vmem_shared>>)
      tpu.yield
    }) : () -> ()
    %mul3A_47 = arith.constant 640 : i32
    %mul3A_48 = arith.muli %arg1, %mul3A_47 : i32
    %add3A_49 = arith.constant 560 : i32
    %add3A_50 = arith.addi %mul3A_48, %add3A_49 : i32
    "tpu.region"() ({
      %run_scoped3A_88 = tpu.sem_alloc : memref<!tpu.dma_semaphore, #tpu.memory_space<semaphore_mem>>
      %dma_start3A_89 = arith.constant 0 : i32
      %dma_start3A_90 = tpu.memref_slice %arg10[%add3A_50, %dma_start3A_89] : memref<10240x128xf32, #tpu.memory_space<vmem_shared>> -> memref<80x128xf32, #tpu.memory_space<vmem_shared>>
      %dma_start3A_91 = arith.constant 0 : i32
      %dma_start3A_92 = tpu.memref_slice %arg10[%add3A_50, %dma_start3A_91] : memref<10240x128xf32, #tpu.memory_space<vmem_shared>> -> memref<80x128xf32, #tpu.memory_space<vmem_shared>>
      tpu.enqueue_dma source(%arg8 : memref<80x128xf32, #tpu.memory_space<vmem>>) target(%dma_start3A_92 : memref<80x128xf32, #tpu.memory_space<vmem_shared>>) target_semaphore(%run_scoped3A_88 : memref<!tpu.dma_semaphore, #tpu.memory_space<semaphore_mem>>)
      %dma_wait3A_93 = arith.constant 0 : i32
      %dma_wait3A_94 = tpu.memref_slice %arg10[%add3A_50, %dma_wait3A_93] : memref<10240x128xf32, #tpu.memory_space<vmem_shared>> -> memref<80x128xf32, #tpu.memory_space<vmem_shared>>
      %dma_wait3A_95 = arith.constant 0 : i32
      %dma_wait3A_96 = tpu.memref_slice %arg10[%add3A_50, %dma_wait3A_95] : memref<10240x128xf32, #tpu.memory_space<vmem_shared>> -> memref<80x128xf32, #tpu.memory_space<vmem_shared>>
      tpu.wait_dma2 semaphore(%run_scoped3A_88 : memref<!tpu.dma_semaphore, #tpu.memory_space<semaphore_mem>>) src(%arg8 : memref<80x128xf32, #tpu.memory_space<vmem>>) dst(%dma_wait3A_96 : memref<80x128xf32, #tpu.memory_space<vmem_shared>>)
      tpu.yield
    }) : () -> ()
    %dma_wait3A = arith.constant 0 : i32
    %dma_wait3A_51 = arith.constant 0 : i32
    %dma_wait3A_52 = tpu.memref_slice %arg4[%add3A, %dma_wait3A, %dma_wait3A_51] : memref<32x125x80xi32, #tpu.memory_space<hbm>> -> memref<1x125x80xi32, #tpu.memory_space<hbm>>
    %dma_wait3A_53 = tpu.memref_squeeze %dma_wait3A_52 : memref<1x125x80xi32, #tpu.memory_space<hbm>> -> memref<125x80xi32, #tpu.memory_space<hbm>>
    %dma_wait3A_54 = arith.constant 0 : i32
    %dma_wait3A_55 = arith.constant 0 : i32
    %dma_wait3A_56 = tpu.memref_slice %arg4[%add3A, %dma_wait3A_54, %dma_wait3A_55] : memref<32x125x80xi32, #tpu.memory_space<hbm>> -> memref<1x125x80xi32, #tpu.memory_space<hbm>>
    %dma_wait3A_57 = tpu.memref_squeeze %dma_wait3A_56 : memref<1x125x80xi32, #tpu.memory_space<hbm>> -> memref<125x80xi32, #tpu.memory_space<hbm>>
    tpu.wait_dma2 semaphore(%arg11 : memref<!tpu.dma_semaphore, #tpu.memory_space<semaphore_mem>>) src(%dma_wait3A_57 : memref<125x80xi32, #tpu.memory_space<hbm>>) dst(%arg6 : memref<125x80xi32, #tpu.memory_space<vmem>>)
    %dma_wait3A_58 = arith.constant 0 : i32
    %dma_wait3A_59 = tpu.memref_slice %arg3[%add3A, %dma_wait3A_58] : memref<32x10000xi32, #tpu.memory_space<hbm>> -> memref<1x10000xi32, #tpu.memory_space<hbm>>
    %dma_wait3A_60 = tpu.memref_squeeze %dma_wait3A_59 : memref<1x10000xi32, #tpu.memory_space<hbm>> -> memref<10000xi32, #tpu.memory_space<hbm>>
    %dma_wait3A_61 = arith.constant 0 : i32
    %dma_wait3A_62 = tpu.memref_slice %arg3[%add3A, %dma_wait3A_61] : memref<32x10000xi32, #tpu.memory_space<hbm>> -> memref<1x10000xi32, #tpu.memory_space<hbm>>
    %dma_wait3A_63 = tpu.memref_squeeze %dma_wait3A_62 : memref<1x10000xi32, #tpu.memory_space<hbm>> -> memref<10000xi32, #tpu.memory_space<hbm>>
    tpu.wait_dma2 semaphore(%arg11 : memref<!tpu.dma_semaphore, #tpu.memory_space<semaphore_mem>>) src(%dma_wait3A_63 : memref<10000xi32, #tpu.memory_space<hbm>>) dst(%arg7 : memref<10000xi32, #tpu.memory_space<vmem>>)
    %barrier3A = arith.constant 0 : index
    tpu.barrier barrier_id(%barrier3A)
    %dma_start3A_64 = arith.constant 0 : i32
    %dma_start3A_65 = tpu.memref_slice %arg7[%dma_start3A_64] : memref<10000xi32, #tpu.memory_space<vmem>> -> memref<80xi32, #tpu.memory_space<vmem>>
    %dma_start3A_66 = arith.constant 0 : i32
    %dma_start3A_67 = arith.constant 0 : i32
    %dma_start3A_68 = tpu.memref_slice %arg2[%dma_start3A_66, %dma_start3A_67] : memref<10000x128xf32, #tpu.memory_space<hbm>> -> memref<10000x128xf32, #tpu.memory_space<hbm>>
    tpu.enqueue_indirect_dma source(%dma_start3A_68 : memref<10000x128xf32, #tpu.memory_space<hbm>>) target(%arg8 : memref<80x128xf32, #tpu.memory_space<vmem>>) offsets(%dma_start3A_65 : memref<80xi32, #tpu.memory_space<vmem>>) semaphore(%arg12 : memref<!tpu.dma_semaphore, #tpu.memory_space<semaphore_mem>>)
    %scan3A_69 = arith.constant 0 : i32
    %scan3A_70 = arith.constant 0 : i32
    %scan3A_71 = arith.constant 62 : i32
    %scan3A_72 = arith.addi %scan3A_70, %scan3A_71 : i32
    %scan3A_73 = arith.constant 1 : i32
    scf.for %scan3A_88 = %scan3A_70 to %scan3A_72 step %scan3A_73  : i32 {
      %mul3A_89 = arith.constant 2 : i32
      %mul3A_90 = arith.muli %mul3A_89, %scan3A_88 : i32
      %mul3A_91 = arith.constant 2 : i32
      %mul3A_92 = arith.muli %mul3A_91, %scan3A_88 : i32
      %add3A_93 = arith.constant 1 : i32
      %add3A_94 = arith.addi %mul3A_92, %add3A_93 : i32
      %mul3A_95 = arith.constant 80 : i32
      %mul3A_96 = arith.muli %add3A_94, %mul3A_95 : i32
      %dma_start3A_97 = tpu.memref_slice %arg7[%mul3A_96] : memref<10000xi32, #tpu.memory_space<vmem>> -> memref<80xi32, #tpu.memory_space<vmem>>
      %dma_start3A_98 = arith.constant 0 : i32
      %dma_start3A_99 = arith.constant 0 : i32
      %dma_start3A_100 = tpu.memref_slice %arg2[%dma_start3A_98, %dma_start3A_99] : memref<10000x128xf32, #tpu.memory_space<hbm>> -> memref<10000x128xf32, #tpu.memory_space<hbm>>
      tpu.enqueue_indirect_dma source(%dma_start3A_100 : memref<10000x128xf32, #tpu.memory_space<hbm>>) target(%arg9 : memref<80x128xf32, #tpu.memory_space<vmem>>) offsets(%dma_start3A_97 : memref<80xi32, #tpu.memory_space<vmem>>) semaphore(%arg13 : memref<!tpu.dma_semaphore, #tpu.memory_space<semaphore_mem>>)
      %mul3A_101 = arith.constant 80 : i32
      %mul3A_102 = arith.muli %mul3A_90, %mul3A_101 : i32
      %dma_wait3A_103 = tpu.memref_slice %arg7[%mul3A_102] : memref<10000xi32, #tpu.memory_space<vmem>> -> memref<80xi32, #tpu.memory_space<vmem>>
      %dma_wait3A_104 = arith.constant 0 : i32
      %dma_wait3A_105 = arith.constant 0 : i32
      %dma_wait3A_106 = tpu.memref_slice %arg2[%dma_wait3A_104, %dma_wait3A_105] : memref<10000x128xf32, #tpu.memory_space<hbm>> -> memref<10000x128xf32, #tpu.memory_space<hbm>>
      tpu.wait_indirect_dma semaphore(%arg12 : memref<!tpu.dma_semaphore, #tpu.memory_space<semaphore_mem>>) src(%dma_wait3A_106 : memref<10000x128xf32, #tpu.memory_space<hbm>>) dst(%arg8 : memref<80x128xf32, #tpu.memory_space<vmem>>)
      "tpu.region"() ({
        %run_scoped3A_117 = tpu.sem_alloc : memref<!tpu.dma_semaphore, #tpu.memory_space<semaphore_mem>>
        %dma_start3A_118 = arith.constant 0 : i32
        %dma_start3A_119 = tpu.memref_slice %arg6[%mul3A_90, %dma_start3A_118] : memref<125x80xi32, #tpu.memory_space<vmem>> -> memref<1x80xi32, #tpu.memory_space<vmem>>
        %dma_start3A_120 = tpu.memref_squeeze %dma_start3A_119 : memref<1x80xi32, #tpu.memory_space<vmem>> -> memref<80xi32, #tpu.memory_space<vmem>>
        %dma_start3A_121 = arith.constant 0 : i32
        %dma_start3A_122 = arith.constant 0 : i32
        %dma_start3A_123 = tpu.memref_slice %arg10[%dma_start3A_121, %dma_start3A_122] : memref<10240x128xf32, #tpu.memory_space<vmem_shared>> -> memref<10240x128xf32, #tpu.memory_space<vmem_shared>>
        tpu.enqueue_indirect_dma source(%arg8 : memref<80x128xf32, #tpu.memory_space<vmem>>) target(%dma_start3A_123 : memref<10240x128xf32, #tpu.memory_space<vmem_shared>>) offsets(%dma_start3A_120 : memref<80xi32, #tpu.memory_space<vmem>>) semaphore(%run_scoped3A_117 : memref<!tpu.dma_semaphore, #tpu.memory_space<semaphore_mem>>) {add = true}
        %dma_wait3A_124 = arith.constant 0 : i32
        %dma_wait3A_125 = tpu.memref_slice %arg6[%mul3A_90, %dma_wait3A_124] : memref<125x80xi32, #tpu.memory_space<vmem>> -> memref<1x80xi32, #tpu.memory_space<vmem>>
        %dma_wait3A_126 = tpu.memref_squeeze %dma_wait3A_125 : memref<1x80xi32, #tpu.memory_space<vmem>> -> memref<80xi32, #tpu.memory_space<vmem>>
        %dma_wait3A_127 = arith.constant 0 : i32
        %dma_wait3A_128 = arith.constant 0 : i32
        %dma_wait3A_129 = tpu.memref_slice %arg10[%dma_wait3A_127, %dma_wait3A_128] : memref<10240x128xf32, #tpu.memory_space<vmem_shared>> -> memref<10240x128xf32, #tpu.memory_space<vmem_shared>>
        tpu.wait_indirect_dma semaphore(%run_scoped3A_117 : memref<!tpu.dma_semaphore, #tpu.memory_space<semaphore_mem>>) src(%arg8 : memref<80x128xf32, #tpu.memory_space<vmem>>) dst(%dma_wait3A_129 : memref<10240x128xf32, #tpu.memory_space<vmem_shared>>)
        tpu.yield
      }) : () -> ()
      %add3A_107 = arith.constant 2 : i32
      %add3A_108 = arith.addi %mul3A_90, %add3A_107 : i32
      %lt3A = arith.constant 125 : i32
      %lt3A_109 = arith.cmpi slt, %add3A_108, %lt3A : i32
      %convert_element_type3A = arith.extui %lt3A_109 : i1 to i32
      %cond3A = arith.constant 0 : i32
      %cond3A_110 = arith.cmpi ne, %convert_element_type3A, %cond3A : i32
      scf.if %cond3A_110 {
        %add3A_117 = arith.constant 2 : i32
        %add3A_118 = arith.addi %mul3A_90, %add3A_117 : i32
        %mul3A_119 = arith.constant 80 : i32
        %mul3A_120 = arith.muli %add3A_118, %mul3A_119 : i32
        %dma_start3A_121 = tpu.memref_slice %arg7[%mul3A_120] : memref<10000xi32, #tpu.memory_space<vmem>> -> memref<80xi32, #tpu.memory_space<vmem>>
        %dma_start3A_122 = arith.constant 0 : i32
        %dma_start3A_123 = arith.constant 0 : i32
        %dma_start3A_124 = tpu.memref_slice %arg2[%dma_start3A_122, %dma_start3A_123] : memref<10000x128xf32, #tpu.memory_space<hbm>> -> memref<10000x128xf32, #tpu.memory_space<hbm>>
        tpu.enqueue_indirect_dma source(%dma_start3A_124 : memref<10000x128xf32, #tpu.memory_space<hbm>>) target(%arg8 : memref<80x128xf32, #tpu.memory_space<vmem>>) offsets(%dma_start3A_121 : memref<80xi32, #tpu.memory_space<vmem>>) semaphore(%arg12 : memref<!tpu.dma_semaphore, #tpu.memory_space<semaphore_mem>>)
      } else {
      }
      %mul3A_111 = arith.constant 80 : i32
      %mul3A_112 = arith.muli %add3A_94, %mul3A_111 : i32
      %dma_wait3A_113 = tpu.memref_slice %arg7[%mul3A_112] : memref<10000xi32, #tpu.memory_space<vmem>> -> memref<80xi32, #tpu.memory_space<vmem>>
      %dma_wait3A_114 = arith.constant 0 : i32
      %dma_wait3A_115 = arith.constant 0 : i32
      %dma_wait3A_116 = tpu.memref_slice %arg2[%dma_wait3A_114, %dma_wait3A_115] : memref<10000x128xf32, #tpu.memory_space<hbm>> -> memref<10000x128xf32, #tpu.memory_space<hbm>>
      tpu.wait_indirect_dma semaphore(%arg13 : memref<!tpu.dma_semaphore, #tpu.memory_space<semaphore_mem>>) src(%dma_wait3A_116 : memref<10000x128xf32, #tpu.memory_space<hbm>>) dst(%arg9 : memref<80x128xf32, #tpu.memory_space<vmem>>)
      "tpu.region"() ({
        %run_scoped3A_117 = tpu.sem_alloc : memref<!tpu.dma_semaphore, #tpu.memory_space<semaphore_mem>>
        %dma_start3A_118 = arith.constant 0 : i32
        %dma_start3A_119 = tpu.memref_slice %arg6[%add3A_94, %dma_start3A_118] : memref<125x80xi32, #tpu.memory_space<vmem>> -> memref<1x80xi32, #tpu.memory_space<vmem>>
        %dma_start3A_120 = tpu.memref_squeeze %dma_start3A_119 : memref<1x80xi32, #tpu.memory_space<vmem>> -> memref<80xi32, #tpu.memory_space<vmem>>
        %dma_start3A_121 = arith.constant 0 : i32
        %dma_start3A_122 = arith.constant 0 : i32
        %dma_start3A_123 = tpu.memref_slice %arg10[%dma_start3A_121, %dma_start3A_122] : memref<10240x128xf32, #tpu.memory_space<vmem_shared>> -> memref<10240x128xf32, #tpu.memory_space<vmem_shared>>
        tpu.enqueue_indirect_dma source(%arg9 : memref<80x128xf32, #tpu.memory_space<vmem>>) target(%dma_start3A_123 : memref<10240x128xf32, #tpu.memory_space<vmem_shared>>) offsets(%dma_start3A_120 : memref<80xi32, #tpu.memory_space<vmem>>) semaphore(%run_scoped3A_117 : memref<!tpu.dma_semaphore, #tpu.memory_space<semaphore_mem>>) {add = true}
        %dma_wait3A_124 = arith.constant 0 : i32
        %dma_wait3A_125 = tpu.memref_slice %arg6[%add3A_94, %dma_wait3A_124] : memref<125x80xi32, #tpu.memory_space<vmem>> -> memref<1x80xi32, #tpu.memory_space<vmem>>
        %dma_wait3A_126 = tpu.memref_squeeze %dma_wait3A_125 : memref<1x80xi32, #tpu.memory_space<vmem>> -> memref<80xi32, #tpu.memory_space<vmem>>
        %dma_wait3A_127 = arith.constant 0 : i32
        %dma_wait3A_128 = arith.constant 0 : i32
        %dma_wait3A_129 = tpu.memref_slice %arg10[%dma_wait3A_127, %dma_wait3A_128] : memref<10240x128xf32, #tpu.memory_space<vmem_shared>> -> memref<10240x128xf32, #tpu.memory_space<vmem_shared>>
        tpu.wait_indirect_dma semaphore(%run_scoped3A_117 : memref<!tpu.dma_semaphore, #tpu.memory_space<semaphore_mem>>) src(%arg9 : memref<80x128xf32, #tpu.memory_space<vmem>>) dst(%dma_wait3A_129 : memref<10240x128xf32, #tpu.memory_space<vmem_shared>>)
        tpu.yield
      }) : () -> ()
    }
    %scan3A_74 = arith.constant 62 : i32
    %dma_wait3A_75 = arith.constant 9920 : i32
    %dma_wait3A_76 = tpu.memref_slice %arg7[%dma_wait3A_75] : memref<10000xi32, #tpu.memory_space<vmem>> -> memref<80xi32, #tpu.memory_space<vmem>>
    %dma_wait3A_77 = arith.constant 0 : i32
    %dma_wait3A_78 = arith.constant 0 : i32
    %dma_wait3A_79 = tpu.memref_slice %arg2[%dma_wait3A_77, %dma_wait3A_78] : memref<10000x128xf32, #tpu.memory_space<hbm>> -> memref<10000x128xf32, #tpu.memory_space<hbm>>
    tpu.wait_indirect_dma semaphore(%arg12 : memref<!tpu.dma_semaphore, #tpu.memory_space<semaphore_mem>>) src(%dma_wait3A_79 : memref<10000x128xf32, #tpu.memory_space<hbm>>) dst(%arg8 : memref<80x128xf32, #tpu.memory_space<vmem>>)
    %run_scoped3A = arith.constant 124 : i32
    "tpu.region"() ({
      %run_scoped3A_88 = tpu.sem_alloc : memref<!tpu.dma_semaphore, #tpu.memory_space<semaphore_mem>>
      %dma_start3A_89 = arith.constant 0 : i32
      %dma_start3A_90 = tpu.memref_slice %arg6[%run_scoped3A, %dma_start3A_89] : memref<125x80xi32, #tpu.memory_space<vmem>> -> memref<1x80xi32, #tpu.memory_space<vmem>>
      %dma_start3A_91 = tpu.memref_squeeze %dma_start3A_90 : memref<1x80xi32, #tpu.memory_space<vmem>> -> memref<80xi32, #tpu.memory_space<vmem>>
      %dma_start3A_92 = arith.constant 0 : i32
      %dma_start3A_93 = arith.constant 0 : i32
      %dma_start3A_94 = tpu.memref_slice %arg10[%dma_start3A_92, %dma_start3A_93] : memref<10240x128xf32, #tpu.memory_space<vmem_shared>> -> memref<10240x128xf32, #tpu.memory_space<vmem_shared>>
      tpu.enqueue_indirect_dma source(%arg8 : memref<80x128xf32, #tpu.memory_space<vmem>>) target(%dma_start3A_94 : memref<10240x128xf32, #tpu.memory_space<vmem_shared>>) offsets(%dma_start3A_91 : memref<80xi32, #tpu.memory_space<vmem>>) semaphore(%run_scoped3A_88 : memref<!tpu.dma_semaphore, #tpu.memory_space<semaphore_mem>>) {add = true}
      %dma_wait3A_95 = arith.constant 0 : i32
      %dma_wait3A_96 = tpu.memref_slice %arg6[%run_scoped3A, %dma_wait3A_95] : memref<125x80xi32, #tpu.memory_space<vmem>> -> memref<1x80xi32, #tpu.memory_space<vmem>>
      %dma_wait3A_97 = tpu.memref_squeeze %dma_wait3A_96 : memref<1x80xi32, #tpu.memory_space<vmem>> -> memref<80xi32, #tpu.memory_space<vmem>>
      %dma_wait3A_98 = arith.constant 0 : i32
      %dma_wait3A_99 = arith.constant 0 : i32
      %dma_wait3A_100 = tpu.memref_slice %arg10[%dma_wait3A_98, %dma_wait3A_99] : memref<10240x128xf32, #tpu.memory_space<vmem_shared>> -> memref<10240x128xf32, #tpu.memory_space<vmem_shared>>
      tpu.wait_indirect_dma semaphore(%run_scoped3A_88 : memref<!tpu.dma_semaphore, #tpu.memory_space<semaphore_mem>>) src(%arg8 : memref<80x128xf32, #tpu.memory_space<vmem>>) dst(%dma_wait3A_100 : memref<10240x128xf32, #tpu.memory_space<vmem_shared>>)
      tpu.yield
    }) : () -> ()
    %barrier3A_80 = arith.constant 0 : index
    tpu.barrier barrier_id(%barrier3A_80)
    %mul3A_81 = arith.constant 640 : i32
    %mul3A_82 = arith.muli %arg1, %mul3A_81 : i32
    %mul3A_83 = arith.constant 10240 : i32
    %mul3A_84 = arith.muli %arg0, %mul3A_83 : i32
    %mul3A_85 = arith.constant 640 : i32
    %mul3A_86 = arith.muli %arg1, %mul3A_85 : i32
    %add3A_87 = arith.addi %mul3A_84, %mul3A_86 : i32
    "tpu.region"() ({
      %run_scoped3A_88 = tpu.sem_alloc : memref<!tpu.dma_semaphore, #tpu.memory_space<semaphore_mem>>
      %dma_start3A_89 = arith.constant 0 : i32
      %dma_start3A_90 = tpu.memref_slice %arg5[%add3A_87, %dma_start3A_89] : memref<20480x128xf32, #tpu.memory_space<hbm>> -> memref<640x128xf32, #tpu.memory_space<hbm>>
      %dma_start3A_91 = arith.constant 0 : i32
      %dma_start3A_92 = tpu.memref_slice %arg10[%mul3A_82, %dma_start3A_91] : memref<10240x128xf32, #tpu.memory_space<vmem_shared>> -> memref<640x128xf32, #tpu.memory_space<vmem_shared>>
      tpu.enqueue_dma source(%dma_start3A_92 : memref<640x128xf32, #tpu.memory_space<vmem_shared>>) target(%dma_start3A_90 : memref<640x128xf32, #tpu.memory_space<hbm>>) target_semaphore(%run_scoped3A_88 : memref<!tpu.dma_semaphore, #tpu.memory_space<semaphore_mem>>)
      %dma_wait3A_93 = arith.constant 0 : i32
      %dma_wait3A_94 = tpu.memref_slice %arg5[%add3A_87, %dma_wait3A_93] : memref<20480x128xf32, #tpu.memory_space<hbm>> -> memref<640x128xf32, #tpu.memory_space<hbm>>
      %dma_wait3A_95 = arith.constant 0 : i32
      %dma_wait3A_96 = tpu.memref_slice %arg10[%mul3A_82, %dma_wait3A_95] : memref<10240x128xf32, #tpu.memory_space<vmem_shared>> -> memref<640x128xf32, #tpu.memory_space<vmem_shared>>
      tpu.wait_dma2 semaphore(%run_scoped3A_88 : memref<!tpu.dma_semaphore, #tpu.memory_space<semaphore_mem>>) src(%dma_wait3A_96 : memref<640x128xf32, #tpu.memory_space<vmem_shared>>) dst(%dma_wait3A_94 : memref<640x128xf32, #tpu.memory_space<hbm>>)
      tpu.yield
    }) : () -> ()
    return
  }
}

module attributes {stable_mosaic.version = 14 : i64} {
  func.func @_combine_body(%arg0: i32, %arg1: memref<1000x128xf32, #tpu.memory_space<vmem>>, %arg2: memref<1000x128xf32, #tpu.memory_space<vmem>>, %arg3: memref<1000x128xf32, #tpu.memory_space<vmem>>, %arg4: memref<128x128xf32, #tpu.memory_space<vmem>>, %arg5: memref<1x128xf32, #tpu.memory_space<vmem>>, %arg6: memref<1000x128xf32, #tpu.memory_space<vmem>>) attributes {dimension_semantics = [#tpu.dimension_semantics<arbitrary>], iteration_bounds = array<i64: 10>, scalar_prefetch = 0 : i64, scratch_operands = 0 : i64, tpu.core_type = #tpu.core_type<tc>, window_params = [{transform_indices = @transform_0, window_bounds = array<i64: 1000, 128>}, {transform_indices = @transform_1, window_bounds = array<i64: 1000, 128>}, {transform_indices = @transform_2, window_bounds = array<i64: 1000, 128>}, {pipeline_mode = #tpu.pipeline_mode<synchronous>, transform_indices = @transform_3, window_bounds = array<i64: 128, 128>}, {pipeline_mode = #tpu.pipeline_mode<synchronous>, transform_indices = @transform_4, window_bounds = array<i64: 1, 128>}, {transform_indices = @transform_5, window_bounds = array<i64: 1000, 128>}]} {
    %get3A = arith.constant 0 : index
    %get3A_0 = arith.constant 0 : index
    %get3A_1 = vector.load %arg1[%get3A, %get3A_0] : memref<1000x128xf32, #tpu.memory_space<vmem>>, vector<1000x128xf32>
    %get3A_2 = arith.constant 0 : index
    %get3A_3 = arith.constant 0 : index
    %get3A_4 = vector.load %arg2[%get3A_2, %get3A_3] : memref<1000x128xf32, #tpu.memory_space<vmem>>, vector<1000x128xf32>
    %add3A = arith.addf %get3A_1, %get3A_4 : vector<1000x128xf32>
    %get3A_5 = arith.constant 0 : index
    %get3A_6 = arith.constant 0 : index
    %get3A_7 = vector.load %arg3[%get3A_5, %get3A_6] : memref<1000x128xf32, #tpu.memory_space<vmem>>, vector<1000x128xf32>
    %add3A_8 = arith.addf %add3A, %get3A_7 : vector<1000x128xf32>
    %get3A_9 = arith.constant 0 : index
    %get3A_10 = arith.constant 0 : index
    %get3A_11 = vector.load %arg4[%get3A_9, %get3A_10] : memref<128x128xf32, #tpu.memory_space<vmem>>, vector<128x128xf32>
    %dot_general3A = arith.constant dense<0.000000e+00> : vector<1000x128xf32>
    %dot_general3A_12 = tpu.matmul %add3A_8, %get3A_11, %dot_general3A {dimension_numbers = #tpu.dot_dimension_numbers<[1], [0], [0], [1], [0, 0, 1, 1], [], []>, transpose_lhs_hint = false} : vector<1000x128xf32>, vector<128x128xf32>, vector<1000x128xf32> -> vector<1000x128xf32>
    %get3A_13 = arith.constant 0 : index
    %get3A_14 = arith.constant 0 : index
    %get3A_15 = vector.load %arg5[%get3A_13, %get3A_14] : memref<1x128xf32, #tpu.memory_space<vmem>>, vector<1x128xf32>
    %add3A_16 = vector.broadcast %get3A_15 : vector<1x128xf32> to vector<1000x128xf32>
    %add3A_17 = arith.addf %dot_general3A_12, %add3A_16 : vector<1000x128xf32>
    %max3A = arith.constant 0.000000e+00 : f32
    %max3A_18 = vector.broadcast %max3A : f32 to vector<1000x128xf32>
    %max3A_19 = arith.maximumf %add3A_17, %max3A_18 : vector<1000x128xf32>
    %swap3A = arith.constant 0 : index
    %swap3A_20 = arith.constant 0 : index
    %swap3A_21 = vector.load %arg6[%swap3A, %swap3A_20] : memref<1000x128xf32, #tpu.memory_space<vmem>>, vector<1000x128xf32>
    tpu.vector_store %arg6[%swap3A, %swap3A_20], %max3A_19 {strides = array<i32>} : memref<1000x128xf32, #tpu.memory_space<vmem>>, vector<1000x128xf32>,
    return
  }
  func.func @transform_0(%arg0: i32) -> (i32, i32) {
    %c0_i32 = arith.constant 0 : i32
    %c0_i32_0 = arith.constant 0 : i32
    return %arg0, %c0_i32 : i32, i32
  }
  func.func @transform_1(%arg0: i32) -> (i32, i32) {
    %c0_i32 = arith.constant 0 : i32
    %c0_i32_0 = arith.constant 0 : i32
    return %arg0, %c0_i32 : i32, i32
  }
  func.func @transform_2(%arg0: i32) -> (i32, i32) {
    %c0_i32 = arith.constant 0 : i32
    %c0_i32_0 = arith.constant 0 : i32
    return %arg0, %c0_i32 : i32, i32
  }
  func.func @transform_3(%arg0: i32) -> (i32, i32) {
    %c0_i32 = arith.constant 0 : i32
    %c0_i32_0 = arith.constant 0 : i32
    %c0_i32_1 = arith.constant 0 : i32
    return %c0_i32, %c0_i32_0 : i32, i32
  }
  func.func @transform_4(%arg0: i32) -> (i32, i32) {
    %c0_i32 = arith.constant 0 : i32
    %c0_i32_0 = arith.constant 0 : i32
    %c0_i32_1 = arith.constant 0 : i32
    return %c0_i32, %c0_i32_0 : i32, i32
  }
  func.func @transform_5(%arg0: i32) -> (i32, i32) {
    %c0_i32 = arith.constant 0 : i32
    %c0_i32_0 = arith.constant 0 : i32
    return %arg0, %c0_i32 : i32, i32
  }
}

module attributes {stable_mosaic.version = 14 : i64} {
  func.func @_pool_body(%arg0: i32, %arg1: memref<1000x128xf32, #tpu.memory_space<vmem>>, %arg2: memref<1000x128xf32, #tpu.memory_space<vmem>>, %arg3: memref<1000x128xf32, #tpu.memory_space<vmem>>, %arg4: memref<128x128xf32, #tpu.memory_space<vmem>>, %arg5: memref<1x128xf32, #tpu.memory_space<vmem>>, %arg6: memref<1000x1xi32, #tpu.memory_space<vmem>>, %arg7: memref<128x16xf32, #tpu.memory_space<vmem>>, %arg8: memref<1x16xf32, #tpu.memory_space<vmem>>, %arg9: memref<64x16xf32, #tpu.memory_space<vmem>>, %arg10: memref<64x128xf32, #tpu.memory_space<vmem>>, %arg11: memref<64x128xf32, #tpu.memory_space<vmem>>) attributes {dimension_semantics = [#tpu.dimension_semantics<arbitrary>], iteration_bounds = array<i64: 10>, scalar_prefetch = 0 : i64, scratch_operands = 2 : i64, tpu.core_type = #tpu.core_type<tc>, window_params = [{transform_indices = @transform_0, window_bounds = array<i64: 1000, 128>}, {transform_indices = @transform_1, window_bounds = array<i64: 1000, 128>}, {transform_indices = @transform_2, window_bounds = array<i64: 1000, 128>}, {pipeline_mode = #tpu.pipeline_mode<synchronous>, transform_indices = @transform_3, window_bounds = array<i64: 128, 128>}, {pipeline_mode = #tpu.pipeline_mode<synchronous>, transform_indices = @transform_4, window_bounds = array<i64: 1, 128>}, {transform_indices = @transform_5, window_bounds = array<i64: 1000, 1>}, {pipeline_mode = #tpu.pipeline_mode<synchronous>, transform_indices = @transform_6, window_bounds = array<i64: 128, 16>}, {pipeline_mode = #tpu.pipeline_mode<synchronous>, transform_indices = @transform_7, window_bounds = array<i64: 1, 16>}, {pipeline_mode = #tpu.pipeline_mode<synchronous>, transform_indices = @transform_8, window_bounds = array<i64: 64, 16>}]} {
    %eq3A = arith.constant 0 : i32
    %eq3A_0 = arith.cmpi eq, %arg0, %eq3A : i32
    %convert_element_type3A = arith.extui %eq3A_0 : i1 to i32
    %cond3A = arith.constant 0 : i32
    %cond3A_1 = arith.cmpi ne, %convert_element_type3A, %cond3A : i32
    scf.if %cond3A_1 {
      %broadcast_in_dim3A_52 = arith.constant 0.000000e+00 : f32
      %broadcast_in_dim3A_53 = vector.broadcast %broadcast_in_dim3A_52 : f32 to vector<64x128xf32>
      %swap3A_54 = arith.constant 0 : index
      %swap3A_55 = arith.constant 0 : index
      %swap3A_56 = vector.load %arg10[%swap3A_54, %swap3A_55] : memref<64x128xf32, #tpu.memory_space<vmem>>, vector<64x128xf32>
      tpu.vector_store %arg10[%swap3A_54, %swap3A_55], %broadcast_in_dim3A_53 {strides = array<i32>} : memref<64x128xf32, #tpu.memory_space<vmem>>, vector<64x128xf32>,
      %broadcast_in_dim3A_57 = arith.constant 0.000000e+00 : f32
      %broadcast_in_dim3A_58 = vector.broadcast %broadcast_in_dim3A_57 : f32 to vector<64x128xf32>
      %swap3A_59 = arith.constant 0 : index
      %swap3A_60 = arith.constant 0 : index
      %swap3A_61 = vector.load %arg11[%swap3A_59, %swap3A_60] : memref<64x128xf32, #tpu.memory_space<vmem>>, vector<64x128xf32>
      tpu.vector_store %arg11[%swap3A_59, %swap3A_60], %broadcast_in_dim3A_58 {strides = array<i32>} : memref<64x128xf32, #tpu.memory_space<vmem>>, vector<64x128xf32>,
    } else {
    }
    %get3A = arith.constant 0 : index
    %get3A_2 = arith.constant 0 : index
    %get3A_3 = vector.load %arg1[%get3A, %get3A_2] : memref<1000x128xf32, #tpu.memory_space<vmem>>, vector<1000x128xf32>
    %get3A_4 = arith.constant 0 : index
    %get3A_5 = arith.constant 0 : index
    %get3A_6 = vector.load %arg2[%get3A_4, %get3A_5] : memref<1000x128xf32, #tpu.memory_space<vmem>>, vector<1000x128xf32>
    %add3A = arith.addf %get3A_3, %get3A_6 : vector<1000x128xf32>
    %get3A_7 = arith.constant 0 : index
    %get3A_8 = arith.constant 0 : index
    %get3A_9 = vector.load %arg3[%get3A_7, %get3A_8] : memref<1000x128xf32, #tpu.memory_space<vmem>>, vector<1000x128xf32>
    %add3A_10 = arith.addf %add3A, %get3A_9 : vector<1000x128xf32>
    %get3A_11 = arith.constant 0 : index
    %get3A_12 = arith.constant 0 : index
    %get3A_13 = vector.load %arg4[%get3A_11, %get3A_12] : memref<128x128xf32, #tpu.memory_space<vmem>>, vector<128x128xf32>
    %dot_general3A = arith.constant dense<0.000000e+00> : vector<1000x128xf32>
    %dot_general3A_14 = tpu.matmul %add3A_10, %get3A_13, %dot_general3A {dimension_numbers = #tpu.dot_dimension_numbers<[1], [0], [0], [1], [0, 0, 1, 1], [], []>, transpose_lhs_hint = false} : vector<1000x128xf32>, vector<128x128xf32>, vector<1000x128xf32> -> vector<1000x128xf32>
    %get3A_15 = arith.constant 0 : index
    %get3A_16 = arith.constant 0 : index
    %get3A_17 = vector.load %arg5[%get3A_15, %get3A_16] : memref<1x128xf32, #tpu.memory_space<vmem>>, vector<1x128xf32>
    %add3A_18 = vector.broadcast %get3A_17 : vector<1x128xf32> to vector<1000x128xf32>
    %add3A_19 = arith.addf %dot_general3A_14, %add3A_18 : vector<1000x128xf32>
    %max3A = arith.constant 0.000000e+00 : f32
    %max3A_20 = vector.broadcast %max3A : f32 to vector<1000x128xf32>
    %max3A_21 = arith.maximumf %add3A_19, %max3A_20 : vector<1000x128xf32>
    %iota3A = tpu.iota {dimensions = array<i32: 1>} : vector<1000x64xi32>
    %get3A_22 = arith.constant 0 : index
    %get3A_23 = arith.constant 0 : index
    %get3A_24 = vector.load %arg6[%get3A_22, %get3A_23] : memref<1000x1xi32, #tpu.memory_space<vmem>>, vector<1000x1xi32>
    %eq3A_25 = vector.broadcast %get3A_24 : vector<1000x1xi32> to vector<1000x64xi32>
    %eq3A_26 = arith.cmpi eq, %eq3A_25, %iota3A : vector<1000x64xi32>
    %convert_element_type3A_27 = arith.extui %eq3A_26 : vector<1000x64xi1> to vector<1000x64xi32>
    %convert_element_type3A_28 = arith.sitofp %convert_element_type3A_27 : vector<1000x64xi32> to vector<1000x64xf32>
    %get3A_29 = arith.constant 0 : index
    %get3A_30 = arith.constant 0 : index
    %get3A_31 = vector.load %arg10[%get3A_29, %get3A_30] : memref<64x128xf32, #tpu.memory_space<vmem>>, vector<64x128xf32>
    %dot_general3A_32 = arith.constant dense<0.000000e+00> : vector<64x128xf32>
    %dot_general3A_33 = tpu.matmul %convert_element_type3A_28, %max3A_21, %dot_general3A_32 {dimension_numbers = #tpu.dot_dimension_numbers<[0], [0], [1], [1], [0, 1, 1, 1], [], []>, transpose_lhs_hint = false} : vector<1000x64xf32>, vector<1000x128xf32>, vector<64x128xf32> -> vector<64x128xf32>
    %add3A_34 = arith.addf %get3A_31, %dot_general3A_33 : vector<64x128xf32>
    %swap3A = arith.constant 0 : index
    %swap3A_35 = arith.constant 0 : index
    %swap3A_36 = vector.load %arg10[%swap3A, %swap3A_35] : memref<64x128xf32, #tpu.memory_space<vmem>>, vector<64x128xf32>
    tpu.vector_store %arg10[%swap3A, %swap3A_35], %add3A_34 {strides = array<i32>} : memref<64x128xf32, #tpu.memory_space<vmem>>, vector<64x128xf32>,
    %get3A_37 = arith.constant 0 : index
    %get3A_38 = arith.constant 0 : index
    %get3A_39 = vector.load %arg11[%get3A_37, %get3A_38] : memref<64x128xf32, #tpu.memory_space<vmem>>, vector<64x128xf32>
    %broadcast_in_dim3A = arith.constant 1.000000e+00 : f32
    %broadcast_in_dim3A_40 = vector.broadcast %broadcast_in_dim3A : f32 to vector<1000x128xf32>
    %dot_general3A_41 = arith.constant dense<0.000000e+00> : vector<64x128xf32>
    %dot_general3A_42 = tpu.matmul %convert_element_type3A_28, %broadcast_in_dim3A_40, %dot_general3A_41 {dimension_numbers = #tpu.dot_dimension_numbers<[0], [0], [1], [1], [0, 1, 1, 1], [], []>, transpose_lhs_hint = false} : vector<1000x64xf32>, vector<1000x128xf32>, vector<64x128xf32> -> vector<64x128xf32>
    %add3A_43 = arith.addf %get3A_39, %dot_general3A_42 : vector<64x128xf32>
    %swap3A_44 = arith.constant 0 : index
    %swap3A_45 = arith.constant 0 : index
    %swap3A_46 = vector.load %arg11[%swap3A_44, %swap3A_45] : memref<64x128xf32, #tpu.memory_space<vmem>>, vector<64x128xf32>
    tpu.vector_store %arg11[%swap3A_44, %swap3A_45], %add3A_43 {strides = array<i32>} : memref<64x128xf32, #tpu.memory_space<vmem>>, vector<64x128xf32>,
    %eq3A_47 = arith.constant 9 : i32
    %eq3A_48 = arith.cmpi eq, %arg0, %eq3A_47 : i32
    %convert_element_type3A_49 = arith.extui %eq3A_48 : i1 to i32
    %cond3A_50 = arith.constant 0 : i32
    %cond3A_51 = arith.cmpi ne, %convert_element_type3A_49, %cond3A_50 : i32
    scf.if %cond3A_51 {
      %get3A_52 = arith.constant 0 : index
      %get3A_53 = arith.constant 0 : index
      %get3A_54 = vector.load %arg10[%get3A_52, %get3A_53] : memref<64x128xf32, #tpu.memory_space<vmem>>, vector<64x128xf32>
      %get3A_55 = arith.constant 0 : index
      %get3A_56 = arith.constant 0 : index
      %get3A_57 = vector.load %arg11[%get3A_55, %get3A_56] : memref<64x128xf32, #tpu.memory_space<vmem>>, vector<64x128xf32>
      %max3A_58 = arith.constant 1.000000e+00 : f32
      %max3A_59 = vector.broadcast %max3A_58 : f32 to vector<64x128xf32>
      %max3A_60 = arith.maximumf %get3A_57, %max3A_59 : vector<64x128xf32>
      %div3A = arith.divf %get3A_54, %max3A_60 : vector<64x128xf32>
      %get3A_61 = arith.constant 0 : index
      %get3A_62 = arith.constant 0 : index
      %get3A_63 = vector.load %arg7[%get3A_61, %get3A_62] : memref<128x16xf32, #tpu.memory_space<vmem>>, vector<128x16xf32>
      %dot_general3A_64 = arith.constant dense<0.000000e+00> : vector<64x16xf32>
      %dot_general3A_65 = tpu.matmul %div3A, %get3A_63, %dot_general3A_64 {dimension_numbers = #tpu.dot_dimension_numbers<[1], [0], [0], [1], [0, 0, 1, 1], [], []>, transpose_lhs_hint = false} : vector<64x128xf32>, vector<128x16xf32>, vector<64x16xf32> -> vector<64x16xf32>
      %get3A_66 = arith.constant 0 : index
      %get3A_67 = arith.constant 0 : index
      %get3A_68 = vector.load %arg8[%get3A_66, %get3A_67] : memref<1x16xf32, #tpu.memory_space<vmem>>, vector<1x16xf32>
      %add3A_69 = vector.broadcast %get3A_68 : vector<1x16xf32> to vector<64x16xf32>
      %add3A_70 = arith.addf %dot_general3A_65, %add3A_69 : vector<64x16xf32>
      %swap3A_71 = arith.constant 0 : index
      %swap3A_72 = arith.constant 0 : index
      %swap3A_73 = vector.load %arg9[%swap3A_71, %swap3A_72] : memref<64x16xf32, #tpu.memory_space<vmem>>, vector<64x16xf32>
      tpu.vector_store %arg9[%swap3A_71, %swap3A_72], %add3A_70 {strides = array<i32>} : memref<64x16xf32, #tpu.memory_space<vmem>>, vector<64x16xf32>,
    } else {
    }
    return
  }
  func.func @transform_0(%arg0: i32) -> (i32, i32) {
    %c0_i32 = arith.constant 0 : i32
    %c0_i32_0 = arith.constant 0 : i32
    return %arg0, %c0_i32 : i32, i32
  }
  func.func @transform_1(%arg0: i32) -> (i32, i32) {
    %c0_i32 = arith.constant 0 : i32
    %c0_i32_0 = arith.constant 0 : i32
    return %arg0, %c0_i32 : i32, i32
  }
  func.func @transform_2(%arg0: i32) -> (i32, i32) {
    %c0_i32 = arith.constant 0 : i32
    %c0_i32_0 = arith.constant 0 : i32
    return %arg0, %c0_i32 : i32, i32
  }
  func.func @transform_3(%arg0: i32) -> (i32, i32) {
    %c0_i32 = arith.constant 0 : i32
    %c0_i32_0 = arith.constant 0 : i32
    %c0_i32_1 = arith.constant 0 : i32
    return %c0_i32, %c0_i32_0 : i32, i32
  }
  func.func @transform_4(%arg0: i32) -> (i32, i32) {
    %c0_i32 = arith.constant 0 : i32
    %c0_i32_0 = arith.constant 0 : i32
    %c0_i32_1 = arith.constant 0 : i32
    return %c0_i32, %c0_i32_0 : i32, i32
  }
  func.func @transform_5(%arg0: i32) -> (i32, i32) {
    %c0_i32 = arith.constant 0 : i32
    %c0_i32_0 = arith.constant 0 : i32
    return %arg0, %c0_i32 : i32, i32
  }
  func.func @transform_6(%arg0: i32) -> (i32, i32) {
    %c0_i32 = arith.constant 0 : i32
    %c0_i32_0 = arith.constant 0 : i32
    %c0_i32_1 = arith.constant 0 : i32
    return %c0_i32, %c0_i32_0 : i32, i32
  }
  func.func @transform_7(%arg0: i32) -> (i32, i32) {
    %c0_i32 = arith.constant 0 : i32
    %c0_i32_0 = arith.constant 0 : i32
    %c0_i32_1 = arith.constant 0 : i32
    return %c0_i32, %c0_i32_0 : i32, i32
  }
  func.func @transform_8(%arg0: i32) -> (i32, i32) {
    %c0_i32 = arith.constant 0 : i32
    %c0_i32_0 = arith.constant 0 : i32
    %c0_i32_1 = arith.constant 0 : i32
    return %c0_i32, %c0_i32_0 : i32, i32
  }
}

</mosaic_0001>

<sc_bundles>
// kernel: kernel.11.cloned.1.call-start
scs
__scs_entry_jumppad:
0x0: {  	(pc) =	sbr.rel $0x88, $3  }
0x1: {  	(tag) =	ssettag $0x0;
	lr =	simm.s32 $0x1  }
0x2: {  	[smem:$0x3F96] =	sst lr;
	_ =	strace $0xD0000000  }
0x3: {  	_ = 	snop  }
0x4: {  	_ = 	snop  }
0x5: {  	_ = 	snop  }
0x6: {  	_ = 	snop  }
0x7: {  	_ = 	snop  }
__scs_overlays_trampoline_lowered:
0x8: {  	[smem:$0x3FA5] =	sst s0  }
0x9: {  	[smem:$0x3FA6] =	sst s1  }
0xa: {  	[smem:$0x3FA7] =	sst s2  }
0xb: {  	[smem:$0x3FA8] =	sst s3  }
0xc: {  	[smem:$0x3FA9] =	sst s4  }
0xd: {  	[smem:$0x3FAA] =	sst s5  }
0xe: {  	[smem:$0x3FAB] =	sst s6  }
0xf: {  	[smem:$0x3FAC] =	sst s7  }
0x10: {  	[smem:$0x3FAD] =	sst s8  }
0x11: {  	[smem:$0x3FAE] =	sst s9;
	s0 =	simm.s32 @!p0 $0x0  }
0x12: {  	s1 =	sld [smem:$0x3F94];
	s0 =	simm.s32 @p0 $0x1  }
0x13: {  	[smem:$0x3FAF] =	sst s0;
	s0 =	simm.s32 @!p1 $0x0  }
0x14: {  	s2 =	sld [smem:$0x3F93];
	s0 =	simm.s32 @p1 $0x1  }
0x15: {  	[smem:$0x3FB0] =	sst s0;
	s0 =	simm.s32 @!p2 $0x0  }
0x16: {  	s3 =	sld [smem:$0x3FDB];
	s0 =	simm.s32 @p2 $0x1  }
0x17: {  	s4 =	simm.s32 $0x1BF5;
	[smem:$0x3FB2] =	sst s0  }
0x18: {  	s0 =	sld [smem:$0x3F95];
	_ =	swait.ge [sflag:s4], $0x0  }
0x19: {  	s7 =	sld [smem:$0x3F96]  }
0x1a: {  	s8 =	sadd.s32 $0xFFFFE003, lr  }
0x1b: {  	s9 =	sadd.s32 $0xFFFFFEF7, lr;
	s5 =	simm.s32 $0xFFFFFFFF;
	p2 =	slt.u32 s8, $0xFFFFF086  }
0x1c: {  	p1 =	slt.u32 s9, $0xF7A;
	s5 =	simm.s32 @!p2 $0x0  }
0x1d: {  	s5 =	simm.s32 @p1 $0x1;
	p0 =	seq.s32 s7, s2  }
0x1e: {  	s7 =	smul.u32 @!p0 $0xF7A, s2;
	p2 =	seq.s32 @!p0 s5, $0x0  }
0x1f: {  	s9 =	smul.u32 $0xF7A, s1;
	s8 =	simm.s32 @!p0 $0x1BF5;
	p2 =	por !p2, p0  }
0x20: {  	[sflag:s8] =	ssyncset.s32 @!p0 $0xFFFFF086;
	s6 =	sadd.s32 @!p0 s3, s7;
	s7 =	simm.s32 @!p0 $0x108  }
0x21: {  	s3 =	sadd.s32 s3, s9;
	s6 =	sadd.s32 @!p0 $0x88, s6;
	s7 =	simm.s32 @p2 $0x1082  }
0x22: {  	[simem:s7], [sflag:s8] =	dma.local @!p0 [hbm:s6], $0xF7A  }
0x23: {  	s9 =	sor.u32 $0xD0000000, s2;
	s6 =	simm.s32 $0x108;
	_ =	swait.ge @!p0 [sflag:s8], $0x0  }
0x24: {  	s3 =	sadd.s32 $0x88, s3;
	s6 =	simm.s32 @!p1 $0x1082;
	[sflag:s4] =	ssyncset.s32 $0xFFFFF086  }
0x25: {  	[simem:s6], [sflag:s4] =	dma.local [hbm:s3], $0xF7A  }
0x26: {  	[smem:$0x3F96] =	sst s1;
	(tag) =	ssettag s2;
	_ =	strace s9  }
0x27: {  	s1 =	sld [smem:$0x3FA6]  }
0x28: {  	s2 =	sld [smem:$0x3FA7]  }
0x29: {  	s4 =	sld [smem:$0x3FA9]  }
0x2a: {  	p0 =	seq.s32 s5, $0x0;
	s5 =	sld [smem:$0x3FAA]  }
0x2b: {  	s6 =	sld [smem:$0x3FAB]  }
0x2c: {  	s7 =	sld [smem:$0x3FAC]  }
0x2d: {  	s3 =	simm.s32 $0x108;
	s8 =	sld [smem:$0x3FAD]  }
0x2e: {  	s3 =	simm.s32 @!p0 $0x1082;
	s9 =	sld [smem:$0x3FAE]  }
0x2f: {  	lr =	sadd.s32 s0, s3;
	s0 =	sld [smem:$0x3FA5]  }
0x30: {  	s3 =	sld [smem:$0x3FA8]  }
0x31: {  	[smem:$0x3FB1] =	sst s10  }
0x32: {  	s10 =	sld [smem:$0x3FAF];
	_ =	sdelay $0x3  }
0x33: {  	p0 =	seq.s32 s10, $0x1;
	s10 =	sld [smem:$0x3FB1];
	_ =	sdelay $0x3  }
0x34: {  	[smem:$0x3FB1] =	sst s10  }
0x35: {  	s10 =	sld [smem:$0x3FB0];
	_ =	sdelay $0x3  }
0x36: {  	p1 =	seq.s32 s10, $0x1;
	s10 =	sld [smem:$0x3FB1];
	_ =	sdelay $0x3  }
0x37: {  	[smem:$0x3FB1] =	sst s10  }
0x38: {  	s10 =	sld [smem:$0x3FB2]  }
0x39: {  	_ = 	snop;
	(pc) =	sbr.ind lr, $3  }
0x3a: {  	_ = 	snop  }
0x3b: {  	_ = 	snop  }
0x3c: {  	p2 =	seq.s32 s10, $0x1;
	s10 =	sld [smem:$0x3FB1]  }
0x3d: {  	_ =	shalt  }
0x3e: {  	_ =	shalt  }
0x3f: {  	_ =	shalt  }
0x40: {  	_ =	shalt  }
0x41: {  	_ =	shalt  }
0x42: {  	_ =	shalt  }
0x43: {  	_ =	shalt  }
0x44: {  	_ =	shalt  }
0x45: {  	_ =	shalt  }
0x46: {  	_ =	shalt  }
0x47: {  	_ =	shalt  }
0x48: {  	_ =	shalt  }
0x49: {  	_ =	shalt  }
0x4a: {  	_ =	shalt  }
0x4b: {  	_ =	shalt  }
0x4c: {  	_ =	shalt  }
0x4d: {  	_ =	shalt  }
0x4e: {  	_ =	shalt  }
0x4f: {  	_ =	shalt  }
0x50: {  	_ =	shalt  }
0x51: {  	_ =	shalt  }
0x52: {  	_ =	shalt  }
0x53: {  	_ =	shalt  }
0x54: {  	_ =	shalt  }
0x55: {  	_ =	shalt  }
0x56: {  	_ =	shalt  }
0x57: {  	_ =	shalt  }
0x58: {  	_ =	shalt  }
0x59: {  	_ =	shalt  }
0x5a: {  	_ =	shalt  }
0x5b: {  	_ =	shalt  }
0x5c: {  	_ =	shalt  }
0x5d: {  	_ =	shalt  }
0x5e: {  	_ =	shalt  }
0x5f: {  	_ =	shalt  }
0x60: {  	_ =	shalt  }
0x61: {  	_ =	shalt  }
0x62: {  	_ =	shalt  }
0x63: {  	_ =	shalt  }
0x64: {  	_ =	shalt  }
0x65: {  	_ =	shalt  }
0x66: {  	_ =	shalt  }
0x67: {  	_ =	shalt  }
0x68: {  	_ =	shalt  }
0x69: {  	_ =	shalt  }
0x6a: {  	_ =	shalt  }
0x6b: {  	_ =	shalt  }
0x6c: {  	_ =	shalt  }
0x6d: {  	_ =	shalt  }
0x6e: {  	_ =	shalt  }
0x6f: {  	_ =	shalt  }
0x70: {  	_ =	shalt  }
0x71: {  	_ =	shalt  }
0x72: {  	_ =	shalt  }
0x73: {  	_ =	shalt  }
0x74: {  	_ =	shalt  }
0x75: {  	_ =	shalt  }
0x76: {  	_ =	shalt  }
0x77: {  	_ =	shalt  }
0x78: {  	_ =	shalt  }
0x79: {  	_ =	shalt  }
0x7a: {  	_ =	shalt  }
0x7b: {  	_ =	shalt  }
0x7c: {  	_ =	shalt  }
0x7d: {  	_ =	shalt  }
0x7e: {  	_ =	shalt  }
0x7f: {  	_ =	shalt  }
0x80: {  	_ =	shalt  }
0x81: {  	_ =	shalt  }
0x82: {  	_ =	shalt  }
0x83: {  	_ =	shalt  }
0x84: {  	_ =	shalt  }
0x85: {  	_ =	shalt  }
0x86: {  	_ =	shalt  }
0x87: {  	_ =	shalt  }
.Lfunc_end0:
.L_simem_size_0:
called_computation.1_lowered:
.L_overlay_start_0:
0x88: {  	s2 =	sld [smem:$0x3FD9]  }
0x89: {  	s3 =	sld [smem:$0x3FFE];
	_ =	sdelay $0x1  }
0x8a: {  	s1 =	srdreg.scid  }
0x8b: {  	s0 =	sand.u32 $0x1, s1  }
0x8c: {  	s16 =	sshll.u32 s0, $0xA;
	s2 =	sadd.s32 s3, s2  }
0x8d: {  	s2 =	sadd.s32 s2, s16  }
0x8e: {  	[smem:$0x3FBD] =	sst s2  }
0x8f: {  	_ = 	snop  }
0x90: {  	(tm) =	ssettm $0x1  }
0x91: {  	s17 =	sld [smem:$0x3FFB];
	_ =	sdelay $0x3  }
0x92: {  	_ =	strace s17  }
0x93: {  	s2 =	sld [smem:$0x3FFC];
	_ =	sdelay $0x3  }
0x94: {  	_ =	strace s2  }
0x95: {  	s2 =	sld [smem:$0x3FFD];
	_ =	sdelay $0x3  }
0x96: {  	_ =	strace s2  }
0x97: {  	_ =	strace $0x8FFFFFFF  }
0x98: {  	s18 =	sld [smem:$0x3FDB];
	_ =	sdelay $0x1  }
0x99: {  	s19 =	simm.s32 $_scs_section_size  }
0x9a: {  	s4 =	simm.s32 $_size__tile_overlayer_lowered;
	s5 =	simm.s32 $_tile_overlayer_lowered  }
0x9b: {  	s22 =	simm.s32 $0x1BFF;
	s21 =	sshll.u32 s5, $0x1;
	s2 =	sadd.s32 s19, s18  }
0x9c: {  	s6 =	simm.s32 $0x0;
	s20 =	sshll.u32 s4, $0x1;
	s4 =	sadd.s32 s21, s2  }
0x9d: {  	[timem:s6], [sflag:s22] =	dma.local [hbm:s4], s20  }
0x9e: {  	_ =	swait.ge [sflag:s22], s20  }
0x9f: {  	s3 =	ssub.s32 $0x0, s20;
	[sflag:s22] =	ssyncset.done $0x0  }
0xa0: {  	[sflag:s22] =	ssyncadd.s32 s3;
	_ =	sdelay $0x1  }
0xa1: {  	s23 =	simm.s32 $0x1B8B  }
0xa2: {  	_ =	swait.ge [sflag:s23], $0x1  }
0xa3: {  	[sflag:s23] =	ssyncset.done $0x0  }
0xa4: {  	s25 =	simm.s32 $0x1B8E;
	s24 =	sld [smem:$0x3FFE];
	[sflag:s23] =	ssyncadd.s32 $0xFFFFFFFF  }
0xa5: {  	s26 =	simm.s32 $execute0_lowered;
	[smem:$0x3FD2] =	sst s25  }
0xa6: {  	s4 =	sshll.u32 s26, $0x1;
	_ =	strace $0x80000049;
	[dreg:$0x1] =	wrdreg $0xFFFFFFFF  }
0xa7: {  	s28 =	simm.s32 $_size_execute0_lowered;
	s2 =	sadd.s32 s2, s4;
	[dreg:$0x0] =	wrdreg $0x0  }
0xa8: {  	s4 =	sshll.u32 s28, $0x1;
	[dreg:$0x2] =	wrdreg s2  }
0xa9: {  	[dreg:$0x3] =	wrdreg s4  }
0xaa: {  	[dreg:$0x4] =	wrdreg $0xC0  }
0xab: {  	_ =	task [dreg:s6], $0x5FFFF  }
0xac: {  	[dreg:$0x1] =	wrdreg $0xFFFFFFFF  }
0xad: {  	[dreg:$0x0] =	wrdreg $0x60  }
0xae: {  	[dreg:$0x2] =	wrdreg s24  }
0xaf: {  	[dreg:$0x3] =	wrdreg $0xB7800  }
0xb0: {  	[dreg:$0x4] =	wrdreg $0x9  }
0xb1: {  	_ =	task.clear_ibuf [dreg:s6], $0x5FFFF;
	_ =	strace $0x90000049  }
0xb2: {  	s29 =	simm.s32 $0x9;
	_ =	strace $0x8000004B  }
0xb3: {  	_ =	swait.ge [sflag:s29], $0x1  }
0xb4: {  	[sflag:s29] =	ssyncadd.s32 $0xFFFFFFFF  }
0xb5: {  	_ =	strace $0x9000004B  }
0xb6: {  	_ =	sfence  }
0xb7: {  	s30 =	sld [smem:$0x0];
	_ =	sdelay $0x2  }
0xb8: {  	s31 =	sshll.u32 s1, $0xD;
	s1 =	sshrl.u32 s1, $0x2  }
0xb9: {  	s3 =	sand.u32 $0x4000, s31;
	s1 =	sadd.s32 s1, s30  }
0xba: {  	s0 =	sor.u32 s3, s0;
	s1 =	sshll.u32 s1, $0x11  }
0xbb: {  	s0 =	sor.u32 s1, s0  }
0xbc: {  	s0 =	sadd.s32 $0x8F2B, s0  }
0xbd: {  	[sflag:s0] =	ssyncadd.remote.s32 $0x1  }
0xbe: {  	_ =	sfence.sel $0xFFFF  }
0xbf: {  	[dreg:$0x0] =	wrdreg $0xFFFFFFFF;
	(pc) =	sbr.abs _section_cstart, $3  }
0xc0: {  	[dreg:$0x1] =	wrdreg $0xFFFFFFFF  }
0xc1: {  	_ =	task.clear_ibuf [dreg:s6], $0x2FFFF;
	_ =	strace $0x9FFFFFFF  }
0xc2: {  	(tm) =	ssettm $0x7FFFFFFF  }
0xc3: {  	_ =	shalt  }
tec
execute0_lowered:
.L_overlay_start_1:
0x0: {  	(tag) =	ssettag $0x1  }
0x1: {  	s0 =	srdreg.scid;
	s7 =	rddreg [dreg:$0x0]  }
0x2: {  	s2 =	rddreg [dreg:$0x1];
	s26 =	simm.s32 $0x0;
	s17 =	simm.s32 $0x80  }
0x3: {  	s18 =	simm.s32 $0x400;
	s19 =	simm.s32 $0x4000;
	s20 =	simm.s32 $0x6780  }
0x4: {  	s21 =	simm.s32 $0x4;
	s22 =	simm.s32 $0x1;
	s23 =	simm.s32 $0x50  }
0x5: {  	s24 =	simm.s32 $0x8F80;
	s25 =	simm.s32 $0x2;
	s28 =	simm.s32 $0x3E00  }
0x6: {  	s29 =	simm.s32 $0x0;
	s5 =	sand.u32 $0x1, s0;
	s0 =	stileid.u32  }
0x7: {  	[smem:$0x7FF] =	sst s26;
	s26 =	simm.s32 $0x3;
	s1 =	sshll.u32 s5, $0x4  }
0x8: {  	s8 =	sshll.u32 s0, $0x7;
	_ =	strace $0x8000004A;
	s9 =	smul.u32 $0x2800, s0  }
0x9: {  	s10 =	smul.u32 $0x28000, s5;
	s5 =	ssub.s32 $0x2, s5;
	s6 =	sor.u32 s0, s1  }
0xa: {  	s11 =	smul.u32 $0x50000, s0;
	s8 =	sand.u32 $0x380, s8;
	s1 =	sshrl.u32 s6, $0x3  }
0xb: {  	s30 =	sshrl.u32 s5, $0x1;
	s6 =	sshll.u32 s6, $0xB;
	s4 =	smul.u32 $0x13C00, s1  }
0xc: {  	s9 =	sadd.s32 s9, s10;
	s16 =	ssub.s32 s5, s30;
	s31 =	sshrl.u32 s11, $0x2  }
0xd: {  	s6 =	sadd.s32 s6, s7;
	s15 =	sadd.s32 s9, s7;
	s4 =	sor.u32 s8, s4  }
0xe: {  	s16 =	smax.u32 s16, $0x1;
	s5 =	sadd.s32 $0x3800, s6;
	s8 =	sshrl.u32 s4, $0x3  }
0xf: {  	s4 =	sadd.s32 $0x1D600, s7;
	s8 =	sadd.s32 s8, s7;
	s7 =	sadd.s32 s31, s2  }
0x10: {  	s15 =	sadd.s32 $0x44800, s15;
	s6 =	sadd.s32 $0x13800, s8;
	s8 =	sadd.s32 $0x2800, s7  }
0x11: {  	s9 =	sadd.s32 $0x5000, s7;
	s10 =	sadd.s32 $0x7800, s7;
	s11 =	sadd.s32 $0xA000, s7  }
0x12: {  	v0 =	vimm.f32 $0.0e+00;
	s12 =	sadd.s32 $0xC800, s7;
	s13 =	sadd.s32 $0xF000, s7;
	s14 =	sadd.s32 $0x11800, s7  }
.LBB2_1:
0x13: {  	s1 =	simm.s32 $0x0  }
0x14: {  	[tilespmem:s1], [sflag:$0x1] =	stream.linear.gather [hbm4b:s5+s1], $0x3E80, $0x38;
	[tilespmem:$0x1F780] =	vst v63  }
0x15: {  	s30 =	simm.s32 $0x0;
	s31 =	simm.s32 $0x200  }
0x16: {  	[tilespmem:s19], [sflag:$0x1] =	stream.strided.gather [hbm4b:s6+s17], $0x2780, s18, s17, $0x38;
	[tilespmem:$0x1F780] =	vst v63  }
.LBB2_2:
0x17: {  	p0 =	sne.s32 s31, $0x9E00;
	[tilespmem:s30+$0x67F0] =	vst v0  }
0x18: {  	[tilespmem:s30+$0x6780] =	vst v0  }
0x19: {  	[tilespmem:s30+$0x6790] =	vst v0  }
.Ltmp0:
0x1a: {  	[tilespmem:s30+$0x67A0] =	vst v0;
	(pc) =	sbr.rel @p0 .LBB2_2-.Ltmp0, $4  }
0x1b: {  	[tilespmem:s30+$0x67B0] =	vst v0  }
0x1c: {  	[tilespmem:s30+$0x67C0] =	vst v0  }
0x1d: {  	[tilespmem:s30+$0x67D0] =	vst v0  }
0x1e: {  	[tilespmem:s30+$0x67E0] =	vst v0;
	s30 =	sshra.s32 s31, $0x2;
	s31 =	sadd.s32 $0x200, s31  }
0x1f: {  	[tilespmem:s30+$0x67F0] =	vst v0  }
0x20: {  	[tilespmem:s30+$0x6780] =	vst v0  }
0x21: {  	[tilespmem:s30+$0x6790] =	vst v0  }
0x22: {  	[tilespmem:s30+$0x67A0] =	vst v0  }
0x23: {  	[tilespmem:s30+$0x67B0] =	vst v0  }
0x24: {  	[tilespmem:s30+$0x67C0] =	vst v0  }
0x25: {  	[tilespmem:s30+$0x67D0] =	vst v0  }
0x26: {  	[tilespmem:s30+$0x67E0] =	vst v0  }
0x27: {  	[spmem:s7] =	stream.linear.scatter [tilespmem:s20], [sflag:$0x4], $0x2800, $0x38;
	[tilespmem:$0x1F780] =	vst v63  }
0x28: {  	_ =	swait.ge [sflag:s21], $0x2800  }
0x29: {  	[sflag:s21] =	ssyncset.done $0x0  }
0x2a: {  	[sflag:s21] =	ssyncadd.s32 $0xFFFFD800  }
0x2b: {  	[spmem:s8] =	stream.linear.scatter [tilespmem:s20], [sflag:$0x4], $0x2800, $0x38;
	[tilespmem:$0x1F780] =	vst v63  }
0x2c: {  	_ =	swait.ge [sflag:s21], $0x2800  }
0x2d: {  	[sflag:s21] =	ssyncset.done $0x0  }
0x2e: {  	[sflag:s21] =	ssyncadd.s32 $0xFFFFD800  }
0x2f: {  	[spmem:s9] =	stream.linear.scatter [tilespmem:s20], [sflag:$0x4], $0x2800, $0x38;
	[tilespmem:$0x1F780] =	vst v63  }
0x30: {  	_ =	swait.ge [sflag:s21], $0x2800  }
0x31: {  	[sflag:s21] =	ssyncset.done $0x0  }
0x32: {  	[sflag:s21] =	ssyncadd.s32 $0xFFFFD800  }
0x33: {  	[spmem:s10] =	stream.linear.scatter [tilespmem:s20], [sflag:$0x4], $0x2800, $0x38;
	[tilespmem:$0x1F780] =	vst v63  }
0x34: {  	_ =	swait.ge [sflag:s21], $0x2800  }
0x35: {  	[sflag:s21] =	ssyncset.done $0x0  }
0x36: {  	[sflag:s21] =	ssyncadd.s32 $0xFFFFD800  }
0x37: {  	[spmem:s11] =	stream.linear.scatter [tilespmem:s20], [sflag:$0x4], $0x2800, $0x38;
	[tilespmem:$0x1F780] =	vst v63  }
0x38: {  	_ =	swait.ge [sflag:s21], $0x2800  }
0x39: {  	[sflag:s21] =	ssyncset.done $0x0  }
0x3a: {  	[sflag:s21] =	ssyncadd.s32 $0xFFFFD800  }
0x3b: {  	[spmem:s12] =	stream.linear.scatter [tilespmem:s20], [sflag:$0x4], $0x2800, $0x38;
	[tilespmem:$0x1F780] =	vst v63  }
0x3c: {  	_ =	swait.ge [sflag:s21], $0x2800  }
0x3d: {  	[sflag:s21] =	ssyncset.done $0x0  }
0x3e: {  	[sflag:s21] =	ssyncadd.s32 $0xFFFFD800  }
0x3f: {  	[spmem:s13] =	stream.linear.scatter [tilespmem:s20], [sflag:$0x4], $0x2800, $0x38;
	[tilespmem:$0x1F780] =	vst v63  }
0x40: {  	_ =	swait.ge [sflag:s21], $0x2800  }
0x41: {  	[sflag:s21] =	ssyncset.done $0x0  }
0x42: {  	[sflag:s21] =	ssyncadd.s32 $0xFFFFD800  }
0x43: {  	[spmem:s14] =	stream.linear.scatter [tilespmem:s20], [sflag:$0x4], $0x2800, $0x38;
	[tilespmem:$0x1F780] =	vst v63  }
0x44: {  	_ =	swait.ge [sflag:s21], $0x2800  }
0x45: {  	[sflag:s21] =	ssyncset.done $0x0  }
0x46: {  	[sflag:s21] =	ssyncadd.s32 $0xFFFFD800  }
0x47: {  	_ =	swait.ge [sflag:s22], $0x3E80  }
0x48: {  	[sflag:s22] =	ssyncset.done $0x0  }
0x49: {  	[sflag:s22] =	ssyncadd.s32 $0xFFFFC180  }
0x4a: {  	_ =	swait.ge [sflag:s22], $0x2780  }
0x4b: {  	[sflag:s22] =	ssyncset.done $0x0  }
0x4c: {  	[sflag:s22] =	ssyncadd.s32 $0xFFFFD880  }
0x4d: {  	[bflag:$0x0] =	sbarrier.arrive $0xFFFF  }
0x4e: {  	[tilespmem:s20], [sflag:$0x2] =	stream.indirect.gather [hbm4b:s4+s23], $0x80, s19, s23, $0xb8;
	[tilespmem:$0x1F780] =	vst v63  }
0x4f: {  	s30 =	simm.s32 $0x4050  }
0x50: {  	[tilespmem:s24], [sflag:$0x3] =	stream.indirect.gather [hbm4b:s4+s23], $0x80, s30, s23, $0xb8;
	[tilespmem:$0x1F780] =	vst v63  }
0x51: {  	_ =	swait.ge [sflag:s25], $0x2800  }
0x52: {  	[sflag:s25] =	ssyncset.done $0x0  }
0x53: {  	s31 =	simm.s32 $0x0;
	[sflag:s25] =	ssyncadd.s32 $0xFFFFD800  }
0x54: {  	[spmem:s2] =	stream.indirect.scatter.add.f32 [tilespmem:s20], [sflag:$0x4], $0x80, s31, s23, $0xb8;
	[tilespmem:$0x1F780] =	vst v63  }
0x55: {  	_ =	swait.ge [sflag:s21], $0x2800  }
0x56: {  	[sflag:s21] =	ssyncset.done $0x0  }
0x57: {  	s31 =	simm.s32 $0x40A0;
	[sflag:s21] =	ssyncadd.s32 $0xFFFFD800  }
0x58: {  	[tilespmem:s20], [sflag:$0x2] =	stream.indirect.gather [hbm4b:s4+s23], $0x80, s31, s23, $0xb8;
	[tilespmem:$0x1F780] =	vst v63  }
0x59: {  	_ =	swait.ge [sflag:s26], $0x2800  }
0x5a: {  	[sflag:s26] =	ssyncset.done $0x0  }
0x5b: {  	s31 =	simm.s32 $0x80;
	[sflag:s26] =	ssyncadd.s32 $0xFFFFD800  }
0x5c: {  	[spmem:s2] =	stream.indirect.scatter.add.f32 [tilespmem:s24], [sflag:$0x4], $0x80, s31, s23, $0xb8;
	[tilespmem:$0x1F780] =	vst v63  }
0x5d: {  	_ =	swait.ge [sflag:s21], $0x2800  }
0x5e: {  	s31 =	simm.s32 $0x400;
	[sflag:s21] =	ssyncset.done $0x0  }
.LBB2_4:
0x5f: {  	p0 =	sne.s32 s31, $0xF400;
	[sflag:s21] =	ssyncadd.s32 $0xFFFFD800;
	s30 =	sadd.s32 $0xA0, s30  }
0x60: {  	[tilespmem:s24], [sflag:$0x3] =	stream.indirect.gather [hbm4b:s4+s23], $0x80, s30, s23, $0xb8;
	[tilespmem:$0x1F780] =	vst v63  }
0x61: {  	s1 =	smov.u32 s31;
	s31 =	sadd.s32 $0x400, s31;
	_ =	swait.ge [sflag:s25], $0x2800  }
0x62: {  	[sflag:s25] =	ssyncset.done $0x0  }
0x63: {  	s1 =	sshra.s32 s1, $0x2;
	[sflag:s25] =	ssyncadd.s32 $0xFFFFD800  }
0x64: {  	[spmem:s2] =	stream.indirect.scatter.add.f32 [tilespmem:s20], [sflag:$0x4], $0x80, s1, s23, $0xb8;
	[tilespmem:$0x1F780] =	vst v63  }
0x65: {  	_ =	swait.ge [sflag:s21], $0x2800  }
0x66: {  	[sflag:s21] =	ssyncset.done $0x0  }
0x67: {  	s3 =	sadd.s32 $0x50, s30;
	[sflag:s21] =	ssyncadd.s32 $0xFFFFD800  }
0x68: {  	[tilespmem:s20], [sflag:$0x2] =	stream.indirect.gather [hbm4b:s4+s23], $0x80, s3, s23, $0xb8;
	[tilespmem:$0x1F780] =	vst v63  }
0x69: {  	_ =	swait.ge [sflag:s26], $0x2800  }
.Ltmp1:
0x6a: {  	[sflag:s26] =	ssyncset.done $0x0;
	(pc) =	sbr.rel @p0 .LBB2_4-.Ltmp1, $4  }
0x6b: {  	s1 =	sadd.s32 $0x80, s1;
	[sflag:s26] =	ssyncadd.s32 $0xFFFFD800  }
0x6c: {  	[spmem:s2] =	stream.indirect.scatter.add.f32 [tilespmem:s24], [sflag:$0x4], $0x80, s1, s23, $0xb8;
	[tilespmem:$0x1F780] =	vst v63  }
0x6d: {  	_ =	swait.ge [sflag:s21], $0x2800  }
0x6e: {  	[sflag:s21] =	ssyncset.done $0x0  }
0x6f: {  	[sflag:s21] =	ssyncadd.s32 $0xFFFFD800  }
0x70: {  	_ =	swait.ge [sflag:s25], $0x2800  }
0x71: {  	[sflag:s25] =	ssyncset.done $0x0  }
0x72: {  	[sflag:s25] =	ssyncadd.s32 $0xFFFFD800  }
0x73: {  	[spmem:s2] =	stream.indirect.scatter.add.f32 [tilespmem:s20], [sflag:$0x4], $0x80, s28, s23, $0xb8;
	[tilespmem:$0x1F780] =	vst v63  }
0x74: {  	_ =	swait.ge [sflag:s21], $0x2800  }
0x75: {  	s1 =	sshll.u32 s0, $0x6;
	s29 =	sadd.s32 $0x1, s29;
	[sflag:s21] =	ssyncset.done $0x0  }
0x76: {  	s3 =	sshrl.u32 s7, $0x3;
	p0 =	sne.s32 s29, s16;
	[sflag:s21] =	ssyncadd.s32 $0xFFFFD800  }
.Ltmp2:
0x77: {  	s1 =	sor.u32 $0x1C04, s1;
	[bflag:$0x0] =	sbarrier.arrive $0xFFFF;
	(pc) =	sbr.rel @p0 .LBB2_1-.Ltmp2, $4  }
0x78: {  	[hbm:s15], [sflag:s1] =	dma.local [spmem:s3], $0x2800  }
0x79: {  	_ =	swait.ge [sflag:s21], $0x2800  }
0x7a: {  	[sflag:s21] =	ssyncset.done $0x0  }
0x7b: {  	[sflag:s21] =	ssyncadd.s32 $0xFFFFD800  }
0x7c: {  	_ =	sfence.sel $0x180000  }
0x7d: {  	[bflag:$0x0] =	sbarrier.arrive $0xFFFF  }
0x7e: {  	_ =	strace $0x9000004A  }
0x7f: {  	[bflag:$0x2] =	sbarrier.arrive $0xFFFF  }
0x80: {  	p0 =	sne.s32 s0, $0x0;
	s0 =	rddreg [dreg:$0x2]  }
0x81: {  	s0 =	sadd.s32 @!p0 $0x100000, s0  }
0x82: {  	[sflag:s0] =	ssyncadd.tile.s32 @!p0 $0x1;
	_ =	shalt  }
.Lfunc_end2:
_tile_overlayer_lowered:
.L_overlay_start_2:
0x83: {  	(tag) =	ssettag $0x2  }
0x84: {  	s0 =	rddreg [dreg:$0x0];
	s2 =	stileid.u32  }
0x85: {  	s1 =	rddreg [dreg:$0x1];
	p0 =	sne.s32 s2, $0x0  }
0x86: {  	s3 =	rddreg [dreg:$0x2];
	[bflag:$0x3] =	sbarrier.arrive $0xFFFF;
	s2 =	simm.s32 @!p0 $0x1C04  }
0x87: {  	[timem:s3], [sflag:s2] =	dma.local @!p0 [hbm:s0], s1  }
0x88: {  	s0 =	simm.s32 @!p0 $0x4  }
0x89: {  	_ =	swait.ge @!p0 [sflag:s0], s1  }
0x8a: {  	s1 =	ssub.s32 @!p0 $0x0, s1;
	[sflag:s0] =	ssyncset.done @!p0 $0x0  }
0x8b: {  	[sflag:s0] =	ssyncadd.s32 @!p0 s1  }
0x8c: {  	[bflag:$0x3] =	sbarrier.arrive $0xFFFF  }
0x8d: {  	_ =	shalt  }

// kernel: kernel.14.cloned.1.call-start
scs
__scs_entry_jumppad:
0x0: {  	(pc) =	sbr.rel $0x88, $3  }
0x1: {  	(tag) =	ssettag $0x0;
	lr =	simm.s32 $0x1  }
0x2: {  	[smem:$0x3F96] =	sst lr;
	_ =	strace $0xD0000000  }
0x3: {  	_ = 	snop  }
0x4: {  	_ = 	snop  }
0x5: {  	_ = 	snop  }
0x6: {  	_ = 	snop  }
0x7: {  	_ = 	snop  }
__scs_overlays_trampoline_lowered:
0x8: {  	[smem:$0x3FA5] =	sst s0  }
0x9: {  	[smem:$0x3FA6] =	sst s1  }
0xa: {  	[smem:$0x3FA7] =	sst s2  }
0xb: {  	[smem:$0x3FA8] =	sst s3  }
0xc: {  	[smem:$0x3FA9] =	sst s4  }
0xd: {  	[smem:$0x3FAA] =	sst s5  }
0xe: {  	[smem:$0x3FAB] =	sst s6  }
0xf: {  	[smem:$0x3FAC] =	sst s7  }
0x10: {  	[smem:$0x3FAD] =	sst s8  }
0x11: {  	[smem:$0x3FAE] =	sst s9;
	s0 =	simm.s32 @!p0 $0x0  }
0x12: {  	s1 =	sld [smem:$0x3F94];
	s0 =	simm.s32 @p0 $0x1  }
0x13: {  	[smem:$0x3FAF] =	sst s0;
	s0 =	simm.s32 @!p1 $0x0  }
0x14: {  	s2 =	sld [smem:$0x3F93];
	s0 =	simm.s32 @p1 $0x1  }
0x15: {  	[smem:$0x3FB0] =	sst s0;
	s0 =	simm.s32 @!p2 $0x0  }
0x16: {  	s3 =	sld [smem:$0x3FDB];
	s0 =	simm.s32 @p2 $0x1  }
0x17: {  	s4 =	simm.s32 $0x1BF5;
	[smem:$0x3FB2] =	sst s0  }
0x18: {  	s0 =	sld [smem:$0x3F95];
	_ =	swait.ge [sflag:s4], $0x0  }
0x19: {  	s7 =	sld [smem:$0x3F96]  }
0x1a: {  	s8 =	sadd.s32 $0xFFFFE003, lr  }
0x1b: {  	s9 =	sadd.s32 $0xFFFFFEF7, lr;
	s5 =	simm.s32 $0xFFFFFFFF;
	p2 =	slt.u32 s8, $0xFFFFF086  }
0x1c: {  	p1 =	slt.u32 s9, $0xF7A;
	s5 =	simm.s32 @!p2 $0x0  }
0x1d: {  	s5 =	simm.s32 @p1 $0x1;
	p0 =	seq.s32 s7, s2  }
0x1e: {  	s7 =	smul.u32 @!p0 $0xF7A, s2;
	p2 =	seq.s32 @!p0 s5, $0x0  }
0x1f: {  	s9 =	smul.u32 $0xF7A, s1;
	s8 =	simm.s32 @!p0 $0x1BF5;
	p2 =	por !p2, p0  }
0x20: {  	[sflag:s8] =	ssyncset.s32 @!p0 $0xFFFFF086;
	s6 =	sadd.s32 @!p0 s3, s7;
	s7 =	simm.s32 @!p0 $0x108  }
0x21: {  	s3 =	sadd.s32 s3, s9;
	s6 =	sadd.s32 @!p0 $0x88, s6;
	s7 =	simm.s32 @p2 $0x1082  }
0x22: {  	[simem:s7], [sflag:s8] =	dma.local @!p0 [hbm:s6], $0xF7A  }
0x23: {  	s9 =	sor.u32 $0xD0000000, s2;
	s6 =	simm.s32 $0x108;
	_ =	swait.ge @!p0 [sflag:s8], $0x0  }
0x24: {  	s3 =	sadd.s32 $0x88, s3;
	s6 =	simm.s32 @!p1 $0x1082;
	[sflag:s4] =	ssyncset.s32 $0xFFFFF086  }
0x25: {  	[simem:s6], [sflag:s4] =	dma.local [hbm:s3], $0xF7A  }
0x26: {  	[smem:$0x3F96] =	sst s1;
	(tag) =	ssettag s2;
	_ =	strace s9  }
0x27: {  	s1 =	sld [smem:$0x3FA6]  }
0x28: {  	s2 =	sld [smem:$0x3FA7]  }
0x29: {  	s4 =	sld [smem:$0x3FA9]  }
0x2a: {  	p0 =	seq.s32 s5, $0x0;
	s5 =	sld [smem:$0x3FAA]  }
0x2b: {  	s6 =	sld [smem:$0x3FAB]  }
0x2c: {  	s7 =	sld [smem:$0x3FAC]  }
0x2d: {  	s3 =	simm.s32 $0x108;
	s8 =	sld [smem:$0x3FAD]  }
0x2e: {  	s3 =	simm.s32 @!p0 $0x1082;
	s9 =	sld [smem:$0x3FAE]  }
0x2f: {  	lr =	sadd.s32 s0, s3;
	s0 =	sld [smem:$0x3FA5]  }
0x30: {  	s3 =	sld [smem:$0x3FA8]  }
0x31: {  	[smem:$0x3FB1] =	sst s10  }
0x32: {  	s10 =	sld [smem:$0x3FAF];
	_ =	sdelay $0x3  }
0x33: {  	p0 =	seq.s32 s10, $0x1;
	s10 =	sld [smem:$0x3FB1];
	_ =	sdelay $0x3  }
0x34: {  	[smem:$0x3FB1] =	sst s10  }
0x35: {  	s10 =	sld [smem:$0x3FB0];
	_ =	sdelay $0x3  }
0x36: {  	p1 =	seq.s32 s10, $0x1;
	s10 =	sld [smem:$0x3FB1];
	_ =	sdelay $0x3  }
0x37: {  	[smem:$0x3FB1] =	sst s10  }
0x38: {  	s10 =	sld [smem:$0x3FB2]  }
0x39: {  	_ = 	snop;
	(pc) =	sbr.ind lr, $3  }
0x3a: {  	_ = 	snop  }
0x3b: {  	_ = 	snop  }
0x3c: {  	p2 =	seq.s32 s10, $0x1;
	s10 =	sld [smem:$0x3FB1]  }
0x3d: {  	_ =	shalt  }
0x3e: {  	_ =	shalt  }
0x3f: {  	_ =	shalt  }
0x40: {  	_ =	shalt  }
0x41: {  	_ =	shalt  }
0x42: {  	_ =	shalt  }
0x43: {  	_ =	shalt  }
0x44: {  	_ =	shalt  }
0x45: {  	_ =	shalt  }
0x46: {  	_ =	shalt  }
0x47: {  	_ =	shalt  }
0x48: {  	_ =	shalt  }
0x49: {  	_ =	shalt  }
0x4a: {  	_ =	shalt  }
0x4b: {  	_ =	shalt  }
0x4c: {  	_ =	shalt  }
0x4d: {  	_ =	shalt  }
0x4e: {  	_ =	shalt  }
0x4f: {  	_ =	shalt  }
0x50: {  	_ =	shalt  }
0x51: {  	_ =	shalt  }
0x52: {  	_ =	shalt  }
0x53: {  	_ =	shalt  }
0x54: {  	_ =	shalt  }
0x55: {  	_ =	shalt  }
0x56: {  	_ =	shalt  }
0x57: {  	_ =	shalt  }
0x58: {  	_ =	shalt  }
0x59: {  	_ =	shalt  }
0x5a: {  	_ =	shalt  }
0x5b: {  	_ =	shalt  }
0x5c: {  	_ =	shalt  }
0x5d: {  	_ =	shalt  }
0x5e: {  	_ =	shalt  }
0x5f: {  	_ =	shalt  }
0x60: {  	_ =	shalt  }
0x61: {  	_ =	shalt  }
0x62: {  	_ =	shalt  }
0x63: {  	_ =	shalt  }
0x64: {  	_ =	shalt  }
0x65: {  	_ =	shalt  }
0x66: {  	_ =	shalt  }
0x67: {  	_ =	shalt  }
0x68: {  	_ =	shalt  }
0x69: {  	_ =	shalt  }
0x6a: {  	_ =	shalt  }
0x6b: {  	_ =	shalt  }
0x6c: {  	_ =	shalt  }
0x6d: {  	_ =	shalt  }
0x6e: {  	_ =	shalt  }
0x6f: {  	_ =	shalt  }
0x70: {  	_ =	shalt  }
0x71: {  	_ =	shalt  }
0x72: {  	_ =	shalt  }
0x73: {  	_ =	shalt  }
0x74: {  	_ =	shalt  }
0x75: {  	_ =	shalt  }
0x76: {  	_ =	shalt  }
0x77: {  	_ =	shalt  }
0x78: {  	_ =	shalt  }
0x79: {  	_ =	shalt  }
0x7a: {  	_ =	shalt  }
0x7b: {  	_ =	shalt  }
0x7c: {  	_ =	shalt  }
0x7d: {  	_ =	shalt  }
0x7e: {  	_ =	shalt  }
0x7f: {  	_ =	shalt  }
0x80: {  	_ =	shalt  }
0x81: {  	_ =	shalt  }
0x82: {  	_ =	shalt  }
0x83: {  	_ =	shalt  }
0x84: {  	_ =	shalt  }
0x85: {  	_ =	shalt  }
0x86: {  	_ =	shalt  }
0x87: {  	_ =	shalt  }
.Lfunc_end0:
.L_simem_size_0:
called_computation.2_lowered:
.L_overlay_start_0:
0x88: {  	s2 =	sld [smem:$0x3FD9]  }
0x89: {  	s3 =	sld [smem:$0x3FFE];
	_ =	sdelay $0x1  }
0x8a: {  	s1 =	srdreg.scid  }
0x8b: {  	s0 =	sand.u32 $0x1, s1  }
0x8c: {  	s16 =	sshll.u32 s0, $0xA;
	s2 =	sadd.s32 s3, s2  }
0x8d: {  	s2 =	sadd.s32 s2, s16  }
0x8e: {  	[smem:$0x3FBD] =	sst s2  }
0x8f: {  	_ = 	snop  }
0x90: {  	(tm) =	ssettm $0x1  }
0x91: {  	s17 =	sld [smem:$0x3FFB];
	_ =	sdelay $0x3  }
0x92: {  	_ =	strace s17  }
0x93: {  	s2 =	sld [smem:$0x3FFC];
	_ =	sdelay $0x3  }
0x94: {  	_ =	strace s2  }
0x95: {  	s2 =	sld [smem:$0x3FFD];
	_ =	sdelay $0x3  }
0x96: {  	_ =	strace s2  }
0x97: {  	_ =	strace $0x8FFFFFFF  }
0x98: {  	s18 =	sld [smem:$0x3FDB];
	_ =	sdelay $0x1  }
0x99: {  	s19 =	simm.s32 $_scs_section_size  }
0x9a: {  	s4 =	simm.s32 $_size__tile_overlayer_lowered;
	s5 =	simm.s32 $_tile_overlayer_lowered  }
0x9b: {  	s22 =	simm.s32 $0x1BFF;
	s21 =	sshll.u32 s5, $0x1;
	s2 =	sadd.s32 s19, s18  }
0x9c: {  	s6 =	simm.s32 $0x0;
	s20 =	sshll.u32 s4, $0x1;
	s4 =	sadd.s32 s21, s2  }
0x9d: {  	[timem:s6], [sflag:s22] =	dma.local [hbm:s4], s20  }
0x9e: {  	_ =	swait.ge [sflag:s22], s20  }
0x9f: {  	s3 =	ssub.s32 $0x0, s20;
	[sflag:s22] =	ssyncset.done $0x0  }
0xa0: {  	[sflag:s22] =	ssyncadd.s32 s3;
	_ =	sdelay $0x1  }
0xa1: {  	s23 =	simm.s32 $0x1B8B  }
0xa2: {  	_ =	swait.ge [sflag:s23], $0x1  }
0xa3: {  	[sflag:s23] =	ssyncset.done $0x0  }
0xa4: {  	s25 =	simm.s32 $0x1B8E;
	s24 =	sld [smem:$0x3FFE];
	[sflag:s23] =	ssyncadd.s32 $0xFFFFFFFF  }
0xa5: {  	s26 =	simm.s32 $execute0_lowered;
	[smem:$0x3FD2] =	sst s25  }
0xa6: {  	s4 =	sshll.u32 s26, $0x1;
	_ =	strace $0x8000004C;
	[dreg:$0x1] =	wrdreg $0xFFFFFFFF  }
0xa7: {  	s28 =	simm.s32 $_size_execute0_lowered;
	s2 =	sadd.s32 s2, s4;
	[dreg:$0x0] =	wrdreg $0x0  }
0xa8: {  	s4 =	sshll.u32 s28, $0x1;
	[dreg:$0x2] =	wrdreg s2  }
0xa9: {  	[dreg:$0x3] =	wrdreg s4  }
0xaa: {  	[dreg:$0x4] =	wrdreg $0xC0  }
0xab: {  	_ =	task [dreg:s6], $0x5FFFF  }
0xac: {  	[dreg:$0x1] =	wrdreg $0xFFFFFFFF  }
0xad: {  	[dreg:$0x0] =	wrdreg $0x60  }
0xae: {  	[dreg:$0x2] =	wrdreg s24  }
0xaf: {  	[dreg:$0x3] =	wrdreg $0xB7800  }
0xb0: {  	[dreg:$0x4] =	wrdreg $0x9  }
0xb1: {  	_ =	task.clear_ibuf [dreg:s6], $0x5FFFF;
	_ =	strace $0x9000004C  }
0xb2: {  	s29 =	simm.s32 $0x9;
	_ =	strace $0x8000004E  }
0xb3: {  	_ =	swait.ge [sflag:s29], $0x1  }
0xb4: {  	[sflag:s29] =	ssyncadd.s32 $0xFFFFFFFF  }
0xb5: {  	_ =	strace $0x9000004E  }
0xb6: {  	_ =	sfence  }
0xb7: {  	s30 =	sld [smem:$0x0];
	_ =	sdelay $0x2  }
0xb8: {  	s31 =	sshll.u32 s1, $0xD;
	s1 =	sshrl.u32 s1, $0x2  }
0xb9: {  	s3 =	sand.u32 $0x4000, s31;
	s1 =	sadd.s32 s1, s30  }
0xba: {  	s0 =	sor.u32 s3, s0;
	s1 =	sshll.u32 s1, $0x11  }
0xbb: {  	s0 =	sor.u32 s1, s0  }
0xbc: {  	s0 =	sadd.s32 $0x8F2B, s0  }
0xbd: {  	[sflag:s0] =	ssyncadd.remote.s32 $0x1  }
0xbe: {  	_ =	sfence.sel $0xFFFF  }
0xbf: {  	[dreg:$0x0] =	wrdreg $0xFFFFFFFF;
	(pc) =	sbr.abs _section_cstart, $3  }
0xc0: {  	[dreg:$0x1] =	wrdreg $0xFFFFFFFF  }
0xc1: {  	_ =	task.clear_ibuf [dreg:s6], $0x2FFFF;
	_ =	strace $0x9FFFFFFF  }
0xc2: {  	(tm) =	ssettm $0x7FFFFFFF  }
0xc3: {  	_ =	shalt  }
tec
execute0_lowered:
.L_overlay_start_1:
0x0: {  	(tag) =	ssettag $0x1  }
0x1: {  	s0 =	srdreg.scid;
	s7 =	rddreg [dreg:$0x0]  }
0x2: {  	s2 =	rddreg [dreg:$0x1];
	s26 =	simm.s32 $0x0;
	s17 =	simm.s32 $0x80  }
0x3: {  	s18 =	simm.s32 $0x400;
	s19 =	simm.s32 $0x4000;
	s20 =	simm.s32 $0x6780  }
0x4: {  	s21 =	simm.s32 $0x4;
	s22 =	simm.s32 $0x1;
	s23 =	simm.s32 $0x50  }
0x5: {  	s24 =	simm.s32 $0x8F80;
	s25 =	simm.s32 $0x2;
	s28 =	simm.s32 $0x3E00  }
0x6: {  	s29 =	simm.s32 $0x0;
	s5 =	sand.u32 $0x1, s0;
	s0 =	stileid.u32  }
0x7: {  	[smem:$0x7FF] =	sst s26;
	s26 =	simm.s32 $0x3;
	s1 =	sshll.u32 s5, $0x4  }
0x8: {  	s8 =	sshll.u32 s0, $0x7;
	_ =	strace $0x8000004D;
	s9 =	smul.u32 $0x2800, s0  }
0x9: {  	s10 =	smul.u32 $0x28000, s5;
	s5 =	ssub.s32 $0x2, s5;
	s6 =	sor.u32 s0, s1  }
0xa: {  	s11 =	smul.u32 $0x50000, s0;
	s8 =	sand.u32 $0x380, s8;
	s1 =	sshrl.u32 s6, $0x3  }
0xb: {  	s30 =	sshrl.u32 s5, $0x1;
	s6 =	sshll.u32 s6, $0xB;
	s4 =	smul.u32 $0x13C00, s1  }
0xc: {  	s9 =	sadd.s32 s9, s10;
	s16 =	ssub.s32 s5, s30;
	s31 =	sshrl.u32 s11, $0x2  }
0xd: {  	s6 =	sadd.s32 s6, s7;
	s15 =	sadd.s32 s9, s7;
	s4 =	sor.u32 s8, s4  }
0xe: {  	s16 =	smax.u32 s16, $0x1;
	s5 =	sadd.s32 $0x3800, s6;
	s8 =	sshrl.u32 s4, $0x3  }
0xf: {  	s4 =	sadd.s32 $0x1D600, s7;
	s8 =	sadd.s32 s8, s7;
	s7 =	sadd.s32 s31, s2  }
0x10: {  	s15 =	sadd.s32 $0x44800, s15;
	s6 =	sadd.s32 $0x13800, s8;
	s8 =	sadd.s32 $0x2800, s7  }
0x11: {  	s9 =	sadd.s32 $0x5000, s7;
	s10 =	sadd.s32 $0x7800, s7;
	s11 =	sadd.s32 $0xA000, s7  }
0x12: {  	v0 =	vimm.f32 $0.0e+00;
	s12 =	sadd.s32 $0xC800, s7;
	s13 =	sadd.s32 $0xF000, s7;
	s14 =	sadd.s32 $0x11800, s7  }
.LBB2_1:
0x13: {  	s1 =	simm.s32 $0x0  }
0x14: {  	[tilespmem:s1], [sflag:$0x1] =	stream.linear.gather [hbm4b:s5+s1], $0x3E80, $0x38;
	[tilespmem:$0x1F780] =	vst v63  }
0x15: {  	s30 =	simm.s32 $0x0;
	s31 =	simm.s32 $0x200  }
0x16: {  	[tilespmem:s19], [sflag:$0x1] =	stream.strided.gather [hbm4b:s6+s17], $0x2780, s18, s17, $0x38;
	[tilespmem:$0x1F780] =	vst v63  }
.LBB2_2:
0x17: {  	p0 =	sne.s32 s31, $0x9E00;
	[tilespmem:s30+$0x67F0] =	vst v0  }
0x18: {  	[tilespmem:s30+$0x6780] =	vst v0  }
0x19: {  	[tilespmem:s30+$0x6790] =	vst v0  }
.Ltmp0:
0x1a: {  	[tilespmem:s30+$0x67A0] =	vst v0;
	(pc) =	sbr.rel @p0 .LBB2_2-.Ltmp0, $4  }
0x1b: {  	[tilespmem:s30+$0x67B0] =	vst v0  }
0x1c: {  	[tilespmem:s30+$0x67C0] =	vst v0  }
0x1d: {  	[tilespmem:s30+$0x67D0] =	vst v0  }
0x1e: {  	[tilespmem:s30+$0x67E0] =	vst v0;
	s30 =	sshra.s32 s31, $0x2;
	s31 =	sadd.s32 $0x200, s31  }
0x1f: {  	[tilespmem:s30+$0x67F0] =	vst v0  }
0x20: {  	[tilespmem:s30+$0x6780] =	vst v0  }
0x21: {  	[tilespmem:s30+$0x6790] =	vst v0  }
0x22: {  	[tilespmem:s30+$0x67A0] =	vst v0  }
0x23: {  	[tilespmem:s30+$0x67B0] =	vst v0  }
0x24: {  	[tilespmem:s30+$0x67C0] =	vst v0  }
0x25: {  	[tilespmem:s30+$0x67D0] =	vst v0  }
0x26: {  	[tilespmem:s30+$0x67E0] =	vst v0  }
0x27: {  	[spmem:s7] =	stream.linear.scatter [tilespmem:s20], [sflag:$0x4], $0x2800, $0x38;
	[tilespmem:$0x1F780] =	vst v63  }
0x28: {  	_ =	swait.ge [sflag:s21], $0x2800  }
0x29: {  	[sflag:s21] =	ssyncset.done $0x0  }
0x2a: {  	[sflag:s21] =	ssyncadd.s32 $0xFFFFD800  }
0x2b: {  	[spmem:s8] =	stream.linear.scatter [tilespmem:s20], [sflag:$0x4], $0x2800, $0x38;
	[tilespmem:$0x1F780] =	vst v63  }
0x2c: {  	_ =	swait.ge [sflag:s21], $0x2800  }
0x2d: {  	[sflag:s21] =	ssyncset.done $0x0  }
0x2e: {  	[sflag:s21] =	ssyncadd.s32 $0xFFFFD800  }
0x2f: {  	[spmem:s9] =	stream.linear.scatter [tilespmem:s20], [sflag:$0x4], $0x2800, $0x38;
	[tilespmem:$0x1F780] =	vst v63  }
0x30: {  	_ =	swait.ge [sflag:s21], $0x2800  }
0x31: {  	[sflag:s21] =	ssyncset.done $0x0  }
0x32: {  	[sflag:s21] =	ssyncadd.s32 $0xFFFFD800  }
0x33: {  	[spmem:s10] =	stream.linear.scatter [tilespmem:s20], [sflag:$0x4], $0x2800, $0x38;
	[tilespmem:$0x1F780] =	vst v63  }
0x34: {  	_ =	swait.ge [sflag:s21], $0x2800  }
0x35: {  	[sflag:s21] =	ssyncset.done $0x0  }
0x36: {  	[sflag:s21] =	ssyncadd.s32 $0xFFFFD800  }
0x37: {  	[spmem:s11] =	stream.linear.scatter [tilespmem:s20], [sflag:$0x4], $0x2800, $0x38;
	[tilespmem:$0x1F780] =	vst v63  }
0x38: {  	_ =	swait.ge [sflag:s21], $0x2800  }
0x39: {  	[sflag:s21] =	ssyncset.done $0x0  }
0x3a: {  	[sflag:s21] =	ssyncadd.s32 $0xFFFFD800  }
0x3b: {  	[spmem:s12] =	stream.linear.scatter [tilespmem:s20], [sflag:$0x4], $0x2800, $0x38;
	[tilespmem:$0x1F780] =	vst v63  }
0x3c: {  	_ =	swait.ge [sflag:s21], $0x2800  }
0x3d: {  	[sflag:s21] =	ssyncset.done $0x0  }
0x3e: {  	[sflag:s21] =	ssyncadd.s32 $0xFFFFD800  }
0x3f: {  	[spmem:s13] =	stream.linear.scatter [tilespmem:s20], [sflag:$0x4], $0x2800, $0x38;
	[tilespmem:$0x1F780] =	vst v63  }
0x40: {  	_ =	swait.ge [sflag:s21], $0x2800  }
0x41: {  	[sflag:s21] =	ssyncset.done $0x0  }
0x42: {  	[sflag:s21] =	ssyncadd.s32 $0xFFFFD800  }
0x43: {  	[spmem:s14] =	stream.linear.scatter [tilespmem:s20], [sflag:$0x4], $0x2800, $0x38;
	[tilespmem:$0x1F780] =	vst v63  }
0x44: {  	_ =	swait.ge [sflag:s21], $0x2800  }
0x45: {  	[sflag:s21] =	ssyncset.done $0x0  }
0x46: {  	[sflag:s21] =	ssyncadd.s32 $0xFFFFD800  }
0x47: {  	_ =	swait.ge [sflag:s22], $0x3E80  }
0x48: {  	[sflag:s22] =	ssyncset.done $0x0  }
0x49: {  	[sflag:s22] =	ssyncadd.s32 $0xFFFFC180  }
0x4a: {  	_ =	swait.ge [sflag:s22], $0x2780  }
0x4b: {  	[sflag:s22] =	ssyncset.done $0x0  }
0x4c: {  	[sflag:s22] =	ssyncadd.s32 $0xFFFFD880  }
0x4d: {  	[bflag:$0x0] =	sbarrier.arrive $0xFFFF  }
0x4e: {  	[tilespmem:s20], [sflag:$0x2] =	stream.indirect.gather [hbm4b:s4+s23], $0x80, s19, s23, $0xb8;
	[tilespmem:$0x1F780] =	vst v63  }
0x4f: {  	s30 =	simm.s32 $0x4050  }
0x50: {  	[tilespmem:s24], [sflag:$0x3] =	stream.indirect.gather [hbm4b:s4+s23], $0x80, s30, s23, $0xb8;
	[tilespmem:$0x1F780] =	vst v63  }
0x51: {  	_ =	swait.ge [sflag:s25], $0x2800  }
0x52: {  	[sflag:s25] =	ssyncset.done $0x0  }
0x53: {  	s31 =	simm.s32 $0x0;
	[sflag:s25] =	ssyncadd.s32 $0xFFFFD800  }
0x54: {  	[spmem:s2] =	stream.indirect.scatter.add.f32 [tilespmem:s20], [sflag:$0x4], $0x80, s31, s23, $0xb8;
	[tilespmem:$0x1F780] =	vst v63  }
0x55: {  	_ =	swait.ge [sflag:s21], $0x2800  }
0x56: {  	[sflag:s21] =	ssyncset.done $0x0  }
0x57: {  	s31 =	simm.s32 $0x40A0;
	[sflag:s21] =	ssyncadd.s32 $0xFFFFD800  }
0x58: {  	[tilespmem:s20], [sflag:$0x2] =	stream.indirect.gather [hbm4b:s4+s23], $0x80, s31, s23, $0xb8;
	[tilespmem:$0x1F780] =	vst v63  }
0x59: {  	_ =	swait.ge [sflag:s26], $0x2800  }
0x5a: {  	[sflag:s26] =	ssyncset.done $0x0  }
0x5b: {  	s31 =	simm.s32 $0x80;
	[sflag:s26] =	ssyncadd.s32 $0xFFFFD800  }
0x5c: {  	[spmem:s2] =	stream.indirect.scatter.add.f32 [tilespmem:s24], [sflag:$0x4], $0x80, s31, s23, $0xb8;
	[tilespmem:$0x1F780] =	vst v63  }
0x5d: {  	_ =	swait.ge [sflag:s21], $0x2800  }
0x5e: {  	s31 =	simm.s32 $0x400;
	[sflag:s21] =	ssyncset.done $0x0  }
.LBB2_4:
0x5f: {  	p0 =	sne.s32 s31, $0xF400;
	[sflag:s21] =	ssyncadd.s32 $0xFFFFD800;
	s30 =	sadd.s32 $0xA0, s30  }
0x60: {  	[tilespmem:s24], [sflag:$0x3] =	stream.indirect.gather [hbm4b:s4+s23], $0x80, s30, s23, $0xb8;
	[tilespmem:$0x1F780] =	vst v63  }
0x61: {  	s1 =	smov.u32 s31;
	s31 =	sadd.s32 $0x400, s31;
	_ =	swait.ge [sflag:s25], $0x2800  }
0x62: {  	[sflag:s25] =	ssyncset.done $0x0  }
0x63: {  	s1 =	sshra.s32 s1, $0x2;
	[sflag:s25] =	ssyncadd.s32 $0xFFFFD800  }
0x64: {  	[spmem:s2] =	stream.indirect.scatter.add.f32 [tilespmem:s20], [sflag:$0x4], $0x80, s1, s23, $0xb8;
	[tilespmem:$0x1F780] =	vst v63  }
0x65: {  	_ =	swait.ge [sflag:s21], $0x2800  }
0x66: {  	[sflag:s21] =	ssyncset.done $0x0  }
0x67: {  	s3 =	sadd.s32 $0x50, s30;
	[sflag:s21] =	ssyncadd.s32 $0xFFFFD800  }
0x68: {  	[tilespmem:s20], [sflag:$0x2] =	stream.indirect.gather [hbm4b:s4+s23], $0x80, s3, s23, $0xb8;
	[tilespmem:$0x1F780] =	vst v63  }
0x69: {  	_ =	swait.ge [sflag:s26], $0x2800  }
.Ltmp1:
0x6a: {  	[sflag:s26] =	ssyncset.done $0x0;
	(pc) =	sbr.rel @p0 .LBB2_4-.Ltmp1, $4  }
0x6b: {  	s1 =	sadd.s32 $0x80, s1;
	[sflag:s26] =	ssyncadd.s32 $0xFFFFD800  }
0x6c: {  	[spmem:s2] =	stream.indirect.scatter.add.f32 [tilespmem:s24], [sflag:$0x4], $0x80, s1, s23, $0xb8;
	[tilespmem:$0x1F780] =	vst v63  }
0x6d: {  	_ =	swait.ge [sflag:s21], $0x2800  }
0x6e: {  	[sflag:s21] =	ssyncset.done $0x0  }
0x6f: {  	[sflag:s21] =	ssyncadd.s32 $0xFFFFD800  }
0x70: {  	_ =	swait.ge [sflag:s25], $0x2800  }
0x71: {  	[sflag:s25] =	ssyncset.done $0x0  }
0x72: {  	[sflag:s25] =	ssyncadd.s32 $0xFFFFD800  }
0x73: {  	[spmem:s2] =	stream.indirect.scatter.add.f32 [tilespmem:s20], [sflag:$0x4], $0x80, s28, s23, $0xb8;
	[tilespmem:$0x1F780] =	vst v63  }
0x74: {  	_ =	swait.ge [sflag:s21], $0x2800  }
0x75: {  	s1 =	sshll.u32 s0, $0x6;
	s29 =	sadd.s32 $0x1, s29;
	[sflag:s21] =	ssyncset.done $0x0  }
0x76: {  	s3 =	sshrl.u32 s7, $0x3;
	p0 =	sne.s32 s29, s16;
	[sflag:s21] =	ssyncadd.s32 $0xFFFFD800  }
.Ltmp2:
0x77: {  	s1 =	sor.u32 $0x1C04, s1;
	[bflag:$0x0] =	sbarrier.arrive $0xFFFF;
	(pc) =	sbr.rel @p0 .LBB2_1-.Ltmp2, $4  }
0x78: {  	[hbm:s15], [sflag:s1] =	dma.local [spmem:s3], $0x2800  }
0x79: {  	_ =	swait.ge [sflag:s21], $0x2800  }
0x7a: {  	[sflag:s21] =	ssyncset.done $0x0  }
0x7b: {  	[sflag:s21] =	ssyncadd.s32 $0xFFFFD800  }
0x7c: {  	_ =	sfence.sel $0x180000  }
0x7d: {  	[bflag:$0x0] =	sbarrier.arrive $0xFFFF  }
0x7e: {  	_ =	strace $0x9000004D  }
0x7f: {  	[bflag:$0x2] =	sbarrier.arrive $0xFFFF  }
0x80: {  	p0 =	sne.s32 s0, $0x0;
	s0 =	rddreg [dreg:$0x2]  }
0x81: {  	s0 =	sadd.s32 @!p0 $0x100000, s0  }
0x82: {  	[sflag:s0] =	ssyncadd.tile.s32 @!p0 $0x1;
	_ =	shalt  }
.Lfunc_end2:
_tile_overlayer_lowered:
.L_overlay_start_2:
0x83: {  	(tag) =	ssettag $0x2  }
0x84: {  	s0 =	rddreg [dreg:$0x0];
	s2 =	stileid.u32  }
0x85: {  	s1 =	rddreg [dreg:$0x1];
	p0 =	sne.s32 s2, $0x0  }
0x86: {  	s3 =	rddreg [dreg:$0x2];
	[bflag:$0x3] =	sbarrier.arrive $0xFFFF;
	s2 =	simm.s32 @!p0 $0x1C04  }
0x87: {  	[timem:s3], [sflag:s2] =	dma.local @!p0 [hbm:s0], s1  }
0x88: {  	s0 =	simm.s32 @!p0 $0x4  }
0x89: {  	_ =	swait.ge @!p0 [sflag:s0], s1  }
0x8a: {  	s1 =	ssub.s32 @!p0 $0x0, s1;
	[sflag:s0] =	ssyncset.done @!p0 $0x0  }
0x8b: {  	[sflag:s0] =	ssyncadd.s32 @!p0 s1  }
0x8c: {  	[bflag:$0x3] =	sbarrier.arrive $0xFFFF  }
0x8d: {  	_ =	shalt  }

// kernel: kernel.8.cloned.1.call-start
scs
__scs_entry_jumppad:
0x0: {  	(pc) =	sbr.rel $0x88, $3  }
0x1: {  	(tag) =	ssettag $0x0;
	lr =	simm.s32 $0x1  }
0x2: {  	[smem:$0x3F96] =	sst lr;
	_ =	strace $0xD0000000  }
0x3: {  	_ = 	snop  }
0x4: {  	_ = 	snop  }
0x5: {  	_ = 	snop  }
0x6: {  	_ = 	snop  }
0x7: {  	_ = 	snop  }
__scs_overlays_trampoline_lowered:
0x8: {  	[smem:$0x3FA5] =	sst s0  }
0x9: {  	[smem:$0x3FA6] =	sst s1  }
0xa: {  	[smem:$0x3FA7] =	sst s2  }
0xb: {  	[smem:$0x3FA8] =	sst s3  }
0xc: {  	[smem:$0x3FA9] =	sst s4  }
0xd: {  	[smem:$0x3FAA] =	sst s5  }
0xe: {  	[smem:$0x3FAB] =	sst s6  }
0xf: {  	[smem:$0x3FAC] =	sst s7  }
0x10: {  	[smem:$0x3FAD] =	sst s8  }
0x11: {  	[smem:$0x3FAE] =	sst s9;
	s0 =	simm.s32 @!p0 $0x0  }
0x12: {  	s1 =	sld [smem:$0x3F94];
	s0 =	simm.s32 @p0 $0x1  }
0x13: {  	[smem:$0x3FAF] =	sst s0;
	s0 =	simm.s32 @!p1 $0x0  }
0x14: {  	s2 =	sld [smem:$0x3F93];
	s0 =	simm.s32 @p1 $0x1  }
0x15: {  	[smem:$0x3FB0] =	sst s0;
	s0 =	simm.s32 @!p2 $0x0  }
0x16: {  	s3 =	sld [smem:$0x3FDB];
	s0 =	simm.s32 @p2 $0x1  }
0x17: {  	s4 =	simm.s32 $0x1BF5;
	[smem:$0x3FB2] =	sst s0  }
0x18: {  	s0 =	sld [smem:$0x3F95];
	_ =	swait.ge [sflag:s4], $0x0  }
0x19: {  	s7 =	sld [smem:$0x3F96]  }
0x1a: {  	s8 =	sadd.s32 $0xFFFFE003, lr  }
0x1b: {  	s9 =	sadd.s32 $0xFFFFFEF7, lr;
	s5 =	simm.s32 $0xFFFFFFFF;
	p2 =	slt.u32 s8, $0xFFFFF086  }
0x1c: {  	p1 =	slt.u32 s9, $0xF7A;
	s5 =	simm.s32 @!p2 $0x0  }
0x1d: {  	s5 =	simm.s32 @p1 $0x1;
	p0 =	seq.s32 s7, s2  }
0x1e: {  	s7 =	smul.u32 @!p0 $0xF7A, s2;
	p2 =	seq.s32 @!p0 s5, $0x0  }
0x1f: {  	s9 =	smul.u32 $0xF7A, s1;
	s8 =	simm.s32 @!p0 $0x1BF5;
	p2 =	por !p2, p0  }
0x20: {  	[sflag:s8] =	ssyncset.s32 @!p0 $0xFFFFF086;
	s6 =	sadd.s32 @!p0 s3, s7;
	s7 =	simm.s32 @!p0 $0x108  }
0x21: {  	s3 =	sadd.s32 s3, s9;
	s6 =	sadd.s32 @!p0 $0x88, s6;
	s7 =	simm.s32 @p2 $0x1082  }
0x22: {  	[simem:s7], [sflag:s8] =	dma.local @!p0 [hbm:s6], $0xF7A  }
0x23: {  	s9 =	sor.u32 $0xD0000000, s2;
	s6 =	simm.s32 $0x108;
	_ =	swait.ge @!p0 [sflag:s8], $0x0  }
0x24: {  	s3 =	sadd.s32 $0x88, s3;
	s6 =	simm.s32 @!p1 $0x1082;
	[sflag:s4] =	ssyncset.s32 $0xFFFFF086  }
0x25: {  	[simem:s6], [sflag:s4] =	dma.local [hbm:s3], $0xF7A  }
0x26: {  	[smem:$0x3F96] =	sst s1;
	(tag) =	ssettag s2;
	_ =	strace s9  }
0x27: {  	s1 =	sld [smem:$0x3FA6]  }
0x28: {  	s2 =	sld [smem:$0x3FA7]  }
0x29: {  	s4 =	sld [smem:$0x3FA9]  }
0x2a: {  	p0 =	seq.s32 s5, $0x0;
	s5 =	sld [smem:$0x3FAA]  }
0x2b: {  	s6 =	sld [smem:$0x3FAB]  }
0x2c: {  	s7 =	sld [smem:$0x3FAC]  }
0x2d: {  	s3 =	simm.s32 $0x108;
	s8 =	sld [smem:$0x3FAD]  }
0x2e: {  	s3 =	simm.s32 @!p0 $0x1082;
	s9 =	sld [smem:$0x3FAE]  }
0x2f: {  	lr =	sadd.s32 s0, s3;
	s0 =	sld [smem:$0x3FA5]  }
0x30: {  	s3 =	sld [smem:$0x3FA8]  }
0x31: {  	[smem:$0x3FB1] =	sst s10  }
0x32: {  	s10 =	sld [smem:$0x3FAF];
	_ =	sdelay $0x3  }
0x33: {  	p0 =	seq.s32 s10, $0x1;
	s10 =	sld [smem:$0x3FB1];
	_ =	sdelay $0x3  }
0x34: {  	[smem:$0x3FB1] =	sst s10  }
0x35: {  	s10 =	sld [smem:$0x3FB0];
	_ =	sdelay $0x3  }
0x36: {  	p1 =	seq.s32 s10, $0x1;
	s10 =	sld [smem:$0x3FB1];
	_ =	sdelay $0x3  }
0x37: {  	[smem:$0x3FB1] =	sst s10  }
0x38: {  	s10 =	sld [smem:$0x3FB2]  }
0x39: {  	_ = 	snop;
	(pc) =	sbr.ind lr, $3  }
0x3a: {  	_ = 	snop  }
0x3b: {  	_ = 	snop  }
0x3c: {  	p2 =	seq.s32 s10, $0x1;
	s10 =	sld [smem:$0x3FB1]  }
0x3d: {  	_ =	shalt  }
0x3e: {  	_ =	shalt  }
0x3f: {  	_ =	shalt  }
0x40: {  	_ =	shalt  }
0x41: {  	_ =	shalt  }
0x42: {  	_ =	shalt  }
0x43: {  	_ =	shalt  }
0x44: {  	_ =	shalt  }
0x45: {  	_ =	shalt  }
0x46: {  	_ =	shalt  }
0x47: {  	_ =	shalt  }
0x48: {  	_ =	shalt  }
0x49: {  	_ =	shalt  }
0x4a: {  	_ =	shalt  }
0x4b: {  	_ =	shalt  }
0x4c: {  	_ =	shalt  }
0x4d: {  	_ =	shalt  }
0x4e: {  	_ =	shalt  }
0x4f: {  	_ =	shalt  }
0x50: {  	_ =	shalt  }
0x51: {  	_ =	shalt  }
0x52: {  	_ =	shalt  }
0x53: {  	_ =	shalt  }
0x54: {  	_ =	shalt  }
0x55: {  	_ =	shalt  }
0x56: {  	_ =	shalt  }
0x57: {  	_ =	shalt  }
0x58: {  	_ =	shalt  }
0x59: {  	_ =	shalt  }
0x5a: {  	_ =	shalt  }
0x5b: {  	_ =	shalt  }
0x5c: {  	_ =	shalt  }
0x5d: {  	_ =	shalt  }
0x5e: {  	_ =	shalt  }
0x5f: {  	_ =	shalt  }
0x60: {  	_ =	shalt  }
0x61: {  	_ =	shalt  }
0x62: {  	_ =	shalt  }
0x63: {  	_ =	shalt  }
0x64: {  	_ =	shalt  }
0x65: {  	_ =	shalt  }
0x66: {  	_ =	shalt  }
0x67: {  	_ =	shalt  }
0x68: {  	_ =	shalt  }
0x69: {  	_ =	shalt  }
0x6a: {  	_ =	shalt  }
0x6b: {  	_ =	shalt  }
0x6c: {  	_ =	shalt  }
0x6d: {  	_ =	shalt  }
0x6e: {  	_ =	shalt  }
0x6f: {  	_ =	shalt  }
0x70: {  	_ =	shalt  }
0x71: {  	_ =	shalt  }
0x72: {  	_ =	shalt  }
0x73: {  	_ =	shalt  }
0x74: {  	_ =	shalt  }
0x75: {  	_ =	shalt  }
0x76: {  	_ =	shalt  }
0x77: {  	_ =	shalt  }
0x78: {  	_ =	shalt  }
0x79: {  	_ =	shalt  }
0x7a: {  	_ =	shalt  }
0x7b: {  	_ =	shalt  }
0x7c: {  	_ =	shalt  }
0x7d: {  	_ =	shalt  }
0x7e: {  	_ =	shalt  }
0x7f: {  	_ =	shalt  }
0x80: {  	_ =	shalt  }
0x81: {  	_ =	shalt  }
0x82: {  	_ =	shalt  }
0x83: {  	_ =	shalt  }
0x84: {  	_ =	shalt  }
0x85: {  	_ =	shalt  }
0x86: {  	_ =	shalt  }
0x87: {  	_ =	shalt  }
.Lfunc_end0:
.L_simem_size_0:
called_computation_lowered:
.L_overlay_start_0:
0x88: {  	s2 =	sld [smem:$0x3FD9]  }
0x89: {  	s3 =	sld [smem:$0x3FFE];
	_ =	sdelay $0x1  }
0x8a: {  	s1 =	srdreg.scid  }
0x8b: {  	s0 =	sand.u32 $0x1, s1  }
0x8c: {  	s17 =	sshll.u32 s0, $0xA;
	s2 =	sadd.s32 s3, s2  }
0x8d: {  	s2 =	sadd.s32 s2, s17  }
0x8e: {  	[smem:$0x3FBD] =	sst s2  }
0x8f: {  	_ = 	snop  }
0x90: {  	s2 =	sld [smem:$0x3FC9];
	(tm) =	ssettm $0x1  }
0x91: {  	s18 =	sld [smem:$0x3FFB];
	_ =	sdelay $0x3  }
0x92: {  	_ =	strace s18  }
0x93: {  	s3 =	sld [smem:$0x3FFC];
	_ =	sdelay $0x3  }
0x94: {  	_ =	strace s3  }
0x95: {  	s3 =	sld [smem:$0x3FFD];
	_ =	sdelay $0x3  }
0x96: {  	_ =	strace s3  }
0x97: {  	_ =	strace $0x8FFFFFFF  }
0x98: {  	s19 =	sld [smem:$0x3FDB];
	_ =	sdelay $0x1  }
0x99: {  	s4 =	simm.s32 $_scs_section_size  }
0x9a: {  	s5 =	simm.s32 $_size__tile_overlayer_lowered;
	s6 =	simm.s32 $_tile_overlayer_lowered  }
0x9b: {  	s22 =	simm.s32 $0x1BFF;
	s21 =	sshll.u32 s6, $0x1;
	s3 =	sadd.s32 s4, s19  }
0x9c: {  	s7 =	simm.s32 $0x0;
	s20 =	sshll.u32 s5, $0x1;
	s5 =	sadd.s32 s21, s3  }
0x9d: {  	[timem:s7], [sflag:s22] =	dma.local [hbm:s5], s20  }
0x9e: {  	_ =	swait.ge [sflag:s22], s20  }
0x9f: {  	s4 =	ssub.s32 $0x0, s20;
	[sflag:s22] =	ssyncset.done $0x0  }
0xa0: {  	[sflag:s22] =	ssyncadd.s32 s4;
	_ =	sdelay $0x1  }
0xa1: {  	s23 =	simm.s32 $0x1B8B  }
0xa2: {  	_ =	swait.ge [sflag:s23], $0x1  }
0xa3: {  	[sflag:s23] =	ssyncset.done $0x0  }
0xa4: {  	s25 =	simm.s32 $0x1B8E;
	s24 =	sld [smem:$0x3FFE];
	[sflag:s23] =	ssyncadd.s32 $0xFFFFFFFF  }
0xa5: {  	s26 =	simm.s32 $execute0_lowered;
	[smem:$0x3FD2] =	sst s25  }
0xa6: {  	s5 =	sshll.u32 s26, $0x1;
	_ =	strace $0x80000046;
	[dreg:$0x1] =	wrdreg $0xFFFFFFFF  }
0xa7: {  	s28 =	simm.s32 $_size_execute0_lowered;
	s3 =	sadd.s32 s3, s5;
	[dreg:$0x0] =	wrdreg $0x0  }
0xa8: {  	s5 =	sshll.u32 s28, $0x1;
	[dreg:$0x2] =	wrdreg s3  }
0xa9: {  	[dreg:$0x3] =	wrdreg s5  }
0xaa: {  	[dreg:$0x4] =	wrdreg $0xC0  }
0xab: {  	_ =	task [dreg:s7], $0x5FFFF  }
0xac: {  	[dreg:$0x1] =	wrdreg $0xFFFFFFFF  }
0xad: {  	[dreg:$0x0] =	wrdreg $0x60  }
0xae: {  	[dreg:$0x2] =	wrdreg s2  }
0xaf: {  	[dreg:$0x3] =	wrdreg s24  }
0xb0: {  	[dreg:$0x4] =	wrdreg $0xB7800  }
0xb1: {  	[dreg:$0x5] =	wrdreg $0x9  }
0xb2: {  	_ =	task.clear_ibuf [dreg:s7], $0x6FFFF;
	_ =	strace $0x90000046  }
0xb3: {  	s29 =	simm.s32 $0x9;
	_ =	strace $0x80000048  }
0xb4: {  	_ =	swait.ge [sflag:s29], $0x1  }
0xb5: {  	[sflag:s29] =	ssyncadd.s32 $0xFFFFFFFF  }
0xb6: {  	_ =	strace $0x90000048  }
0xb7: {  	_ =	sfence  }
0xb8: {  	s30 =	sld [smem:$0x0];
	_ =	sdelay $0x2  }
0xb9: {  	s31 =	sshll.u32 s1, $0xD;
	s1 =	sshrl.u32 s1, $0x2  }
0xba: {  	s3 =	sand.u32 $0x4000, s31;
	s1 =	sadd.s32 s1, s30  }
0xbb: {  	s0 =	sor.u32 s3, s0;
	s1 =	sshll.u32 s1, $0x11  }
0xbc: {  	s0 =	sor.u32 s1, s0  }
0xbd: {  	s0 =	sadd.s32 $0x8F2B, s0  }
0xbe: {  	[sflag:s0] =	ssyncadd.remote.s32 $0x1  }
0xbf: {  	_ =	sfence.sel $0xFFFF  }
0xc0: {  	[dreg:$0x0] =	wrdreg $0xFFFFFFFF;
	(pc) =	sbr.abs _section_cstart, $3  }
0xc1: {  	[dreg:$0x1] =	wrdreg $0xFFFFFFFF  }
0xc2: {  	_ =	task.clear_ibuf [dreg:s7], $0x2FFFF;
	_ =	strace $0x9FFFFFFF  }
0xc3: {  	(tm) =	ssettm $0x7FFFFFFF  }
tec
execute0_lowered:
.L_overlay_start_1:
0x0: {  	(tag) =	ssettag $0x1  }
0x1: {  	s0 =	srdreg.scid;
	s7 =	rddreg [dreg:$0x1]  }
0x2: {  	s3 =	rddreg [dreg:$0x2];
	s25 =	simm.s32 $0x0;
	s17 =	simm.s32 $0x80  }
0x3: {  	s18 =	simm.s32 $0x400;
	s19 =	simm.s32 $0x4000;
	s20 =	simm.s32 $0x6780  }
0x4: {  	s21 =	simm.s32 $0x4;
	s22 =	simm.s32 $0x1;
	s23 =	simm.s32 $0x50  }
0x5: {  	s28 =	simm.s32 $0x3E00;
	s5 =	sand.u32 $0x1, s0;
	s0 =	stileid.u32  }
0x6: {  	s29 =	simm.s32 $0x0;
	[smem:$0x7FF] =	sst s25;
	s26 =	smul.u32 $0x2800, s0  }
0x7: {  	s25 =	simm.s32 $0x2;
	s1 =	sshll.u32 s5, $0x4;
	s10 =	smul.u32 $0x28000, s5  }
0x8: {  	s24 =	sshll.u32 s0, $0x7;
	s5 =	ssub.s32 $0x2, s5;
	s11 =	smul.u32 $0x50000, s0  }
0x9: {  	s6 =	sor.u32 s0, s1;
	s1 =	rddreg [dreg:$0x0];
	s9 =	sand.u32 $0x380, s24  }
0xa: {  	_ =	strace $0x80000047;
	s30 =	sshrl.u32 s5, $0x1;
	s2 =	sshrl.u32 s6, $0x3  }
0xb: {  	s24 =	simm.s32 $0x8F80;
	s6 =	sshll.u32 s6, $0xB;
	s8 =	smul.u32 $0x13C00, s2  }
0xc: {  	s16 =	ssub.s32 s5, s30;
	s31 =	sshrl.u32 s11, $0x2;
	s6 =	sadd.s32 s6, s7  }
0xd: {  	s16 =	smax.u32 s16, $0x1;
	s5 =	sadd.s32 $0x3800, s6;
	s8 =	sor.u32 s9, s8  }
0xe: {  	s9 =	sadd.s32 s26, s10;
	s26 =	simm.s32 $0x3;
	s8 =	sshrl.u32 s8, $0x3  }
0xf: {  	s15 =	sadd.s32 s9, s7;
	s8 =	sadd.s32 s8, s7;
	s7 =	sadd.s32 s31, s3  }
0x10: {  	s15 =	sadd.s32 $0x1D600, s15;
	s6 =	sadd.s32 $0x13800, s8;
	s8 =	sadd.s32 $0x2800, s7  }
0x11: {  	s9 =	sadd.s32 $0x5000, s7;
	s10 =	sadd.s32 $0x7800, s7;
	s11 =	sadd.s32 $0xA000, s7  }
0x12: {  	v0 =	vimm.f32 $0.0e+00;
	s12 =	sadd.s32 $0xC800, s7;
	s13 =	sadd.s32 $0xF000, s7;
	s14 =	sadd.s32 $0x11800, s7  }
.LBB2_1:
0x13: {  	s2 =	simm.s32 $0x0  }
0x14: {  	[tilespmem:s2], [sflag:$0x1] =	stream.linear.gather [hbm4b:s5+s2], $0x3E80, $0x38;
	[tilespmem:$0x1F780] =	vst v63  }
0x15: {  	s30 =	simm.s32 $0x0;
	s31 =	simm.s32 $0x200  }
0x16: {  	[tilespmem:s19], [sflag:$0x1] =	stream.strided.gather [hbm4b:s6+s17], $0x2780, s18, s17, $0x38;
	[tilespmem:$0x1F780] =	vst v63  }
.LBB2_2:
0x17: {  	p0 =	sne.s32 s31, $0x9E00;
	[tilespmem:s30+$0x67F0] =	vst v0  }
0x18: {  	[tilespmem:s30+$0x6780] =	vst v0  }
0x19: {  	[tilespmem:s30+$0x6790] =	vst v0  }
.Ltmp0:
0x1a: {  	[tilespmem:s30+$0x67A0] =	vst v0;
	(pc) =	sbr.rel @p0 .LBB2_2-.Ltmp0, $4  }
0x1b: {  	[tilespmem:s30+$0x67B0] =	vst v0  }
0x1c: {  	[tilespmem:s30+$0x67C0] =	vst v0  }
0x1d: {  	[tilespmem:s30+$0x67D0] =	vst v0  }
0x1e: {  	[tilespmem:s30+$0x67E0] =	vst v0;
	s30 =	sshra.s32 s31, $0x2;
	s31 =	sadd.s32 $0x200, s31  }
0x1f: {  	[tilespmem:s30+$0x67F0] =	vst v0  }
0x20: {  	[tilespmem:s30+$0x6780] =	vst v0  }
0x21: {  	[tilespmem:s30+$0x6790] =	vst v0  }
0x22: {  	[tilespmem:s30+$0x67A0] =	vst v0  }
0x23: {  	[tilespmem:s30+$0x67B0] =	vst v0  }
0x24: {  	[tilespmem:s30+$0x67C0] =	vst v0  }
0x25: {  	[tilespmem:s30+$0x67D0] =	vst v0  }
0x26: {  	[tilespmem:s30+$0x67E0] =	vst v0  }
0x27: {  	[spmem:s7] =	stream.linear.scatter [tilespmem:s20], [sflag:$0x4], $0x2800, $0x38;
	[tilespmem:$0x1F780] =	vst v63  }
0x28: {  	_ =	swait.ge [sflag:s21], $0x2800  }
0x29: {  	[sflag:s21] =	ssyncset.done $0x0  }
0x2a: {  	[sflag:s21] =	ssyncadd.s32 $0xFFFFD800  }
0x2b: {  	[spmem:s8] =	stream.linear.scatter [tilespmem:s20], [sflag:$0x4], $0x2800, $0x38;
	[tilespmem:$0x1F780] =	vst v63  }
0x2c: {  	_ =	swait.ge [sflag:s21], $0x2800  }
0x2d: {  	[sflag:s21] =	ssyncset.done $0x0  }
0x2e: {  	[sflag:s21] =	ssyncadd.s32 $0xFFFFD800  }
0x2f: {  	[spmem:s9] =	stream.linear.scatter [tilespmem:s20], [sflag:$0x4], $0x2800, $0x38;
	[tilespmem:$0x1F780] =	vst v63  }
0x30: {  	_ =	swait.ge [sflag:s21], $0x2800  }
0x31: {  	[sflag:s21] =	ssyncset.done $0x0  }
0x32: {  	[sflag:s21] =	ssyncadd.s32 $0xFFFFD800  }
0x33: {  	[spmem:s10] =	stream.linear.scatter [tilespmem:s20], [sflag:$0x4], $0x2800, $0x38;
	[tilespmem:$0x1F780] =	vst v63  }
0x34: {  	_ =	swait.ge [sflag:s21], $0x2800  }
0x35: {  	[sflag:s21] =	ssyncset.done $0x0  }
0x36: {  	[sflag:s21] =	ssyncadd.s32 $0xFFFFD800  }
0x37: {  	[spmem:s11] =	stream.linear.scatter [tilespmem:s20], [sflag:$0x4], $0x2800, $0x38;
	[tilespmem:$0x1F780] =	vst v63  }
0x38: {  	_ =	swait.ge [sflag:s21], $0x2800  }
0x39: {  	[sflag:s21] =	ssyncset.done $0x0  }
0x3a: {  	[sflag:s21] =	ssyncadd.s32 $0xFFFFD800  }
0x3b: {  	[spmem:s12] =	stream.linear.scatter [tilespmem:s20], [sflag:$0x4], $0x2800, $0x38;
	[tilespmem:$0x1F780] =	vst v63  }
0x3c: {  	_ =	swait.ge [sflag:s21], $0x2800  }
0x3d: {  	[sflag:s21] =	ssyncset.done $0x0  }
0x3e: {  	[sflag:s21] =	ssyncadd.s32 $0xFFFFD800  }
0x3f: {  	[spmem:s13] =	stream.linear.scatter [tilespmem:s20], [sflag:$0x4], $0x2800, $0x38;
	[tilespmem:$0x1F780] =	vst v63  }
0x40: {  	_ =	swait.ge [sflag:s21], $0x2800  }
0x41: {  	[sflag:s21] =	ssyncset.done $0x0  }
0x42: {  	[sflag:s21] =	ssyncadd.s32 $0xFFFFD800  }
0x43: {  	[spmem:s14] =	stream.linear.scatter [tilespmem:s20], [sflag:$0x4], $0x2800, $0x38;
	[tilespmem:$0x1F780] =	vst v63  }
0x44: {  	_ =	swait.ge [sflag:s21], $0x2800  }
0x45: {  	[sflag:s21] =	ssyncset.done $0x0  }
0x46: {  	[sflag:s21] =	ssyncadd.s32 $0xFFFFD800  }
0x47: {  	_ =	swait.ge [sflag:s22], $0x3E80  }
0x48: {  	[sflag:s22] =	ssyncset.done $0x0  }
0x49: {  	[sflag:s22] =	ssyncadd.s32 $0xFFFFC180  }
0x4a: {  	_ =	swait.ge [sflag:s22], $0x2780  }
0x4b: {  	[sflag:s22] =	ssyncset.done $0x0  }
0x4c: {  	[sflag:s22] =	ssyncadd.s32 $0xFFFFD880  }
0x4d: {  	[bflag:$0x0] =	sbarrier.arrive $0xFFFF  }
0x4e: {  	[tilespmem:s20], [sflag:$0x2] =	stream.indirect.gather [hbm4b:s1+s23], $0x80, s19, s23, $0xb8;
	[tilespmem:$0x1F780] =	vst v63  }
0x4f: {  	s30 =	simm.s32 $0x4050  }
0x50: {  	[tilespmem:s24], [sflag:$0x3] =	stream.indirect.gather [hbm4b:s1+s23], $0x80, s30, s23, $0xb8;
	[tilespmem:$0x1F780] =	vst v63  }
0x51: {  	_ =	swait.ge [sflag:s25], $0x2800  }
0x52: {  	[sflag:s25] =	ssyncset.done $0x0  }
0x53: {  	s31 =	simm.s32 $0x0;
	[sflag:s25] =	ssyncadd.s32 $0xFFFFD800  }
0x54: {  	[spmem:s3] =	stream.indirect.scatter.add.f32 [tilespmem:s20], [sflag:$0x4], $0x80, s31, s23, $0xb8;
	[tilespmem:$0x1F780] =	vst v63  }
0x55: {  	_ =	swait.ge [sflag:s21], $0x2800  }
0x56: {  	[sflag:s21] =	ssyncset.done $0x0  }
0x57: {  	s31 =	simm.s32 $0x40A0;
	[sflag:s21] =	ssyncadd.s32 $0xFFFFD800  }
0x58: {  	[tilespmem:s20], [sflag:$0x2] =	stream.indirect.gather [hbm4b:s1+s23], $0x80, s31, s23, $0xb8;
	[tilespmem:$0x1F780] =	vst v63  }
0x59: {  	_ =	swait.ge [sflag:s26], $0x2800  }
0x5a: {  	[sflag:s26] =	ssyncset.done $0x0  }
0x5b: {  	s31 =	simm.s32 $0x80;
	[sflag:s26] =	ssyncadd.s32 $0xFFFFD800  }
0x5c: {  	[spmem:s3] =	stream.indirect.scatter.add.f32 [tilespmem:s24], [sflag:$0x4], $0x80, s31, s23, $0xb8;
	[tilespmem:$0x1F780] =	vst v63  }
0x5d: {  	_ =	swait.ge [sflag:s21], $0x2800  }
0x5e: {  	s31 =	simm.s32 $0x400;
	[sflag:s21] =	ssyncset.done $0x0  }
.LBB2_4:
0x5f: {  	p0 =	sne.s32 s31, $0xF400;
	[sflag:s21] =	ssyncadd.s32 $0xFFFFD800;
	s30 =	sadd.s32 $0xA0, s30  }
0x60: {  	[tilespmem:s24], [sflag:$0x3] =	stream.indirect.gather [hbm4b:s1+s23], $0x80, s30, s23, $0xb8;
	[tilespmem:$0x1F780] =	vst v63  }
0x61: {  	s2 =	smov.u32 s31;
	s31 =	sadd.s32 $0x400, s31;
	_ =	swait.ge [sflag:s25], $0x2800  }
0x62: {  	[sflag:s25] =	ssyncset.done $0x0  }
0x63: {  	s2 =	sshra.s32 s2, $0x2;
	[sflag:s25] =	ssyncadd.s32 $0xFFFFD800  }
0x64: {  	[spmem:s3] =	stream.indirect.scatter.add.f32 [tilespmem:s20], [sflag:$0x4], $0x80, s2, s23, $0xb8;
	[tilespmem:$0x1F780] =	vst v63  }
0x65: {  	_ =	swait.ge [sflag:s21], $0x2800  }
0x66: {  	[sflag:s21] =	ssyncset.done $0x0  }
0x67: {  	s4 =	sadd.s32 $0x50, s30;
	[sflag:s21] =	ssyncadd.s32 $0xFFFFD800  }
0x68: {  	[tilespmem:s20], [sflag:$0x2] =	stream.indirect.gather [hbm4b:s1+s23], $0x80, s4, s23, $0xb8;
	[tilespmem:$0x1F780] =	vst v63  }
0x69: {  	_ =	swait.ge [sflag:s26], $0x2800  }
.Ltmp1:
0x6a: {  	[sflag:s26] =	ssyncset.done $0x0;
	(pc) =	sbr.rel @p0 .LBB2_4-.Ltmp1, $4  }
0x6b: {  	s2 =	sadd.s32 $0x80, s2;
	[sflag:s26] =	ssyncadd.s32 $0xFFFFD800  }
0x6c: {  	[spmem:s3] =	stream.indirect.scatter.add.f32 [tilespmem:s24], [sflag:$0x4], $0x80, s2, s23, $0xb8;
	[tilespmem:$0x1F780] =	vst v63  }
0x6d: {  	_ =	swait.ge [sflag:s21], $0x2800  }
0x6e: {  	[sflag:s21] =	ssyncset.done $0x0  }
0x6f: {  	[sflag:s21] =	ssyncadd.s32 $0xFFFFD800  }
0x70: {  	_ =	swait.ge [sflag:s25], $0x2800  }
0x71: {  	[sflag:s25] =	ssyncset.done $0x0  }
0x72: {  	[sflag:s25] =	ssyncadd.s32 $0xFFFFD800  }
0x73: {  	[spmem:s3] =	stream.indirect.scatter.add.f32 [tilespmem:s20], [sflag:$0x4], $0x80, s28, s23, $0xb8;
	[tilespmem:$0x1F780] =	vst v63  }
0x74: {  	_ =	swait.ge [sflag:s21], $0x2800  }
0x75: {  	s2 =	sshll.u32 s0, $0x6;
	s29 =	sadd.s32 $0x1, s29;
	[sflag:s21] =	ssyncset.done $0x0  }
0x76: {  	s4 =	sshrl.u32 s7, $0x3;
	p0 =	sne.s32 s29, s16;
	[sflag:s21] =	ssyncadd.s32 $0xFFFFD800  }
.Ltmp2:
0x77: {  	s2 =	sor.u32 $0x1C04, s2;
	[bflag:$0x0] =	sbarrier.arrive $0xFFFF;
	(pc) =	sbr.rel @p0 .LBB2_1-.Ltmp2, $4  }
0x78: {  	[hbm:s15], [sflag:s2] =	dma.local [spmem:s4], $0x2800  }
0x79: {  	_ =	swait.ge [sflag:s21], $0x2800  }
0x7a: {  	[sflag:s21] =	ssyncset.done $0x0  }
0x7b: {  	[sflag:s21] =	ssyncadd.s32 $0xFFFFD800  }
0x7c: {  	_ =	sfence.sel $0x180000  }
0x7d: {  	[bflag:$0x0] =	sbarrier.arrive $0xFFFF  }
0x7e: {  	_ =	strace $0x90000047  }
0x7f: {  	[bflag:$0x2] =	sbarrier.arrive $0xFFFF  }
0x80: {  	p0 =	sne.s32 s0, $0x0;
	s0 =	rddreg [dreg:$0x3]  }
0x81: {  	s0 =	sadd.s32 @!p0 $0x100000, s0  }
0x82: {  	[sflag:s0] =	ssyncadd.tile.s32 @!p0 $0x1;
	_ =	shalt  }
.Lfunc_end2:
_tile_overlayer_lowered:
.L_overlay_start_2:
0x83: {  	(tag) =	ssettag $0x2  }
0x84: {  	s0 =	rddreg [dreg:$0x0];
	s2 =	stileid.u32  }
0x85: {  	s1 =	rddreg [dreg:$0x1];
	p0 =	sne.s32 s2, $0x0  }
0x86: {  	s3 =	rddreg [dreg:$0x2];
	[bflag:$0x3] =	sbarrier.arrive $0xFFFF;
	s2 =	simm.s32 @!p0 $0x1C04  }
0x87: {  	[timem:s3], [sflag:s2] =	dma.local @!p0 [hbm:s0], s1  }
0x88: {  	s0 =	simm.s32 @!p0 $0x4  }
0x89: {  	_ =	swait.ge @!p0 [sflag:s0], s1  }
0x8a: {  	s1 =	ssub.s32 @!p0 $0x0, s1;
	[sflag:s0] =	ssyncset.done @!p0 $0x0  }
0x8b: {  	[sflag:s0] =	ssyncadd.s32 @!p0 s1  }
0x8c: {  	[bflag:$0x3] =	sbarrier.arrive $0xFFFF  }
0x8d: {  	_ =	shalt  }

</sc_bundles>
